<compile_context>
chip_gen: v7x
topology: tpu7x:2x2x1
jax: 0.10.2.dev20260603
libtpu: 0.0.44.dev20260713+nightly
codegen_flags: <defaults>
</compile_context>

<pallas_src>
import functools

import jax
import jax.numpy as jnp
import numpy as np
from jax import lax
from jax.experimental import pallas as pl
from jax.experimental.pallas import tpu as pltpu
from jax.experimental.pallas import tpu_sc as plsc

N_SRC = 10000
N_DST = 10000
E = 320000
D = 128
D_EDGE = 16
HEADS = 8
D_HEAD = 16
TW = 2 * D
TWW = TW // 2

NC, NS = 2, 16
NW = NC * NS
EH = E // 2
EPW = EH // NW
EPS = EH // NS

C1 = 80
T1 = EPW % C1
C2 = 80
ZC = 80
NZCH = N_DST // ZC


def _pack16(a, b):
    au = lax.bitcast_convert_type(a.astype(jnp.bfloat16), jnp.uint16)
    bu = lax.bitcast_convert_type(b.astype(jnp.bfloat16), jnp.uint16)
    word = au.astype(jnp.uint32) | (bu.astype(jnp.uint32) << 16)
    return lax.bitcast_convert_type(word, jnp.float32)


def _unpack16(w):
    word = lax.bitcast_convert_type(w, jnp.uint32)
    a = lax.bitcast_convert_type((word & 0xFFFF).astype(jnp.uint16),
                                 jnp.bfloat16)
    b = lax.bitcast_convert_type((word >> 16).astype(jnp.uint16),
                                 jnp.bfloat16)
    return a.astype(jnp.float32), b.astype(jnp.float32)


def _tables_body(xs_ref, xd_ref, wsk_ref, wsv_ref, wdk_ref, wdv_ref,
                 bk_ref, bv_ref, ts_ref, td_ref):
    xs = xs_ref[...]
    xd = xd_ref[...]
    ts_ref[...] = _pack16(
        jnp.dot(xs, wsk_ref[...], preferred_element_type=jnp.float32),
        jnp.dot(xs, wsv_ref[...], preferred_element_type=jnp.float32))
    td_ref[...] = _pack16(
        jnp.dot(xd, wdk_ref[...], preferred_element_type=jnp.float32)
        + bk_ref[...],
        jnp.dot(xd, wdv_ref[...], preferred_element_type=jnp.float32)
        + bv_ref[...])


def _tc_tables(x_src, x_dst, wsk, wsv, wdk, wdv, bk, bv):
    blk = 2000
    grid = (N_SRC // blk,)
    return pl.pallas_call(
        _tables_body,
        grid=grid,
        in_specs=[
            pl.BlockSpec((blk, D), lambda i: (i, 0)),
            pl.BlockSpec((blk, D), lambda i: (i, 0)),
            pl.BlockSpec((D, D), lambda i: (0, 0)),
            pl.BlockSpec((D, D), lambda i: (0, 0)),
            pl.BlockSpec((D, D), lambda i: (0, 0)),
            pl.BlockSpec((D, D), lambda i: (0, 0)),
            pl.BlockSpec((1, D), lambda i: (0, 0)),
            pl.BlockSpec((1, D), lambda i: (0, 0)),
        ],
        out_specs=[
            pl.BlockSpec((blk, TWW), lambda i: (i, 0)),
            pl.BlockSpec((blk, TWW), lambda i: (i, 0)),
        ],
        out_shape=[
            jax.ShapeDtypeStruct((N_SRC, TWW), jnp.float32),
            jax.ShapeDtypeStruct((N_DST, TWW), jnp.float32),
        ],
    )(x_src, x_dst, wsk, wsv, wdk, wdv, bk, bv)


def _sc_gather_body(ts_hbm, td_hbm, src_hbm, dst_hbm, gs_hbm, gd_hbm,
                    isa, ida, bs0, bd0, bs1, bd1,
                    semg0, semg1, semw0, semw1):
    wid = lax.axis_index("s") * NC + lax.axis_index("c")
    nch = EPW // C1
    base_w = wid * EPW
    pltpu.sync_copy(src_hbm.at[pl.ds(base_w, EPW)], isa)
    pltpu.sync_copy(dst_hbm.at[pl.ds(base_w, EPW)], ida)

    def start(i, bs, bd, semg):
        pltpu.async_copy(ts_hbm.at[isa.at[pl.ds(i * C1, C1)]], bs, semg)
        pltpu.async_copy(td_hbm.at[ida.at[pl.ds(i * C1, C1)]], bd, semg)

    def finish(i, bs, bd, semg, semw):
        pltpu.make_async_copy(
            ts_hbm.at[isa.at[pl.ds(i * C1, C1)]], bs, semg).wait()
        pltpu.make_async_copy(
            td_hbm.at[ida.at[pl.ds(i * C1, C1)]], bd, semg).wait()
        sl = pl.ds(base_w + i * C1, C1)
        pltpu.async_copy(bs, gs_hbm.at[sl], semw)
        pltpu.async_copy(bd, gd_hbm.at[sl], semw)

    def drain(i, bs, bd, semw):
        sl = pl.ds(base_w + i * C1, C1)
        pltpu.make_async_copy(bs, gs_hbm.at[sl], semw).wait()
        pltpu.make_async_copy(bd, gd_hbm.at[sl], semw).wait()

    def work(i, bsA, bdA, semgA, semwA, bsB, bdB, semgB, semwB):
        @pl.when(i >= 2)
        def _():
            drain(i - 2, bsA, bdA, semwA)

        start(i, bsA, bdA, semgA)

        @pl.when(i >= 1)
        def _():
            finish(i - 1, bsB, bdB, semgB, semwB)

    def body(i, _):
        @pl.when(i % 2 == 0)
        def _():
            work(i, bs0, bd0, semg0, semw0, bs1, bd1, semg1, semw1)

        @pl.when(i % 2 == 1)
        def _():
            work(i, bs1, bd1, semg1, semw1, bs0, bd0, semg0, semw0)

        return 0

    lax.fori_loop(0, nch, body, 0)
    if (nch - 1) % 2 == 0:
        finish(nch - 1, bs0, bd0, semg0, semw0)
        drain(nch - 2, bs1, bd1, semw1)
        drain(nch - 1, bs0, bd0, semw0)
    else:
        finish(nch - 1, bs1, bd1, semg1, semw1)
        drain(nch - 2, bs0, bd0, semw0)
        drain(nch - 1, bs1, bd1, semw1)
    if T1:
        t0 = nch * C1
        pltpu.async_copy(ts_hbm.at[isa.at[pl.ds(t0, T1)]],
                         bs0.at[pl.ds(0, T1)], semg0).wait()
        pltpu.async_copy(td_hbm.at[ida.at[pl.ds(t0, T1)]],
                         bd0.at[pl.ds(0, T1)], semg0).wait()
        pltpu.sync_copy(bs0.at[pl.ds(0, T1)], gs_hbm.at[pl.ds(base_w + t0, T1)])
        pltpu.sync_copy(bd0.at[pl.ds(0, T1)], gd_hbm.at[pl.ds(base_w + t0, T1)])


def _sc_gather(ts, td, src, dst):
    mesh = plsc.VectorSubcoreMesh(core_axis_name="c", subcore_axis_name="s")
    f = functools.partial(
        pl.kernel,
        mesh=mesh,
        out_type=[
            jax.ShapeDtypeStruct((EH, TWW), jnp.float32),
            jax.ShapeDtypeStruct((EH, TWW), jnp.float32),
        ],
        scratch_types=[
            pltpu.VMEM((EPW,), jnp.int32),
            pltpu.VMEM((EPW,), jnp.int32),
            pltpu.VMEM((C1, TWW), jnp.float32),
            pltpu.VMEM((C1, TWW), jnp.float32),
            pltpu.VMEM((C1, TWW), jnp.float32),
            pltpu.VMEM((C1, TWW), jnp.float32),
            pltpu.SemaphoreType.DMA,
            pltpu.SemaphoreType.DMA,
            pltpu.SemaphoreType.DMA,
            pltpu.SemaphoreType.DMA,
        ],
    )(_sc_gather_body)
    return f(ts, td, src, dst)


def _edge_body(gs_ref, gd_ref, ea_ref, wke_ref, wve_ref, qk_ref, ck_ref,
               wv1_ref, bv1_ref, rep_ref, mn_ref, ex_ref):
    ea = ea_ref[...]
    ks, vs = _unpack16(gs_ref[...])
    kd, vd = _unpack16(gd_ref[...])
    h0k = jnp.maximum(
        ks + kd
        + jnp.dot(ea, wke_ref[...], preferred_element_type=jnp.float32), 0.0)
    coef = jnp.dot(h0k, qk_ref[...],
                   preferred_element_type=jnp.float32) + ck_ref[...]
    ex = jnp.exp(coef)
    h0v = jnp.maximum(
        vs + vd
        + jnp.dot(ea, wve_ref[...], preferred_element_type=jnp.float32), 0.0)
    v1 = jnp.dot(h0v, wv1_ref[...],
                 preferred_element_type=jnp.float32) + bv1_ref[...] + h0v
    exw = jnp.dot(ex, rep_ref[...],
                  preferred_element_type=jnp.float32)
    mn_ref[...] = exw * v1
    ex_ref[...] = ex


def _tc_edges(gs, gd, ea, wke, wve, qk, ck, wv1, bv1, rep):
    blk = 4000
    grid = (EH // blk,)
    return pl.pallas_call(
        _edge_body,
        grid=grid,
        in_specs=[
            pl.BlockSpec((blk, TWW), lambda i: (i, 0)),
            pl.BlockSpec((blk, TWW), lambda i: (i, 0)),
            pl.BlockSpec((blk, D_EDGE), lambda i: (i, 0)),
            pl.BlockSpec((D_EDGE, D), lambda i: (0, 0)),
            pl.BlockSpec((D_EDGE, D), lambda i: (0, 0)),
            pl.BlockSpec((D, HEADS), lambda i: (0, 0)),
            pl.BlockSpec((1, HEADS), lambda i: (0, 0)),
            pl.BlockSpec((D, D), lambda i: (0, 0)),
            pl.BlockSpec((1, D), lambda i: (0, 0)),
            pl.BlockSpec((HEADS, D), lambda i: (0, 0)),
        ],
        out_specs=[
            pl.BlockSpec((blk, D), lambda i: (i, 0)),
            pl.BlockSpec((blk, HEADS), lambda i: (i, 0)),
        ],
        out_shape=[
            jax.ShapeDtypeStruct((EH, D), jnp.float32),
            jax.ShapeDtypeStruct((EH, HEADS), jnp.float32),
        ],
    )(gs, gd, ea, wke, wve, qk, ck, wv1, bv1, rep)


def _sc_scatter_body(mn_hbm, ex_hbm, dst2_hbm, z_hbm, out_hbm,
                     idx2, rows0, exb0, rows1, exb1,
                     semm0, semm1, sema0, sema1, acc):
    c = lax.axis_index("c")
    s = lax.axis_index("s")
    nch = EPS // C2

    pltpu.sync_copy(dst2_hbm.at[s], idx2)
    pltpu.sync_copy(z_hbm, rows0)
    pltpu.sync_copy(z_hbm, rows1)

    def zinit(j, _):
        @pl.when(j % NS == s)
        def _():
            pltpu.sync_copy(rows0, acc.at[pl.ds(j * ZC, ZC)])
        return 0

    lax.fori_loop(0, NZCH, zinit, 0)
    plsc.subcore_barrier()

    low = lax.iota(jnp.int32, 16) < HEADS

    def start(i, rows, exb, semm):
        base = s * EPS + i * C2

        @pl.when(c == 0)
        def _():
            pltpu.async_copy(mn_hbm.at[pl.ds(base, C2)], rows, semm)

        @pl.when(c == 1)
        def _():
            pltpu.async_copy(ex_hbm.at[pl.ds(base * HEADS, C2 * HEADS)],
                             exb.at[pl.ds(0, C2 * HEADS)], semm)

    def finish(i, rows, exb, semm, sema):
        base = s * EPS + i * C2

        @pl.when(c == 0)
        def _():
            pltpu.make_async_copy(
                mn_hbm.at[pl.ds(base, C2)], rows, semm).wait()

        @pl.when(c == 1)
        def _():
            pltpu.make_async_copy(
                ex_hbm.at[pl.ds(base * HEADS, C2 * HEADS)],
                exb.at[pl.ds(0, C2 * HEADS)], semm).wait()

            def expand(r, _):
                vec = jnp.where(low, exb[pl.ds(r * HEADS, 16)], 0.0)
                rows[r, pl.ds(0, 16)] = vec
                return 0

            lax.fori_loop(0, C2, expand, 0)

        pltpu.async_copy(rows, acc.at[idx2.at[i]], sema, add=True)

    def drain(i, rows, sema):
        pltpu.make_async_copy(rows, acc.at[idx2.at[i]], sema).wait()

    def work(i, rowsA, exbA, semmA, semaA, rowsB, exbB, semmB, semaB):
        @pl.when(i >= 2)
        def _():
            drain(i - 2, rowsA, semaA)

        start(i, rowsA, exbA, semmA)

        @pl.when(i >= 1)
        def _():
            finish(i - 1, rowsB, exbB, semmB, semaB)

    def body(i, _):
        @pl.when(i % 2 == 0)
        def _():
            work(i, rows0, exb0, semm0, sema0, rows1, exb1, semm1, sema1)

        @pl.when(i % 2 == 1)
        def _():
            work(i, rows1, exb1, semm1, sema1, rows0, exb0, semm0, sema0)

        return 0

    lax.fori_loop(0, nch, body, 0)
    if (nch - 1) % 2 == 0:
        finish(nch - 1, rows0, exb0, semm0, sema0)
        drain(nch - 2, rows1, sema1)
        drain(nch - 1, rows0, sema0)
    else:
        finish(nch - 1, rows1, exb1, semm1, sema1)
        drain(nch - 2, rows0, sema0)
        drain(nch - 1, rows1, sema1)
    plsc.subcore_barrier()

    def dump(j, _):
        @pl.when(j % NS == s)
        def _():
            r0 = j * ZC
            pltpu.sync_copy(acc.at[pl.ds(r0, ZC)], rows0)
            pltpu.sync_copy(rows0, out_hbm.at[pl.ds(c * N_DST + r0, ZC)])
        return 0

    lax.fori_loop(0, NZCH, dump, 0)


def _sc_scatter(mn, ex_flat, dst2, zeros):
    mesh = plsc.VectorSubcoreMesh(core_axis_name="c", subcore_axis_name="s")
    f = functools.partial(
        pl.kernel,
        mesh=mesh,
        out_type=jax.ShapeDtypeStruct((NC * N_DST, D), jnp.float32),
        scratch_types=[
            pltpu.VMEM((EPS // C2, C2), jnp.int32),
            pltpu.VMEM((C2, D), jnp.float32),
            pltpu.VMEM((C2 * HEADS + 16,), jnp.float32),
            pltpu.VMEM((C2, D), jnp.float32),
            pltpu.VMEM((C2 * HEADS + 16,), jnp.float32),
            pltpu.SemaphoreType.DMA,
            pltpu.SemaphoreType.DMA,
            pltpu.SemaphoreType.DMA,
            pltpu.SemaphoreType.DMA,
            pltpu.VMEM_SHARED((N_DST, D), jnp.float32),
        ],
    )(_sc_scatter_body)
    return f(mn, ex_flat, dst2, zeros)


def _update_body(p1n_ref, p1d_ref, p2n_ref, p2d_ref, w0_ref, b0_ref,
                 w1_ref, b1_ref, rep_ref, out_ref):
    num = p1n_ref[...] + p2n_ref[...]
    den = p1d_ref[:, :HEADS] + p2d_ref[:, :HEADS]
    denw = jnp.dot(den, rep_ref[...],
                   preferred_element_type=jnp.float32) + 1e-16
    h = jnp.maximum(num / denw, 0.0)
    y0 = jnp.maximum(
        jnp.dot(h, w0_ref[...], preferred_element_type=jnp.float32)
        + b0_ref[...] + h, 0.0)
    out_ref[...] = jnp.maximum(
        jnp.dot(y0, w1_ref[...], preferred_element_type=jnp.float32)
        + b1_ref[...] + y0, 0.0)


def _tc_update(p1, p2, w0, b0, w1, b1, rep):
    blk = 2000
    grid = (N_DST // blk,)
    nb = N_DST // blk
    return pl.pallas_call(
        _update_body,
        grid=grid,
        in_specs=[
            pl.BlockSpec((blk, D), lambda i: (i, 0)),
            pl.BlockSpec((blk, D), lambda i: (i + nb, 0)),
            pl.BlockSpec((blk, D), lambda i: (i, 0)),
            pl.BlockSpec((blk, D), lambda i: (i + nb, 0)),
            pl.BlockSpec((D, D), lambda i: (0, 0)),
            pl.BlockSpec((1, D), lambda i: (0, 0)),
            pl.BlockSpec((D, D), lambda i: (0, 0)),
            pl.BlockSpec((1, D), lambda i: (0, 0)),
            pl.BlockSpec((HEADS, D), lambda i: (0, 0)),
        ],
        out_specs=pl.BlockSpec((blk, D), lambda i: (i, 0)),
        out_shape=jax.ShapeDtypeStruct((N_DST, D), jnp.float32),
    )(p1, p1, p2, p2, w0, b0, w1, b1, rep)


def kernel(x_src, x_dst, edge_attr, edge_index, q, kW0, kb0, kW1, kb1,
           vW0, vb0, vW1, vb1, oW0, ob0, oW1, ob1):
    f32 = jnp.float32
    wke = kW0[2 * D:]
    wve = vW0[2 * D:]
    scale = np.float32(1.0 / np.sqrt(float(D_HEAD)))
    qflat = q.reshape(D)
    sel = (jnp.arange(D)[:, None] // D_HEAD
           == jnp.arange(HEADS)[None, :]).astype(f32)
    qk = scale * ((kW1 + jnp.eye(D, dtype=f32)) @ (qflat[:, None] * sel))
    ck = (scale * jnp.sum((kb1 * qflat).reshape(HEADS, D_HEAD), axis=1)
          ).reshape(1, HEADS)
    rep = sel.T

    src = edge_index[0].astype(jnp.int32)
    dst = edge_index[1].astype(jnp.int32)

    ts32, td32 = _tc_tables(x_src, x_dst, kW0[:D], vW0[:D],
                            kW0[D:2 * D], vW0[D:2 * D],
                            kb0.reshape(1, D), vb0.reshape(1, D))
    zeros = jnp.zeros((ZC, D), f32)
    ps = []
    for h in range(2):
        sl = slice(h * EH, (h + 1) * EH)
        gs32, gd32 = _sc_gather(ts32, td32, src[sl], dst[sl])
        mn, ex8 = _tc_edges(gs32, gd32, edge_attr[sl], wke, wve, qk, ck, vW1,
                            vb1.reshape(1, D), rep)
        ps.append(_sc_scatter(mn, ex8.reshape(EH * HEADS),
                               dst[sl].reshape(NS, EPS // C2, C2),
                               zeros))
    return _tc_update(ps[0], ps[1], oW0, ob0.reshape(1, D),
                      oW1, ob1.reshape(1, D), rep)

# --- scband reference (transcript-rebuilt; emitter-appended) ---
"""Pipeline reference for scband-attention-directed-bipartite-message-passing-48747878809763 (READ-ONLY COPY).

The authoritative reference and input builder live on the scoring server;
editing this copy changes nothing except your own understanding.
"""

import jax, jax.numpy as jnp
import numpy as np

N_SRC = 10000
N_DST = 10000
E = 320000
D_SRC = 128
D_DST = 128
D_EDGE = 16
OUT = 128
HEADS = 8
D_HEAD = OUT // HEADS
IN_DIM = D_SRC + D_DST + D_EDGE


def residual_stack(x, params, last_activation):
    # Stack of linear layers; residual connection when dims match;
    # ReLU after every layer except (optionally) the last.
    h = x
    n = len(params)
    for i, (W, b) in enumerate(params):
        y = h @ W + b
        if h.shape[-1] == y.shape[-1]:
            y = y + h
        if i < n - 1 or last_activation:
            y = jax.nn.relu(y)
        h = y
    return h


def setup_inputs(seed: int = 0) -> dict:
    key = jax.random.key(seed)
    ks = jax.random.split(key, 20)
    inp = {}
    inp['x_src'] = jax.random.normal(ks[0], (N_SRC, D_SRC), dtype=jnp.float32)
    inp['x_dst'] = jax.random.normal(ks[1], (N_DST, D_DST), dtype=jnp.float32)
    inp['edge_attr'] = jax.random.normal(ks[2], (E, D_EDGE), dtype=jnp.float32)
    inp['edge_index'] = jax.random.randint(ks[3], (2, E), 0, N_SRC, dtype=jnp.int64 if jax.config.jax_enable_x64 else jnp.int32)
    # learned parameters
    inp['q'] = jax.random.uniform(ks[4], (1, HEADS, D_HEAD), dtype=jnp.float32) * 0.1
    inp['kW0'] = jax.random.normal(ks[5], (IN_DIM, OUT), dtype=jnp.float32) * (1.0 / np.sqrt(IN_DIM))
    inp['kb0'] = jnp.zeros((OUT,), dtype=jnp.float32)
    inp['kW1'] = jax.random.normal(ks[6], (OUT, OUT), dtype=jnp.float32) * (1.0 / np.sqrt(OUT))
    inp['kb1'] = jnp.zeros((OUT,), dtype=jnp.float32)
    inp['vW0'] = jax.random.normal(ks[7], (IN_DIM, OUT), dtype=jnp.float32) * (1.0 / np.sqrt(IN_DIM))
    inp['vb0'] = jnp.zeros((OUT,), dtype=jnp.float32)
    inp['vW1'] = jax.random.normal(ks[8], (OUT, OUT), dtype=jnp.float32) * (1.0 / np.sqrt(OUT))
    inp['vb1'] = jnp.zeros((OUT,), dtype=jnp.float32)
    inp['oW0'] = jax.random.normal(ks[9], (OUT, OUT), dtype=jnp.float32) * (1.0 / np.sqrt(OUT))
    inp['ob0'] = jnp.zeros((OUT,), dtype=jnp.float32)
    inp['oW1'] = jax.random.normal(ks[10], (OUT, OUT), dtype=jnp.float32) * (1.0 / np.sqrt(OUT))
    inp['ob1'] = jnp.zeros((OUT,), dtype=jnp.float32)
    return inp


def reference(x_src, x_dst, edge_attr, edge_index, q, kW0, kb0, kW1, kb1, vW0, vb0, vW1, vb1, oW0, ob0, oW1, ob1):
    src = edge_index[0]
    dst = edge_index[1]
    # gather node features onto edges
    xs = jnp.take(x_src, src, axis=0)
    xd = jnp.take(x_dst, dst, axis=0)
    x = jnp.concatenate([xs, xd, edge_attr], axis=1)
    # message: per-edge attention
    k = residual_stack(x, [(kW0, kb0), (kW1, kb1)], last_activation=False).reshape(-1, HEADS, D_HEAD)
    v = residual_stack(x, [(vW0, vb0), (vW1, vb1)], last_activation=False).reshape(-1, HEADS, D_HEAD)
    coef = (1.0 / np.sqrt(float(D_HEAD))) * jnp.sum(q * k, axis=-1)  # [E, heads]
    # segment softmax over dst index (PyG softmax)
    seg_max = jax.ops.segment_max(coef, dst, num_segments=N_DST)
    shifted = coef - jnp.take(seg_max, dst, axis=0)
    ex = jnp.exp(shifted)
    denom = jax.ops.segment_sum(ex, dst, num_segments=N_DST)
    w = ex / (jnp.take(denom, dst, axis=0) + 1e-16)
    messages = (w[..., None] * v).reshape(-1, OUT)
    # aggregate: scatter-add per dst node
    aggr = jax.ops.segment_sum(messages, dst, num_segments=N_DST)
    # update
    out = residual_stack(jax.nn.relu(aggr), [(oW0, ob0), (oW1, ob1)], last_activation=True)
    return out

if __name__ == "__main__":
    import jax
    _d = setup_inputs()
    print(jax.jit(kernel)(*tuple(_d.values())))

</pallas_src>

<mosaic_0001>
#map = affine_map<(d0, d1) -> (0, 0)>
#map1 = affine_map<(d0, d1) -> (0)>
module attributes {stable_mosaic.version = 14 : i64} {
  func.func @_sc_gather_body(%arg0: i32, %arg1: i32, %arg2: memref<10000x128xf32, #tpu.memory_space<hbm>>, %arg3: memref<10000x128xf32, #tpu.memory_space<hbm>>, %arg4: memref<160000xi32, #tpu.memory_space<hbm>>, %arg5: memref<160000xi32, #tpu.memory_space<hbm>>, %arg6: memref<160000x128xf32, #tpu.memory_space<hbm>>, %arg7: memref<160000x128xf32, #tpu.memory_space<hbm>>, %arg8: memref<5000xi32, #tpu.memory_space<vmem>>, %arg9: memref<5000xi32, #tpu.memory_space<vmem>>, %arg10: memref<80x128xf32, #tpu.memory_space<vmem>>, %arg11: memref<80x128xf32, #tpu.memory_space<vmem>>, %arg12: memref<80x128xf32, #tpu.memory_space<vmem>>, %arg13: memref<80x128xf32, #tpu.memory_space<vmem>>, %arg14: memref<!tpu.dma_semaphore, #tpu.memory_space<semaphore_mem>>, %arg15: memref<!tpu.dma_semaphore, #tpu.memory_space<semaphore_mem>>, %arg16: memref<!tpu.dma_semaphore, #tpu.memory_space<semaphore_mem>>, %arg17: memref<!tpu.dma_semaphore, #tpu.memory_space<semaphore_mem>>) attributes {dimension_semantics = [#tpu.dimension_semantics<core_parallel>, #tpu.dimension_semantics<subcore_parallel>], iteration_bounds = array<i64: 2, 16>, scalar_prefetch = 0 : i64, scratch_operands = 10 : i64, tpu.core_type = #tpu.core_type<sc_vector_subcore>, window_params = [{transform_indices = #map}, {transform_indices = #map}, {transform_indices = #map1}, {transform_indices = #map1}, {transform_indices = #map}, {transform_indices = #map}]} {
    %mul3A = arith.constant 2 : i32
    %mul3A_0 = arith.muli %arg1, %mul3A : i32
    %add3A = arith.addi %mul3A_0, %arg0 : i32
    %mul3A_1 = arith.constant 5000 : i32
    %mul3A_2 = arith.muli %add3A, %mul3A_1 : i32
    "tpu.region"() ({
      %run_scoped3A = tpu.sem_alloc : memref<!tpu.dma_semaphore, #tpu.memory_space<semaphore_mem>>
      %dma_start3A_83 = tpu.memref_slice %arg4[%mul3A_2] : memref<160000xi32, #tpu.memory_space<hbm>> -> memref<5000xi32, #tpu.memory_space<hbm>>
      %dma_start3A_84 = tpu.memref_slice %arg4[%mul3A_2] : memref<160000xi32, #tpu.memory_space<hbm>> -> memref<5000xi32, #tpu.memory_space<hbm>>
      tpu.enqueue_dma source(%dma_start3A_84 : memref<5000xi32, #tpu.memory_space<hbm>>) target(%arg8 : memref<5000xi32, #tpu.memory_space<vmem>>) target_semaphore(%run_scoped3A : memref<!tpu.dma_semaphore, #tpu.memory_space<semaphore_mem>>)
      %dma_wait3A_85 = tpu.memref_slice %arg4[%mul3A_2] : memref<160000xi32, #tpu.memory_space<hbm>> -> memref<5000xi32, #tpu.memory_space<hbm>>
      %dma_wait3A_86 = tpu.memref_slice %arg4[%mul3A_2] : memref<160000xi32, #tpu.memory_space<hbm>> -> memref<5000xi32, #tpu.memory_space<hbm>>
      tpu.wait_dma2 semaphore(%run_scoped3A : memref<!tpu.dma_semaphore, #tpu.memory_space<semaphore_mem>>) src(%dma_wait3A_86 : memref<5000xi32, #tpu.memory_space<hbm>>) dst(%arg8 : memref<5000xi32, #tpu.memory_space<vmem>>)
      tpu.yield
    }) : () -> ()
    "tpu.region"() ({
      %run_scoped3A = tpu.sem_alloc : memref<!tpu.dma_semaphore, #tpu.memory_space<semaphore_mem>>
      %dma_start3A_83 = tpu.memref_slice %arg5[%mul3A_2] : memref<160000xi32, #tpu.memory_space<hbm>> -> memref<5000xi32, #tpu.memory_space<hbm>>
      %dma_start3A_84 = tpu.memref_slice %arg5[%mul3A_2] : memref<160000xi32, #tpu.memory_space<hbm>> -> memref<5000xi32, #tpu.memory_space<hbm>>
      tpu.enqueue_dma source(%dma_start3A_84 : memref<5000xi32, #tpu.memory_space<hbm>>) target(%arg9 : memref<5000xi32, #tpu.memory_space<vmem>>) target_semaphore(%run_scoped3A : memref<!tpu.dma_semaphore, #tpu.memory_space<semaphore_mem>>)
      %dma_wait3A_85 = tpu.memref_slice %arg5[%mul3A_2] : memref<160000xi32, #tpu.memory_space<hbm>> -> memref<5000xi32, #tpu.memory_space<hbm>>
      %dma_wait3A_86 = tpu.memref_slice %arg5[%mul3A_2] : memref<160000xi32, #tpu.memory_space<hbm>> -> memref<5000xi32, #tpu.memory_space<hbm>>
      tpu.wait_dma2 semaphore(%run_scoped3A : memref<!tpu.dma_semaphore, #tpu.memory_space<semaphore_mem>>) src(%dma_wait3A_86 : memref<5000xi32, #tpu.memory_space<hbm>>) dst(%arg9 : memref<5000xi32, #tpu.memory_space<vmem>>)
      tpu.yield
    }) : () -> ()
    %scan3A = arith.constant 0 : i32
    %scan3A_3 = arith.constant 0 : i32
    %scan3A_4 = arith.constant 62 : i32
    %scan3A_5 = arith.addi %scan3A_3, %scan3A_4 : i32
    %scan3A_6 = arith.constant 1 : i32
    %scan3A_7 = scf.for %scan3A_83 = %scan3A_3 to %scan3A_5 step %scan3A_6 iter_args(%scan3A_84 = %scan3A) -> (i32)  : i32 {
      %jit3A = arith.constant 2 : i32
      %eq3A = arith.constant 0 : i32
      %eq3A_85 = arith.cmpi eq, %jit3A, %eq3A : i32
      %jit3A_86 = arith.constant 1 : i32
      %select_n3A = arith.select %eq3A_85, %jit3A_86, %jit3A : i32
      %rem3A = arith.remsi %scan3A_83, %select_n3A : i32
      %ne3A = arith.constant 0 : i32
      %ne3A_87 = arith.cmpi ne, %rem3A, %ne3A : i32
      %lt3A = arith.constant 0 : i32
      %lt3A_88 = arith.cmpi slt, %rem3A, %lt3A : i32
      %lt3A_89 = arith.constant 0 : i32
      %lt3A_90 = arith.cmpi slt, %select_n3A, %lt3A_89 : i32
      %ne3A_91 = arith.xori %lt3A_88, %lt3A_90 : i1
      %and3A = arith.andi %ne3A_91, %ne3A_87 : i1
      %add3A_92 = arith.addi %rem3A, %select_n3A : i32
      %select_n3A_93 = arith.select %and3A, %add3A_92, %rem3A : i32
      %eq3A_94 = arith.constant 0 : i32
      %eq3A_95 = arith.cmpi eq, %select_n3A_93, %eq3A_94 : i32
      %convert_element_type3A = arith.extui %eq3A_95 : i1 to i32
      %cond3A = arith.constant 0 : i32
      %cond3A_96 = arith.cmpi ne, %convert_element_type3A, %cond3A : i32
      scf.if %cond3A_96 {
        %ge3A = arith.constant 2 : i32
        %ge3A_119 = arith.cmpi sge, %scan3A_83, %ge3A : i32
        %convert_element_type3A_120 = arith.extui %ge3A_119 : i1 to i32
        %cond3A_121 = arith.constant 0 : i32
        %cond3A_122 = arith.cmpi ne, %convert_element_type3A_120, %cond3A_121 : i32
        scf.if %cond3A_122 {
          %sub3A = arith.constant 2 : i32
          %sub3A_140 = arith.subi %scan3A_83, %sub3A : i32
          %mul3A_141 = arith.constant 80 : i32
          %mul3A_142 = arith.muli %sub3A_140, %mul3A_141 : i32
          %add3A_143 = arith.addi %mul3A_2, %mul3A_142 : i32
          %dma_wait3A_144 = arith.constant 0 : i32
          %dma_wait3A_145 = tpu.memref_slice %arg6[%add3A_143, %dma_wait3A_144] : memref<160000x128xf32, #tpu.memory_space<hbm>> -> memref<80x128xf32, #tpu.memory_space<hbm>>
          %dma_wait3A_146 = arith.constant 0 : i32
          %dma_wait3A_147 = tpu.memref_slice %arg6[%add3A_143, %dma_wait3A_146] : memref<160000x128xf32, #tpu.memory_space<hbm>> -> memref<80x128xf32, #tpu.memory_space<hbm>>
          tpu.wait_dma2 semaphore(%arg16 : memref<!tpu.dma_semaphore, #tpu.memory_space<semaphore_mem>>) src(%arg10 : memref<80x128xf32, #tpu.memory_space<vmem>>) dst(%dma_wait3A_147 : memref<80x128xf32, #tpu.memory_space<hbm>>)
          %dma_wait3A_148 = arith.constant 0 : i32
          %dma_wait3A_149 = tpu.memref_slice %arg7[%add3A_143, %dma_wait3A_148] : memref<160000x128xf32, #tpu.memory_space<hbm>> -> memref<80x128xf32, #tpu.memory_space<hbm>>
          %dma_wait3A_150 = arith.constant 0 : i32
          %dma_wait3A_151 = tpu.memref_slice %arg7[%add3A_143, %dma_wait3A_150] : memref<160000x128xf32, #tpu.memory_space<hbm>> -> memref<80x128xf32, #tpu.memory_space<hbm>>
          tpu.wait_dma2 semaphore(%arg16 : memref<!tpu.dma_semaphore, #tpu.memory_space<semaphore_mem>>) src(%arg11 : memref<80x128xf32, #tpu.memory_space<vmem>>) dst(%dma_wait3A_151 : memref<80x128xf32, #tpu.memory_space<hbm>>)
        } else {
        }
        %mul3A_123 = arith.constant 80 : i32
        %mul3A_124 = arith.muli %scan3A_83, %mul3A_123 : i32
        %dma_start3A_125 = tpu.memref_slice %arg8[%mul3A_124] : memref<5000xi32, #tpu.memory_space<vmem>> -> memref<80xi32, #tpu.memory_space<vmem>>
        %dma_start3A_126 = arith.constant 0 : i32
        %dma_start3A_127 = arith.constant 0 : i32
        %dma_start3A_128 = tpu.memref_slice %arg2[%dma_start3A_126, %dma_start3A_127] : memref<10000x128xf32, #tpu.memory_space<hbm>> -> memref<10000x128xf32, #tpu.memory_space<hbm>>
        tpu.enqueue_indirect_dma source(%dma_start3A_128 : memref<10000x128xf32, #tpu.memory_space<hbm>>) target(%arg10 : memref<80x128xf32, #tpu.memory_space<vmem>>) offsets(%dma_start3A_125 : memref<80xi32, #tpu.memory_space<vmem>>) semaphore(%arg14 : memref<!tpu.dma_semaphore, #tpu.memory_space<semaphore_mem>>)
        %mul3A_129 = arith.constant 80 : i32
        %mul3A_130 = arith.muli %scan3A_83, %mul3A_129 : i32
        %dma_start3A_131 = tpu.memref_slice %arg9[%mul3A_130] : memref<5000xi32, #tpu.memory_space<vmem>> -> memref<80xi32, #tpu.memory_space<vmem>>
        %dma_start3A_132 = arith.constant 0 : i32
        %dma_start3A_133 = arith.constant 0 : i32
        %dma_start3A_134 = tpu.memref_slice %arg3[%dma_start3A_132, %dma_start3A_133] : memref<10000x128xf32, #tpu.memory_space<hbm>> -> memref<10000x128xf32, #tpu.memory_space<hbm>>
        tpu.enqueue_indirect_dma source(%dma_start3A_134 : memref<10000x128xf32, #tpu.memory_space<hbm>>) target(%arg11 : memref<80x128xf32, #tpu.memory_space<vmem>>) offsets(%dma_start3A_131 : memref<80xi32, #tpu.memory_space<vmem>>) semaphore(%arg14 : memref<!tpu.dma_semaphore, #tpu.memory_space<semaphore_mem>>)
        %ge3A_135 = arith.constant 1 : i32
        %ge3A_136 = arith.cmpi sge, %scan3A_83, %ge3A_135 : i32
        %convert_element_type3A_137 = arith.extui %ge3A_136 : i1 to i32
        %cond3A_138 = arith.constant 0 : i32
        %cond3A_139 = arith.cmpi ne, %convert_element_type3A_137, %cond3A_138 : i32
        scf.if %cond3A_139 {
          %sub3A = arith.constant 1 : i32
          %sub3A_140 = arith.subi %scan3A_83, %sub3A : i32
          %mul3A_141 = arith.constant 80 : i32
          %mul3A_142 = arith.muli %sub3A_140, %mul3A_141 : i32
          %dma_wait3A_143 = tpu.memref_slice %arg8[%mul3A_142] : memref<5000xi32, #tpu.memory_space<vmem>> -> memref<80xi32, #tpu.memory_space<vmem>>
          %dma_wait3A_144 = arith.constant 0 : i32
          %dma_wait3A_145 = arith.constant 0 : i32
          %dma_wait3A_146 = tpu.memref_slice %arg2[%dma_wait3A_144, %dma_wait3A_145] : memref<10000x128xf32, #tpu.memory_space<hbm>> -> memref<10000x128xf32, #tpu.memory_space<hbm>>
          tpu.wait_indirect_dma semaphore(%arg15 : memref<!tpu.dma_semaphore, #tpu.memory_space<semaphore_mem>>) src(%dma_wait3A_146 : memref<10000x128xf32, #tpu.memory_space<hbm>>) dst(%arg12 : memref<80x128xf32, #tpu.memory_space<vmem>>)
          %mul3A_147 = arith.constant 80 : i32
          %mul3A_148 = arith.muli %sub3A_140, %mul3A_147 : i32
          %dma_wait3A_149 = tpu.memref_slice %arg9[%mul3A_148] : memref<5000xi32, #tpu.memory_space<vmem>> -> memref<80xi32, #tpu.memory_space<vmem>>
          %dma_wait3A_150 = arith.constant 0 : i32
          %dma_wait3A_151 = arith.constant 0 : i32
          %dma_wait3A_152 = tpu.memref_slice %arg3[%dma_wait3A_150, %dma_wait3A_151] : memref<10000x128xf32, #tpu.memory_space<hbm>> -> memref<10000x128xf32, #tpu.memory_space<hbm>>
          tpu.wait_indirect_dma semaphore(%arg15 : memref<!tpu.dma_semaphore, #tpu.memory_space<semaphore_mem>>) src(%dma_wait3A_152 : memref<10000x128xf32, #tpu.memory_space<hbm>>) dst(%arg13 : memref<80x128xf32, #tpu.memory_space<vmem>>)
          %mul3A_153 = arith.constant 80 : i32
          %mul3A_154 = arith.muli %sub3A_140, %mul3A_153 : i32
          %add3A_155 = arith.addi %mul3A_2, %mul3A_154 : i32
          %dma_start3A_156 = arith.constant 0 : i32
          %dma_start3A_157 = tpu.memref_slice %arg6[%add3A_155, %dma_start3A_156] : memref<160000x128xf32, #tpu.memory_space<hbm>> -> memref<80x128xf32, #tpu.memory_space<hbm>>
          %dma_start3A_158 = arith.constant 0 : i32
          %dma_start3A_159 = tpu.memref_slice %arg6[%add3A_155, %dma_start3A_158] : memref<160000x128xf32, #tpu.memory_space<hbm>> -> memref<80x128xf32, #tpu.memory_space<hbm>>
          tpu.enqueue_dma source(%arg12 : memref<80x128xf32, #tpu.memory_space<vmem>>) target(%dma_start3A_159 : memref<80x128xf32, #tpu.memory_space<hbm>>) target_semaphore(%arg17 : memref<!tpu.dma_semaphore, #tpu.memory_space<semaphore_mem>>)
          %dma_start3A_160 = arith.constant 0 : i32
          %dma_start3A_161 = tpu.memref_slice %arg7[%add3A_155, %dma_start3A_160] : memref<160000x128xf32, #tpu.memory_space<hbm>> -> memref<80x128xf32, #tpu.memory_space<hbm>>
          %dma_start3A_162 = arith.constant 0 : i32
          %dma_start3A_163 = tpu.memref_slice %arg7[%add3A_155, %dma_start3A_162] : memref<160000x128xf32, #tpu.memory_space<hbm>> -> memref<80x128xf32, #tpu.memory_space<hbm>>
          tpu.enqueue_dma source(%arg13 : memref<80x128xf32, #tpu.memory_space<vmem>>) target(%dma_start3A_163 : memref<80x128xf32, #tpu.memory_space<hbm>>) target_semaphore(%arg17 : memref<!tpu.dma_semaphore, #tpu.memory_space<semaphore_mem>>)
        } else {
        }
      } else {
      }
      %jit3A_97 = arith.constant 2 : i32
      %eq3A_98 = arith.constant 0 : i32
      %eq3A_99 = arith.cmpi eq, %jit3A_97, %eq3A_98 : i32
      %jit3A_100 = arith.constant 1 : i32
      %select_n3A_101 = arith.select %eq3A_99, %jit3A_100, %jit3A_97 : i32
      %rem3A_102 = arith.remsi %scan3A_83, %select_n3A_101 : i32
      %ne3A_103 = arith.constant 0 : i32
      %ne3A_104 = arith.cmpi ne, %rem3A_102, %ne3A_103 : i32
      %lt3A_105 = arith.constant 0 : i32
      %lt3A_106 = arith.cmpi slt, %rem3A_102, %lt3A_105 : i32
      %lt3A_107 = arith.constant 0 : i32
      %lt3A_108 = arith.cmpi slt, %select_n3A_101, %lt3A_107 : i32
      %ne3A_109 = arith.xori %lt3A_106, %lt3A_108 : i1
      %and3A_110 = arith.andi %ne3A_109, %ne3A_104 : i1
      %add3A_111 = arith.addi %rem3A_102, %select_n3A_101 : i32
      %select_n3A_112 = arith.select %and3A_110, %add3A_111, %rem3A_102 : i32
      %eq3A_113 = arith.constant 1 : i32
      %eq3A_114 = arith.cmpi eq, %select_n3A_112, %eq3A_113 : i32
      %convert_element_type3A_115 = arith.extui %eq3A_114 : i1 to i32
      %cond3A_116 = arith.constant 0 : i32
      %cond3A_117 = arith.cmpi ne, %convert_element_type3A_115, %cond3A_116 : i32
      scf.if %cond3A_117 {
        %ge3A = arith.constant 2 : i32
        %ge3A_119 = arith.cmpi sge, %scan3A_83, %ge3A : i32
        %convert_element_type3A_120 = arith.extui %ge3A_119 : i1 to i32
        %cond3A_121 = arith.constant 0 : i32
        %cond3A_122 = arith.cmpi ne, %convert_element_type3A_120, %cond3A_121 : i32
        scf.if %cond3A_122 {
          %sub3A = arith.constant 2 : i32
          %sub3A_140 = arith.subi %scan3A_83, %sub3A : i32
          %mul3A_141 = arith.constant 80 : i32
          %mul3A_142 = arith.muli %sub3A_140, %mul3A_141 : i32
          %add3A_143 = arith.addi %mul3A_2, %mul3A_142 : i32
          %dma_wait3A_144 = arith.constant 0 : i32
          %dma_wait3A_145 = tpu.memref_slice %arg6[%add3A_143, %dma_wait3A_144] : memref<160000x128xf32, #tpu.memory_space<hbm>> -> memref<80x128xf32, #tpu.memory_space<hbm>>
          %dma_wait3A_146 = arith.constant 0 : i32
          %dma_wait3A_147 = tpu.memref_slice %arg6[%add3A_143, %dma_wait3A_146] : memref<160000x128xf32, #tpu.memory_space<hbm>> -> memref<80x128xf32, #tpu.memory_space<hbm>>
          tpu.wait_dma2 semaphore(%arg17 : memref<!tpu.dma_semaphore, #tpu.memory_space<semaphore_mem>>) src(%arg12 : memref<80x128xf32, #tpu.memory_space<vmem>>) dst(%dma_wait3A_147 : memref<80x128xf32, #tpu.memory_space<hbm>>)
          %dma_wait3A_148 = arith.constant 0 : i32
          %dma_wait3A_149 = tpu.memref_slice %arg7[%add3A_143, %dma_wait3A_148] : memref<160000x128xf32, #tpu.memory_space<hbm>> -> memref<80x128xf32, #tpu.memory_space<hbm>>
          %dma_wait3A_150 = arith.constant 0 : i32
          %dma_wait3A_151 = tpu.memref_slice %arg7[%add3A_143, %dma_wait3A_150] : memref<160000x128xf32, #tpu.memory_space<hbm>> -> memref<80x128xf32, #tpu.memory_space<hbm>>
          tpu.wait_dma2 semaphore(%arg17 : memref<!tpu.dma_semaphore, #tpu.memory_space<semaphore_mem>>) src(%arg13 : memref<80x128xf32, #tpu.memory_space<vmem>>) dst(%dma_wait3A_151 : memref<80x128xf32, #tpu.memory_space<hbm>>)
        } else {
        }
        %mul3A_123 = arith.constant 80 : i32
        %mul3A_124 = arith.muli %scan3A_83, %mul3A_123 : i32
        %dma_start3A_125 = tpu.memref_slice %arg8[%mul3A_124] : memref<5000xi32, #tpu.memory_space<vmem>> -> memref<80xi32, #tpu.memory_space<vmem>>
        %dma_start3A_126 = arith.constant 0 : i32
        %dma_start3A_127 = arith.constant 0 : i32
        %dma_start3A_128 = tpu.memref_slice %arg2[%dma_start3A_126, %dma_start3A_127] : memref<10000x128xf32, #tpu.memory_space<hbm>> -> memref<10000x128xf32, #tpu.memory_space<hbm>>
        tpu.enqueue_indirect_dma source(%dma_start3A_128 : memref<10000x128xf32, #tpu.memory_space<hbm>>) target(%arg12 : memref<80x128xf32, #tpu.memory_space<vmem>>) offsets(%dma_start3A_125 : memref<80xi32, #tpu.memory_space<vmem>>) semaphore(%arg15 : memref<!tpu.dma_semaphore, #tpu.memory_space<semaphore_mem>>)
        %mul3A_129 = arith.constant 80 : i32
        %mul3A_130 = arith.muli %scan3A_83, %mul3A_129 : i32
        %dma_start3A_131 = tpu.memref_slice %arg9[%mul3A_130] : memref<5000xi32, #tpu.memory_space<vmem>> -> memref<80xi32, #tpu.memory_space<vmem>>
        %dma_start3A_132 = arith.constant 0 : i32
        %dma_start3A_133 = arith.constant 0 : i32
        %dma_start3A_134 = tpu.memref_slice %arg3[%dma_start3A_132, %dma_start3A_133] : memref<10000x128xf32, #tpu.memory_space<hbm>> -> memref<10000x128xf32, #tpu.memory_space<hbm>>
        tpu.enqueue_indirect_dma source(%dma_start3A_134 : memref<10000x128xf32, #tpu.memory_space<hbm>>) target(%arg13 : memref<80x128xf32, #tpu.memory_space<vmem>>) offsets(%dma_start3A_131 : memref<80xi32, #tpu.memory_space<vmem>>) semaphore(%arg15 : memref<!tpu.dma_semaphore, #tpu.memory_space<semaphore_mem>>)
        %ge3A_135 = arith.constant 1 : i32
        %ge3A_136 = arith.cmpi sge, %scan3A_83, %ge3A_135 : i32
        %convert_element_type3A_137 = arith.extui %ge3A_136 : i1 to i32
        %cond3A_138 = arith.constant 0 : i32
        %cond3A_139 = arith.cmpi ne, %convert_element_type3A_137, %cond3A_138 : i32
        scf.if %cond3A_139 {
          %sub3A = arith.constant 1 : i32
          %sub3A_140 = arith.subi %scan3A_83, %sub3A : i32
          %mul3A_141 = arith.constant 80 : i32
          %mul3A_142 = arith.muli %sub3A_140, %mul3A_141 : i32
          %dma_wait3A_143 = tpu.memref_slice %arg8[%mul3A_142] : memref<5000xi32, #tpu.memory_space<vmem>> -> memref<80xi32, #tpu.memory_space<vmem>>
          %dma_wait3A_144 = arith.constant 0 : i32
          %dma_wait3A_145 = arith.constant 0 : i32
          %dma_wait3A_146 = tpu.memref_slice %arg2[%dma_wait3A_144, %dma_wait3A_145] : memref<10000x128xf32, #tpu.memory_space<hbm>> -> memref<10000x128xf32, #tpu.memory_space<hbm>>
          tpu.wait_indirect_dma semaphore(%arg14 : memref<!tpu.dma_semaphore, #tpu.memory_space<semaphore_mem>>) src(%dma_wait3A_146 : memref<10000x128xf32, #tpu.memory_space<hbm>>) dst(%arg10 : memref<80x128xf32, #tpu.memory_space<vmem>>)
          %mul3A_147 = arith.constant 80 : i32
          %mul3A_148 = arith.muli %sub3A_140, %mul3A_147 : i32
          %dma_wait3A_149 = tpu.memref_slice %arg9[%mul3A_148] : memref<5000xi32, #tpu.memory_space<vmem>> -> memref<80xi32, #tpu.memory_space<vmem>>
          %dma_wait3A_150 = arith.constant 0 : i32
          %dma_wait3A_151 = arith.constant 0 : i32
          %dma_wait3A_152 = tpu.memref_slice %arg3[%dma_wait3A_150, %dma_wait3A_151] : memref<10000x128xf32, #tpu.memory_space<hbm>> -> memref<10000x128xf32, #tpu.memory_space<hbm>>
          tpu.wait_indirect_dma semaphore(%arg14 : memref<!tpu.dma_semaphore, #tpu.memory_space<semaphore_mem>>) src(%dma_wait3A_152 : memref<10000x128xf32, #tpu.memory_space<hbm>>) dst(%arg11 : memref<80x128xf32, #tpu.memory_space<vmem>>)
          %mul3A_153 = arith.constant 80 : i32
          %mul3A_154 = arith.muli %sub3A_140, %mul3A_153 : i32
          %add3A_155 = arith.addi %mul3A_2, %mul3A_154 : i32
          %dma_start3A_156 = arith.constant 0 : i32
          %dma_start3A_157 = tpu.memref_slice %arg6[%add3A_155, %dma_start3A_156] : memref<160000x128xf32, #tpu.memory_space<hbm>> -> memref<80x128xf32, #tpu.memory_space<hbm>>
          %dma_start3A_158 = arith.constant 0 : i32
          %dma_start3A_159 = tpu.memref_slice %arg6[%add3A_155, %dma_start3A_158] : memref<160000x128xf32, #tpu.memory_space<hbm>> -> memref<80x128xf32, #tpu.memory_space<hbm>>
          tpu.enqueue_dma source(%arg10 : memref<80x128xf32, #tpu.memory_space<vmem>>) target(%dma_start3A_159 : memref<80x128xf32, #tpu.memory_space<hbm>>) target_semaphore(%arg16 : memref<!tpu.dma_semaphore, #tpu.memory_space<semaphore_mem>>)
          %dma_start3A_160 = arith.constant 0 : i32
          %dma_start3A_161 = tpu.memref_slice %arg7[%add3A_155, %dma_start3A_160] : memref<160000x128xf32, #tpu.memory_space<hbm>> -> memref<80x128xf32, #tpu.memory_space<hbm>>
          %dma_start3A_162 = arith.constant 0 : i32
          %dma_start3A_163 = tpu.memref_slice %arg7[%add3A_155, %dma_start3A_162] : memref<160000x128xf32, #tpu.memory_space<hbm>> -> memref<80x128xf32, #tpu.memory_space<hbm>>
          tpu.enqueue_dma source(%arg11 : memref<80x128xf32, #tpu.memory_space<vmem>>) target(%dma_start3A_163 : memref<80x128xf32, #tpu.memory_space<hbm>>) target_semaphore(%arg16 : memref<!tpu.dma_semaphore, #tpu.memory_space<semaphore_mem>>)
        } else {
        }
      } else {
      }
      %scan3A_118 = arith.constant 0 : i32
      scf.yield %scan3A_118 : i32
    }
    %scan3A_8 = arith.constant 62 : i32
    %dma_wait3A = arith.constant 4880 : i32
    %dma_wait3A_9 = tpu.memref_slice %arg8[%dma_wait3A] : memref<5000xi32, #tpu.memory_space<vmem>> -> memref<80xi32, #tpu.memory_space<vmem>>
    %dma_wait3A_10 = arith.constant 0 : i32
    %dma_wait3A_11 = arith.constant 0 : i32
    %dma_wait3A_12 = tpu.memref_slice %arg2[%dma_wait3A_10, %dma_wait3A_11] : memref<10000x128xf32, #tpu.memory_space<hbm>> -> memref<10000x128xf32, #tpu.memory_space<hbm>>
    tpu.wait_indirect_dma semaphore(%arg15 : memref<!tpu.dma_semaphore, #tpu.memory_space<semaphore_mem>>) src(%dma_wait3A_12 : memref<10000x128xf32, #tpu.memory_space<hbm>>) dst(%arg12 : memref<80x128xf32, #tpu.memory_space<vmem>>)
    %dma_wait3A_13 = arith.constant 4880 : i32
    %dma_wait3A_14 = tpu.memref_slice %arg9[%dma_wait3A_13] : memref<5000xi32, #tpu.memory_space<vmem>> -> memref<80xi32, #tpu.memory_space<vmem>>
    %dma_wait3A_15 = arith.constant 0 : i32
    %dma_wait3A_16 = arith.constant 0 : i32
    %dma_wait3A_17 = tpu.memref_slice %arg3[%dma_wait3A_15, %dma_wait3A_16] : memref<10000x128xf32, #tpu.memory_space<hbm>> -> memref<10000x128xf32, #tpu.memory_space<hbm>>
    tpu.wait_indirect_dma semaphore(%arg15 : memref<!tpu.dma_semaphore, #tpu.memory_space<semaphore_mem>>) src(%dma_wait3A_17 : memref<10000x128xf32, #tpu.memory_space<hbm>>) dst(%arg13 : memref<80x128xf32, #tpu.memory_space<vmem>>)
    %add3A_18 = arith.constant 4880 : i32
    %add3A_19 = arith.addi %mul3A_2, %add3A_18 : i32
    %dma_start3A = arith.constant 0 : i32
    %dma_start3A_20 = tpu.memref_slice %arg6[%add3A_19, %dma_start3A] : memref<160000x128xf32, #tpu.memory_space<hbm>> -> memref<80x128xf32, #tpu.memory_space<hbm>>
    %dma_start3A_21 = arith.constant 0 : i32
    %dma_start3A_22 = tpu.memref_slice %arg6[%add3A_19, %dma_start3A_21] : memref<160000x128xf32, #tpu.memory_space<hbm>> -> memref<80x128xf32, #tpu.memory_space<hbm>>
    tpu.enqueue_dma source(%arg12 : memref<80x128xf32, #tpu.memory_space<vmem>>) target(%dma_start3A_22 : memref<80x128xf32, #tpu.memory_space<hbm>>) target_semaphore(%arg17 : memref<!tpu.dma_semaphore, #tpu.memory_space<semaphore_mem>>)
    %dma_start3A_23 = arith.constant 0 : i32
    %dma_start3A_24 = tpu.memref_slice %arg7[%add3A_19, %dma_start3A_23] : memref<160000x128xf32, #tpu.memory_space<hbm>> -> memref<80x128xf32, #tpu.memory_space<hbm>>
    %dma_start3A_25 = arith.constant 0 : i32
    %dma_start3A_26 = tpu.memref_slice %arg7[%add3A_19, %dma_start3A_25] : memref<160000x128xf32, #tpu.memory_space<hbm>> -> memref<80x128xf32, #tpu.memory_space<hbm>>
    tpu.enqueue_dma source(%arg13 : memref<80x128xf32, #tpu.memory_space<vmem>>) target(%dma_start3A_26 : memref<80x128xf32, #tpu.memory_space<hbm>>) target_semaphore(%arg17 : memref<!tpu.dma_semaphore, #tpu.memory_space<semaphore_mem>>)
    %add3A_27 = arith.constant 4800 : i32
    %add3A_28 = arith.addi %mul3A_2, %add3A_27 : i32
    %dma_wait3A_29 = arith.constant 0 : i32
    %dma_wait3A_30 = tpu.memref_slice %arg6[%add3A_28, %dma_wait3A_29] : memref<160000x128xf32, #tpu.memory_space<hbm>> -> memref<80x128xf32, #tpu.memory_space<hbm>>
    %dma_wait3A_31 = arith.constant 0 : i32
    %dma_wait3A_32 = tpu.memref_slice %arg6[%add3A_28, %dma_wait3A_31] : memref<160000x128xf32, #tpu.memory_space<hbm>> -> memref<80x128xf32, #tpu.memory_space<hbm>>
    tpu.wait_dma2 semaphore(%arg16 : memref<!tpu.dma_semaphore, #tpu.memory_space<semaphore_mem>>) src(%arg10 : memref<80x128xf32, #tpu.memory_space<vmem>>) dst(%dma_wait3A_32 : memref<80x128xf32, #tpu.memory_space<hbm>>)
    %dma_wait3A_33 = arith.constant 0 : i32
    %dma_wait3A_34 = tpu.memref_slice %arg7[%add3A_28, %dma_wait3A_33] : memref<160000x128xf32, #tpu.memory_space<hbm>> -> memref<80x128xf32, #tpu.memory_space<hbm>>
    %dma_wait3A_35 = arith.constant 0 : i32
    %dma_wait3A_36 = tpu.memref_slice %arg7[%add3A_28, %dma_wait3A_35] : memref<160000x128xf32, #tpu.memory_space<hbm>> -> memref<80x128xf32, #tpu.memory_space<hbm>>
    tpu.wait_dma2 semaphore(%arg16 : memref<!tpu.dma_semaphore, #tpu.memory_space<semaphore_mem>>) src(%arg11 : memref<80x128xf32, #tpu.memory_space<vmem>>) dst(%dma_wait3A_36 : memref<80x128xf32, #tpu.memory_space<hbm>>)
    %add3A_37 = arith.constant 4880 : i32
    %add3A_38 = arith.addi %mul3A_2, %add3A_37 : i32
    %dma_wait3A_39 = arith.constant 0 : i32
    %dma_wait3A_40 = tpu.memref_slice %arg6[%add3A_38, %dma_wait3A_39] : memref<160000x128xf32, #tpu.memory_space<hbm>> -> memref<80x128xf32, #tpu.memory_space<hbm>>
    %dma_wait3A_41 = arith.constant 0 : i32
    %dma_wait3A_42 = tpu.memref_slice %arg6[%add3A_38, %dma_wait3A_41] : memref<160000x128xf32, #tpu.memory_space<hbm>> -> memref<80x128xf32, #tpu.memory_space<hbm>>
    tpu.wait_dma2 semaphore(%arg17 : memref<!tpu.dma_semaphore, #tpu.memory_space<semaphore_mem>>) src(%arg12 : memref<80x128xf32, #tpu.memory_space<vmem>>) dst(%dma_wait3A_42 : memref<80x128xf32, #tpu.memory_space<hbm>>)
    %dma_wait3A_43 = arith.constant 0 : i32
    %dma_wait3A_44 = tpu.memref_slice %arg7[%add3A_38, %dma_wait3A_43] : memref<160000x128xf32, #tpu.memory_space<hbm>> -> memref<80x128xf32, #tpu.memory_space<hbm>>
    %dma_wait3A_45 = arith.constant 0 : i32
    %dma_wait3A_46 = tpu.memref_slice %arg7[%add3A_38, %dma_wait3A_45] : memref<160000x128xf32, #tpu.memory_space<hbm>> -> memref<80x128xf32, #tpu.memory_space<hbm>>
    tpu.wait_dma2 semaphore(%arg17 : memref<!tpu.dma_semaphore, #tpu.memory_space<semaphore_mem>>) src(%arg13 : memref<80x128xf32, #tpu.memory_space<vmem>>) dst(%dma_wait3A_46 : memref<80x128xf32, #tpu.memory_space<hbm>>)
    %dma_start3A_47 = arith.constant 0 : i32
    %dma_start3A_48 = arith.constant 0 : i32
    %dma_start3A_49 = tpu.memref_slice %arg10[%dma_start3A_47, %dma_start3A_48] : memref<80x128xf32, #tpu.memory_space<vmem>> -> memref<40x128xf32, #tpu.memory_space<vmem>>
    %dma_start3A_50 = arith.constant 4960 : i32
    %dma_start3A_51 = tpu.memref_slice %arg8[%dma_start3A_50] : memref<5000xi32, #tpu.memory_space<vmem>> -> memref<40xi32, #tpu.memory_space<vmem>>
    %dma_start3A_52 = arith.constant 0 : i32
    %dma_start3A_53 = arith.constant 0 : i32
    %dma_start3A_54 = tpu.memref_slice %arg2[%dma_start3A_52, %dma_start3A_53] : memref<10000x128xf32, #tpu.memory_space<hbm>> -> memref<10000x128xf32, #tpu.memory_space<hbm>>
    tpu.enqueue_indirect_dma source(%dma_start3A_54 : memref<10000x128xf32, #tpu.memory_space<hbm>>) target(%dma_start3A_49 : memref<40x128xf32, #tpu.memory_space<vmem>>) offsets(%dma_start3A_51 : memref<40xi32, #tpu.memory_space<vmem>>) semaphore(%arg14 : memref<!tpu.dma_semaphore, #tpu.memory_space<semaphore_mem>>)
    %dma_wait3A_55 = arith.constant 0 : i32
    %dma_wait3A_56 = arith.constant 0 : i32
    %dma_wait3A_57 = tpu.memref_slice %arg10[%dma_wait3A_55, %dma_wait3A_56] : memref<80x128xf32, #tpu.memory_space<vmem>> -> memref<40x128xf32, #tpu.memory_space<vmem>>
    %dma_wait3A_58 = arith.constant 4960 : i32
    %dma_wait3A_59 = tpu.memref_slice %arg8[%dma_wait3A_58] : memref<5000xi32, #tpu.memory_space<vmem>> -> memref<40xi32, #tpu.memory_space<vmem>>
    %dma_wait3A_60 = arith.constant 0 : i32
    %dma_wait3A_61 = arith.constant 0 : i32
    %dma_wait3A_62 = tpu.memref_slice %arg2[%dma_wait3A_60, %dma_wait3A_61] : memref<10000x128xf32, #tpu.memory_space<hbm>> -> memref<10000x128xf32, #tpu.memory_space<hbm>>
    tpu.wait_indirect_dma semaphore(%arg14 : memref<!tpu.dma_semaphore, #tpu.memory_space<semaphore_mem>>) src(%dma_wait3A_62 : memref<10000x128xf32, #tpu.memory_space<hbm>>) dst(%dma_wait3A_57 : memref<40x128xf32, #tpu.memory_space<vmem>>)
    %dma_start3A_63 = arith.constant 0 : i32
    %dma_start3A_64 = arith.constant 0 : i32
    %dma_start3A_65 = tpu.memref_slice %arg11[%dma_start3A_63, %dma_start3A_64] : memref<80x128xf32, #tpu.memory_space<vmem>> -> memref<40x128xf32, #tpu.memory_space<vmem>>
    %dma_start3A_66 = arith.constant 4960 : i32
    %dma_start3A_67 = tpu.memref_slice %arg9[%dma_start3A_66] : memref<5000xi32, #tpu.memory_space<vmem>> -> memref<40xi32, #tpu.memory_space<vmem>>
    %dma_start3A_68 = arith.constant 0 : i32
    %dma_start3A_69 = arith.constant 0 : i32
    %dma_start3A_70 = tpu.memref_slice %arg3[%dma_start3A_68, %dma_start3A_69] : memref<10000x128xf32, #tpu.memory_space<hbm>> -> memref<10000x128xf32, #tpu.memory_space<hbm>>
    tpu.enqueue_indirect_dma source(%dma_start3A_70 : memref<10000x128xf32, #tpu.memory_space<hbm>>) target(%dma_start3A_65 : memref<40x128xf32, #tpu.memory_space<vmem>>) offsets(%dma_start3A_67 : memref<40xi32, #tpu.memory_space<vmem>>) semaphore(%arg14 : memref<!tpu.dma_semaphore, #tpu.memory_space<semaphore_mem>>)
    %dma_wait3A_71 = arith.constant 0 : i32
    %dma_wait3A_72 = arith.constant 0 : i32
    %dma_wait3A_73 = tpu.memref_slice %arg11[%dma_wait3A_71, %dma_wait3A_72] : memref<80x128xf32, #tpu.memory_space<vmem>> -> memref<40x128xf32, #tpu.memory_space<vmem>>
    %dma_wait3A_74 = arith.constant 4960 : i32
    %dma_wait3A_75 = tpu.memref_slice %arg9[%dma_wait3A_74] : memref<5000xi32, #tpu.memory_space<vmem>> -> memref<40xi32, #tpu.memory_space<vmem>>
    %dma_wait3A_76 = arith.constant 0 : i32
    %dma_wait3A_77 = arith.constant 0 : i32
    %dma_wait3A_78 = tpu.memref_slice %arg3[%dma_wait3A_76, %dma_wait3A_77] : memref<10000x128xf32, #tpu.memory_space<hbm>> -> memref<10000x128xf32, #tpu.memory_space<hbm>>
    tpu.wait_indirect_dma semaphore(%arg14 : memref<!tpu.dma_semaphore, #tpu.memory_space<semaphore_mem>>) src(%dma_wait3A_78 : memref<10000x128xf32, #tpu.memory_space<hbm>>) dst(%dma_wait3A_73 : memref<40x128xf32, #tpu.memory_space<vmem>>)
    %add3A_79 = arith.constant 4960 : i32
    %add3A_80 = arith.addi %mul3A_2, %add3A_79 : i32
    "tpu.region"() ({
      %run_scoped3A = tpu.sem_alloc : memref<!tpu.dma_semaphore, #tpu.memory_space<semaphore_mem>>
      %dma_start3A_83 = arith.constant 0 : i32
      %dma_start3A_84 = arith.constant 0 : i32
      %dma_start3A_85 = tpu.memref_slice %arg10[%dma_start3A_83, %dma_start3A_84] : memref<80x128xf32, #tpu.memory_space<vmem>> -> memref<40x128xf32, #tpu.memory_space<vmem>>
      %dma_start3A_86 = arith.constant 0 : i32
      %dma_start3A_87 = tpu.memref_slice %arg6[%add3A_80, %dma_start3A_86] : memref<160000x128xf32, #tpu.memory_space<hbm>> -> memref<40x128xf32, #tpu.memory_space<hbm>>
      %dma_start3A_88 = arith.constant 0 : i32
      %dma_start3A_89 = tpu.memref_slice %arg6[%add3A_80, %dma_start3A_88] : memref<160000x128xf32, #tpu.memory_space<hbm>> -> memref<40x128xf32, #tpu.memory_space<hbm>>
      %dma_start3A_90 = arith.constant 0 : i32
      %dma_start3A_91 = arith.constant 0 : i32
      %dma_start3A_92 = tpu.memref_slice %arg10[%dma_start3A_90, %dma_start3A_91] : memref<80x128xf32, #tpu.memory_space<vmem>> -> memref<40x128xf32, #tpu.memory_space<vmem>>
      tpu.enqueue_dma source(%dma_start3A_92 : memref<40x128xf32, #tpu.memory_space<vmem>>) target(%dma_start3A_89 : memref<40x128xf32, #tpu.memory_space<hbm>>) target_semaphore(%run_scoped3A : memref<!tpu.dma_semaphore, #tpu.memory_space<semaphore_mem>>)
      %dma_wait3A_93 = arith.constant 0 : i32
      %dma_wait3A_94 = arith.constant 0 : i32
      %dma_wait3A_95 = tpu.memref_slice %arg10[%dma_wait3A_93, %dma_wait3A_94] : memref<80x128xf32, #tpu.memory_space<vmem>> -> memref<40x128xf32, #tpu.memory_space<vmem>>
      %dma_wait3A_96 = arith.constant 0 : i32
      %dma_wait3A_97 = tpu.memref_slice %arg6[%add3A_80, %dma_wait3A_96] : memref<160000x128xf32, #tpu.memory_space<hbm>> -> memref<40x128xf32, #tpu.memory_space<hbm>>
      %dma_wait3A_98 = arith.constant 0 : i32
      %dma_wait3A_99 = tpu.memref_slice %arg6[%add3A_80, %dma_wait3A_98] : memref<160000x128xf32, #tpu.memory_space<hbm>> -> memref<40x128xf32, #tpu.memory_space<hbm>>
      %dma_wait3A_100 = arith.constant 0 : i32
      %dma_wait3A_101 = arith.constant 0 : i32
      %dma_wait3A_102 = tpu.memref_slice %arg10[%dma_wait3A_100, %dma_wait3A_101] : memref<80x128xf32, #tpu.memory_space<vmem>> -> memref<40x128xf32, #tpu.memory_space<vmem>>
      tpu.wait_dma2 semaphore(%run_scoped3A : memref<!tpu.dma_semaphore, #tpu.memory_space<semaphore_mem>>) src(%dma_wait3A_102 : memref<40x128xf32, #tpu.memory_space<vmem>>) dst(%dma_wait3A_99 : memref<40x128xf32, #tpu.memory_space<hbm>>)
      tpu.yield
    }) : () -> ()
    %add3A_81 = arith.constant 4960 : i32
    %add3A_82 = arith.addi %mul3A_2, %add3A_81 : i32
    "tpu.region"() ({
      %run_scoped3A = tpu.sem_alloc : memref<!tpu.dma_semaphore, #tpu.memory_space<semaphore_mem>>
      %dma_start3A_83 = arith.constant 0 : i32
      %dma_start3A_84 = arith.constant 0 : i32
      %dma_start3A_85 = tpu.memref_slice %arg11[%dma_start3A_83, %dma_start3A_84] : memref<80x128xf32, #tpu.memory_space<vmem>> -> memref<40x128xf32, #tpu.memory_space<vmem>>
      %dma_start3A_86 = arith.constant 0 : i32
      %dma_start3A_87 = tpu.memref_slice %arg7[%add3A_82, %dma_start3A_86] : memref<160000x128xf32, #tpu.memory_space<hbm>> -> memref<40x128xf32, #tpu.memory_space<hbm>>
      %dma_start3A_88 = arith.constant 0 : i32
      %dma_start3A_89 = tpu.memref_slice %arg7[%add3A_82, %dma_start3A_88] : memref<160000x128xf32, #tpu.memory_space<hbm>> -> memref<40x128xf32, #tpu.memory_space<hbm>>
      %dma_start3A_90 = arith.constant 0 : i32
      %dma_start3A_91 = arith.constant 0 : i32
      %dma_start3A_92 = tpu.memref_slice %arg11[%dma_start3A_90, %dma_start3A_91] : memref<80x128xf32, #tpu.memory_space<vmem>> -> memref<40x128xf32, #tpu.memory_space<vmem>>
      tpu.enqueue_dma source(%dma_start3A_92 : memref<40x128xf32, #tpu.memory_space<vmem>>) target(%dma_start3A_89 : memref<40x128xf32, #tpu.memory_space<hbm>>) target_semaphore(%run_scoped3A : memref<!tpu.dma_semaphore, #tpu.memory_space<semaphore_mem>>)
      %dma_wait3A_93 = arith.constant 0 : i32
      %dma_wait3A_94 = arith.constant 0 : i32
      %dma_wait3A_95 = tpu.memref_slice %arg11[%dma_wait3A_93, %dma_wait3A_94] : memref<80x128xf32, #tpu.memory_space<vmem>> -> memref<40x128xf32, #tpu.memory_space<vmem>>
      %dma_wait3A_96 = arith.constant 0 : i32
      %dma_wait3A_97 = tpu.memref_slice %arg7[%add3A_82, %dma_wait3A_96] : memref<160000x128xf32, #tpu.memory_space<hbm>> -> memref<40x128xf32, #tpu.memory_space<hbm>>
      %dma_wait3A_98 = arith.constant 0 : i32
      %dma_wait3A_99 = tpu.memref_slice %arg7[%add3A_82, %dma_wait3A_98] : memref<160000x128xf32, #tpu.memory_space<hbm>> -> memref<40x128xf32, #tpu.memory_space<hbm>>
      %dma_wait3A_100 = arith.constant 0 : i32
      %dma_wait3A_101 = arith.constant 0 : i32
      %dma_wait3A_102 = tpu.memref_slice %arg11[%dma_wait3A_100, %dma_wait3A_101] : memref<80x128xf32, #tpu.memory_space<vmem>> -> memref<40x128xf32, #tpu.memory_space<vmem>>
      tpu.wait_dma2 semaphore(%run_scoped3A : memref<!tpu.dma_semaphore, #tpu.memory_space<semaphore_mem>>) src(%dma_wait3A_102 : memref<40x128xf32, #tpu.memory_space<vmem>>) dst(%dma_wait3A_99 : memref<40x128xf32, #tpu.memory_space<hbm>>)
      tpu.yield
    }) : () -> ()
    return
  }
}

#map = affine_map<(d0, d1) -> (0, 0)>
#map1 = affine_map<(d0, d1) -> (0)>
module attributes {stable_mosaic.version = 14 : i64} {
  func.func @_sc_gather_body(%arg0: i32, %arg1: i32, %arg2: memref<10000x128xf32, #tpu.memory_space<hbm>>, %arg3: memref<10000x128xf32, #tpu.memory_space<hbm>>, %arg4: memref<160000xi32, #tpu.memory_space<hbm>>, %arg5: memref<160000xi32, #tpu.memory_space<hbm>>, %arg6: memref<160000x128xf32, #tpu.memory_space<hbm>>, %arg7: memref<160000x128xf32, #tpu.memory_space<hbm>>, %arg8: memref<5000xi32, #tpu.memory_space<vmem>>, %arg9: memref<5000xi32, #tpu.memory_space<vmem>>, %arg10: memref<80x128xf32, #tpu.memory_space<vmem>>, %arg11: memref<80x128xf32, #tpu.memory_space<vmem>>, %arg12: memref<80x128xf32, #tpu.memory_space<vmem>>, %arg13: memref<80x128xf32, #tpu.memory_space<vmem>>, %arg14: memref<!tpu.dma_semaphore, #tpu.memory_space<semaphore_mem>>, %arg15: memref<!tpu.dma_semaphore, #tpu.memory_space<semaphore_mem>>, %arg16: memref<!tpu.dma_semaphore, #tpu.memory_space<semaphore_mem>>, %arg17: memref<!tpu.dma_semaphore, #tpu.memory_space<semaphore_mem>>) attributes {dimension_semantics = [#tpu.dimension_semantics<core_parallel>, #tpu.dimension_semantics<subcore_parallel>], iteration_bounds = array<i64: 2, 16>, scalar_prefetch = 0 : i64, scratch_operands = 10 : i64, tpu.core_type = #tpu.core_type<sc_vector_subcore>, window_params = [{transform_indices = #map}, {transform_indices = #map}, {transform_indices = #map1}, {transform_indices = #map1}, {transform_indices = #map}, {transform_indices = #map}]} {
    %mul3A = arith.constant 2 : i32
    %mul3A_0 = arith.muli %arg1, %mul3A : i32
    %add3A = arith.addi %mul3A_0, %arg0 : i32
    %mul3A_1 = arith.constant 5000 : i32
    %mul3A_2 = arith.muli %add3A, %mul3A_1 : i32
    "tpu.region"() ({
      %run_scoped3A = tpu.sem_alloc : memref<!tpu.dma_semaphore, #tpu.memory_space<semaphore_mem>>
      %dma_start3A_83 = tpu.memref_slice %arg4[%mul3A_2] : memref<160000xi32, #tpu.memory_space<hbm>> -> memref<5000xi32, #tpu.memory_space<hbm>>
      %dma_start3A_84 = tpu.memref_slice %arg4[%mul3A_2] : memref<160000xi32, #tpu.memory_space<hbm>> -> memref<5000xi32, #tpu.memory_space<hbm>>
      tpu.enqueue_dma source(%dma_start3A_84 : memref<5000xi32, #tpu.memory_space<hbm>>) target(%arg8 : memref<5000xi32, #tpu.memory_space<vmem>>) target_semaphore(%run_scoped3A : memref<!tpu.dma_semaphore, #tpu.memory_space<semaphore_mem>>)
      %dma_wait3A_85 = tpu.memref_slice %arg4[%mul3A_2] : memref<160000xi32, #tpu.memory_space<hbm>> -> memref<5000xi32, #tpu.memory_space<hbm>>
      %dma_wait3A_86 = tpu.memref_slice %arg4[%mul3A_2] : memref<160000xi32, #tpu.memory_space<hbm>> -> memref<5000xi32, #tpu.memory_space<hbm>>
      tpu.wait_dma2 semaphore(%run_scoped3A : memref<!tpu.dma_semaphore, #tpu.memory_space<semaphore_mem>>) src(%dma_wait3A_86 : memref<5000xi32, #tpu.memory_space<hbm>>) dst(%arg8 : memref<5000xi32, #tpu.memory_space<vmem>>)
      tpu.yield
    }) : () -> ()
    "tpu.region"() ({
      %run_scoped3A = tpu.sem_alloc : memref<!tpu.dma_semaphore, #tpu.memory_space<semaphore_mem>>
      %dma_start3A_83 = tpu.memref_slice %arg5[%mul3A_2] : memref<160000xi32, #tpu.memory_space<hbm>> -> memref<5000xi32, #tpu.memory_space<hbm>>
      %dma_start3A_84 = tpu.memref_slice %arg5[%mul3A_2] : memref<160000xi32, #tpu.memory_space<hbm>> -> memref<5000xi32, #tpu.memory_space<hbm>>
      tpu.enqueue_dma source(%dma_start3A_84 : memref<5000xi32, #tpu.memory_space<hbm>>) target(%arg9 : memref<5000xi32, #tpu.memory_space<vmem>>) target_semaphore(%run_scoped3A : memref<!tpu.dma_semaphore, #tpu.memory_space<semaphore_mem>>)
      %dma_wait3A_85 = tpu.memref_slice %arg5[%mul3A_2] : memref<160000xi32, #tpu.memory_space<hbm>> -> memref<5000xi32, #tpu.memory_space<hbm>>
      %dma_wait3A_86 = tpu.memref_slice %arg5[%mul3A_2] : memref<160000xi32, #tpu.memory_space<hbm>> -> memref<5000xi32, #tpu.memory_space<hbm>>
      tpu.wait_dma2 semaphore(%run_scoped3A : memref<!tpu.dma_semaphore, #tpu.memory_space<semaphore_mem>>) src(%dma_wait3A_86 : memref<5000xi32, #tpu.memory_space<hbm>>) dst(%arg9 : memref<5000xi32, #tpu.memory_space<vmem>>)
      tpu.yield
    }) : () -> ()
    %scan3A = arith.constant 0 : i32
    %scan3A_3 = arith.constant 0 : i32
    %scan3A_4 = arith.constant 62 : i32
    %scan3A_5 = arith.addi %scan3A_3, %scan3A_4 : i32
    %scan3A_6 = arith.constant 1 : i32
    %scan3A_7 = scf.for %scan3A_83 = %scan3A_3 to %scan3A_5 step %scan3A_6 iter_args(%scan3A_84 = %scan3A) -> (i32)  : i32 {
      %jit3A = arith.constant 2 : i32
      %eq3A = arith.constant 0 : i32
      %eq3A_85 = arith.cmpi eq, %jit3A, %eq3A : i32
      %jit3A_86 = arith.constant 1 : i32
      %select_n3A = arith.select %eq3A_85, %jit3A_86, %jit3A : i32
      %rem3A = arith.remsi %scan3A_83, %select_n3A : i32
      %ne3A = arith.constant 0 : i32
      %ne3A_87 = arith.cmpi ne, %rem3A, %ne3A : i32
      %lt3A = arith.constant 0 : i32
      %lt3A_88 = arith.cmpi slt, %rem3A, %lt3A : i32
      %lt3A_89 = arith.constant 0 : i32
      %lt3A_90 = arith.cmpi slt, %select_n3A, %lt3A_89 : i32
      %ne3A_91 = arith.xori %lt3A_88, %lt3A_90 : i1
      %and3A = arith.andi %ne3A_91, %ne3A_87 : i1
      %add3A_92 = arith.addi %rem3A, %select_n3A : i32
      %select_n3A_93 = arith.select %and3A, %add3A_92, %rem3A : i32
      %eq3A_94 = arith.constant 0 : i32
      %eq3A_95 = arith.cmpi eq, %select_n3A_93, %eq3A_94 : i32
      %convert_element_type3A = arith.extui %eq3A_95 : i1 to i32
      %cond3A = arith.constant 0 : i32
      %cond3A_96 = arith.cmpi ne, %convert_element_type3A, %cond3A : i32
      scf.if %cond3A_96 {
        %ge3A = arith.constant 2 : i32
        %ge3A_119 = arith.cmpi sge, %scan3A_83, %ge3A : i32
        %convert_element_type3A_120 = arith.extui %ge3A_119 : i1 to i32
        %cond3A_121 = arith.constant 0 : i32
        %cond3A_122 = arith.cmpi ne, %convert_element_type3A_120, %cond3A_121 : i32
        scf.if %cond3A_122 {
          %sub3A = arith.constant 2 : i32
          %sub3A_140 = arith.subi %scan3A_83, %sub3A : i32
          %mul3A_141 = arith.constant 80 : i32
          %mul3A_142 = arith.muli %sub3A_140, %mul3A_141 : i32
          %add3A_143 = arith.addi %mul3A_2, %mul3A_142 : i32
          %dma_wait3A_144 = arith.constant 0 : i32
          %dma_wait3A_145 = tpu.memref_slice %arg6[%add3A_143, %dma_wait3A_144] : memref<160000x128xf32, #tpu.memory_space<hbm>> -> memref<80x128xf32, #tpu.memory_space<hbm>>
          %dma_wait3A_146 = arith.constant 0 : i32
          %dma_wait3A_147 = tpu.memref_slice %arg6[%add3A_143, %dma_wait3A_146] : memref<160000x128xf32, #tpu.memory_space<hbm>> -> memref<80x128xf32, #tpu.memory_space<hbm>>
          tpu.wait_dma2 semaphore(%arg16 : memref<!tpu.dma_semaphore, #tpu.memory_space<semaphore_mem>>) src(%arg10 : memref<80x128xf32, #tpu.memory_space<vmem>>) dst(%dma_wait3A_147 : memref<80x128xf32, #tpu.memory_space<hbm>>)
          %dma_wait3A_148 = arith.constant 0 : i32
          %dma_wait3A_149 = tpu.memref_slice %arg7[%add3A_143, %dma_wait3A_148] : memref<160000x128xf32, #tpu.memory_space<hbm>> -> memref<80x128xf32, #tpu.memory_space<hbm>>
          %dma_wait3A_150 = arith.constant 0 : i32
          %dma_wait3A_151 = tpu.memref_slice %arg7[%add3A_143, %dma_wait3A_150] : memref<160000x128xf32, #tpu.memory_space<hbm>> -> memref<80x128xf32, #tpu.memory_space<hbm>>
          tpu.wait_dma2 semaphore(%arg16 : memref<!tpu.dma_semaphore, #tpu.memory_space<semaphore_mem>>) src(%arg11 : memref<80x128xf32, #tpu.memory_space<vmem>>) dst(%dma_wait3A_151 : memref<80x128xf32, #tpu.memory_space<hbm>>)
        } else {
        }
        %mul3A_123 = arith.constant 80 : i32
        %mul3A_124 = arith.muli %scan3A_83, %mul3A_123 : i32
        %dma_start3A_125 = tpu.memref_slice %arg8[%mul3A_124] : memref<5000xi32, #tpu.memory_space<vmem>> -> memref<80xi32, #tpu.memory_space<vmem>>
        %dma_start3A_126 = arith.constant 0 : i32
        %dma_start3A_127 = arith.constant 0 : i32
        %dma_start3A_128 = tpu.memref_slice %arg2[%dma_start3A_126, %dma_start3A_127] : memref<10000x128xf32, #tpu.memory_space<hbm>> -> memref<10000x128xf32, #tpu.memory_space<hbm>>
        tpu.enqueue_indirect_dma source(%dma_start3A_128 : memref<10000x128xf32, #tpu.memory_space<hbm>>) target(%arg10 : memref<80x128xf32, #tpu.memory_space<vmem>>) offsets(%dma_start3A_125 : memref<80xi32, #tpu.memory_space<vmem>>) semaphore(%arg14 : memref<!tpu.dma_semaphore, #tpu.memory_space<semaphore_mem>>)
        %mul3A_129 = arith.constant 80 : i32
        %mul3A_130 = arith.muli %scan3A_83, %mul3A_129 : i32
        %dma_start3A_131 = tpu.memref_slice %arg9[%mul3A_130] : memref<5000xi32, #tpu.memory_space<vmem>> -> memref<80xi32, #tpu.memory_space<vmem>>
        %dma_start3A_132 = arith.constant 0 : i32
        %dma_start3A_133 = arith.constant 0 : i32
        %dma_start3A_134 = tpu.memref_slice %arg3[%dma_start3A_132, %dma_start3A_133] : memref<10000x128xf32, #tpu.memory_space<hbm>> -> memref<10000x128xf32, #tpu.memory_space<hbm>>
        tpu.enqueue_indirect_dma source(%dma_start3A_134 : memref<10000x128xf32, #tpu.memory_space<hbm>>) target(%arg11 : memref<80x128xf32, #tpu.memory_space<vmem>>) offsets(%dma_start3A_131 : memref<80xi32, #tpu.memory_space<vmem>>) semaphore(%arg14 : memref<!tpu.dma_semaphore, #tpu.memory_space<semaphore_mem>>)
        %ge3A_135 = arith.constant 1 : i32
        %ge3A_136 = arith.cmpi sge, %scan3A_83, %ge3A_135 : i32
        %convert_element_type3A_137 = arith.extui %ge3A_136 : i1 to i32
        %cond3A_138 = arith.constant 0 : i32
        %cond3A_139 = arith.cmpi ne, %convert_element_type3A_137, %cond3A_138 : i32
        scf.if %cond3A_139 {
          %sub3A = arith.constant 1 : i32
          %sub3A_140 = arith.subi %scan3A_83, %sub3A : i32
          %mul3A_141 = arith.constant 80 : i32
          %mul3A_142 = arith.muli %sub3A_140, %mul3A_141 : i32
          %dma_wait3A_143 = tpu.memref_slice %arg8[%mul3A_142] : memref<5000xi32, #tpu.memory_space<vmem>> -> memref<80xi32, #tpu.memory_space<vmem>>
          %dma_wait3A_144 = arith.constant 0 : i32
          %dma_wait3A_145 = arith.constant 0 : i32
          %dma_wait3A_146 = tpu.memref_slice %arg2[%dma_wait3A_144, %dma_wait3A_145] : memref<10000x128xf32, #tpu.memory_space<hbm>> -> memref<10000x128xf32, #tpu.memory_space<hbm>>
          tpu.wait_indirect_dma semaphore(%arg15 : memref<!tpu.dma_semaphore, #tpu.memory_space<semaphore_mem>>) src(%dma_wait3A_146 : memref<10000x128xf32, #tpu.memory_space<hbm>>) dst(%arg12 : memref<80x128xf32, #tpu.memory_space<vmem>>)
          %mul3A_147 = arith.constant 80 : i32
          %mul3A_148 = arith.muli %sub3A_140, %mul3A_147 : i32
          %dma_wait3A_149 = tpu.memref_slice %arg9[%mul3A_148] : memref<5000xi32, #tpu.memory_space<vmem>> -> memref<80xi32, #tpu.memory_space<vmem>>
          %dma_wait3A_150 = arith.constant 0 : i32
          %dma_wait3A_151 = arith.constant 0 : i32
          %dma_wait3A_152 = tpu.memref_slice %arg3[%dma_wait3A_150, %dma_wait3A_151] : memref<10000x128xf32, #tpu.memory_space<hbm>> -> memref<10000x128xf32, #tpu.memory_space<hbm>>
          tpu.wait_indirect_dma semaphore(%arg15 : memref<!tpu.dma_semaphore, #tpu.memory_space<semaphore_mem>>) src(%dma_wait3A_152 : memref<10000x128xf32, #tpu.memory_space<hbm>>) dst(%arg13 : memref<80x128xf32, #tpu.memory_space<vmem>>)
          %mul3A_153 = arith.constant 80 : i32
          %mul3A_154 = arith.muli %sub3A_140, %mul3A_153 : i32
          %add3A_155 = arith.addi %mul3A_2, %mul3A_154 : i32
          %dma_start3A_156 = arith.constant 0 : i32
          %dma_start3A_157 = tpu.memref_slice %arg6[%add3A_155, %dma_start3A_156] : memref<160000x128xf32, #tpu.memory_space<hbm>> -> memref<80x128xf32, #tpu.memory_space<hbm>>
          %dma_start3A_158 = arith.constant 0 : i32
          %dma_start3A_159 = tpu.memref_slice %arg6[%add3A_155, %dma_start3A_158] : memref<160000x128xf32, #tpu.memory_space<hbm>> -> memref<80x128xf32, #tpu.memory_space<hbm>>
          tpu.enqueue_dma source(%arg12 : memref<80x128xf32, #tpu.memory_space<vmem>>) target(%dma_start3A_159 : memref<80x128xf32, #tpu.memory_space<hbm>>) target_semaphore(%arg17 : memref<!tpu.dma_semaphore, #tpu.memory_space<semaphore_mem>>)
          %dma_start3A_160 = arith.constant 0 : i32
          %dma_start3A_161 = tpu.memref_slice %arg7[%add3A_155, %dma_start3A_160] : memref<160000x128xf32, #tpu.memory_space<hbm>> -> memref<80x128xf32, #tpu.memory_space<hbm>>
          %dma_start3A_162 = arith.constant 0 : i32
          %dma_start3A_163 = tpu.memref_slice %arg7[%add3A_155, %dma_start3A_162] : memref<160000x128xf32, #tpu.memory_space<hbm>> -> memref<80x128xf32, #tpu.memory_space<hbm>>
          tpu.enqueue_dma source(%arg13 : memref<80x128xf32, #tpu.memory_space<vmem>>) target(%dma_start3A_163 : memref<80x128xf32, #tpu.memory_space<hbm>>) target_semaphore(%arg17 : memref<!tpu.dma_semaphore, #tpu.memory_space<semaphore_mem>>)
        } else {
        }
      } else {
      }
      %jit3A_97 = arith.constant 2 : i32
      %eq3A_98 = arith.constant 0 : i32
      %eq3A_99 = arith.cmpi eq, %jit3A_97, %eq3A_98 : i32
      %jit3A_100 = arith.constant 1 : i32
      %select_n3A_101 = arith.select %eq3A_99, %jit3A_100, %jit3A_97 : i32
      %rem3A_102 = arith.remsi %scan3A_83, %select_n3A_101 : i32
      %ne3A_103 = arith.constant 0 : i32
      %ne3A_104 = arith.cmpi ne, %rem3A_102, %ne3A_103 : i32
      %lt3A_105 = arith.constant 0 : i32
      %lt3A_106 = arith.cmpi slt, %rem3A_102, %lt3A_105 : i32
      %lt3A_107 = arith.constant 0 : i32
      %lt3A_108 = arith.cmpi slt, %select_n3A_101, %lt3A_107 : i32
      %ne3A_109 = arith.xori %lt3A_106, %lt3A_108 : i1
      %and3A_110 = arith.andi %ne3A_109, %ne3A_104 : i1
      %add3A_111 = arith.addi %rem3A_102, %select_n3A_101 : i32
      %select_n3A_112 = arith.select %and3A_110, %add3A_111, %rem3A_102 : i32
      %eq3A_113 = arith.constant 1 : i32
      %eq3A_114 = arith.cmpi eq, %select_n3A_112, %eq3A_113 : i32
      %convert_element_type3A_115 = arith.extui %eq3A_114 : i1 to i32
      %cond3A_116 = arith.constant 0 : i32
      %cond3A_117 = arith.cmpi ne, %convert_element_type3A_115, %cond3A_116 : i32
      scf.if %cond3A_117 {
        %ge3A = arith.constant 2 : i32
        %ge3A_119 = arith.cmpi sge, %scan3A_83, %ge3A : i32
        %convert_element_type3A_120 = arith.extui %ge3A_119 : i1 to i32
        %cond3A_121 = arith.constant 0 : i32
        %cond3A_122 = arith.cmpi ne, %convert_element_type3A_120, %cond3A_121 : i32
        scf.if %cond3A_122 {
          %sub3A = arith.constant 2 : i32
          %sub3A_140 = arith.subi %scan3A_83, %sub3A : i32
          %mul3A_141 = arith.constant 80 : i32
          %mul3A_142 = arith.muli %sub3A_140, %mul3A_141 : i32
          %add3A_143 = arith.addi %mul3A_2, %mul3A_142 : i32
          %dma_wait3A_144 = arith.constant 0 : i32
          %dma_wait3A_145 = tpu.memref_slice %arg6[%add3A_143, %dma_wait3A_144] : memref<160000x128xf32, #tpu.memory_space<hbm>> -> memref<80x128xf32, #tpu.memory_space<hbm>>
          %dma_wait3A_146 = arith.constant 0 : i32
          %dma_wait3A_147 = tpu.memref_slice %arg6[%add3A_143, %dma_wait3A_146] : memref<160000x128xf32, #tpu.memory_space<hbm>> -> memref<80x128xf32, #tpu.memory_space<hbm>>
          tpu.wait_dma2 semaphore(%arg17 : memref<!tpu.dma_semaphore, #tpu.memory_space<semaphore_mem>>) src(%arg12 : memref<80x128xf32, #tpu.memory_space<vmem>>) dst(%dma_wait3A_147 : memref<80x128xf32, #tpu.memory_space<hbm>>)
          %dma_wait3A_148 = arith.constant 0 : i32
          %dma_wait3A_149 = tpu.memref_slice %arg7[%add3A_143, %dma_wait3A_148] : memref<160000x128xf32, #tpu.memory_space<hbm>> -> memref<80x128xf32, #tpu.memory_space<hbm>>
          %dma_wait3A_150 = arith.constant 0 : i32
          %dma_wait3A_151 = tpu.memref_slice %arg7[%add3A_143, %dma_wait3A_150] : memref<160000x128xf32, #tpu.memory_space<hbm>> -> memref<80x128xf32, #tpu.memory_space<hbm>>
          tpu.wait_dma2 semaphore(%arg17 : memref<!tpu.dma_semaphore, #tpu.memory_space<semaphore_mem>>) src(%arg13 : memref<80x128xf32, #tpu.memory_space<vmem>>) dst(%dma_wait3A_151 : memref<80x128xf32, #tpu.memory_space<hbm>>)
        } else {
        }
        %mul3A_123 = arith.constant 80 : i32
        %mul3A_124 = arith.muli %scan3A_83, %mul3A_123 : i32
        %dma_start3A_125 = tpu.memref_slice %arg8[%mul3A_124] : memref<5000xi32, #tpu.memory_space<vmem>> -> memref<80xi32, #tpu.memory_space<vmem>>
        %dma_start3A_126 = arith.constant 0 : i32
        %dma_start3A_127 = arith.constant 0 : i32
        %dma_start3A_128 = tpu.memref_slice %arg2[%dma_start3A_126, %dma_start3A_127] : memref<10000x128xf32, #tpu.memory_space<hbm>> -> memref<10000x128xf32, #tpu.memory_space<hbm>>
        tpu.enqueue_indirect_dma source(%dma_start3A_128 : memref<10000x128xf32, #tpu.memory_space<hbm>>) target(%arg12 : memref<80x128xf32, #tpu.memory_space<vmem>>) offsets(%dma_start3A_125 : memref<80xi32, #tpu.memory_space<vmem>>) semaphore(%arg15 : memref<!tpu.dma_semaphore, #tpu.memory_space<semaphore_mem>>)
        %mul3A_129 = arith.constant 80 : i32
        %mul3A_130 = arith.muli %scan3A_83, %mul3A_129 : i32
        %dma_start3A_131 = tpu.memref_slice %arg9[%mul3A_130] : memref<5000xi32, #tpu.memory_space<vmem>> -> memref<80xi32, #tpu.memory_space<vmem>>
        %dma_start3A_132 = arith.constant 0 : i32
        %dma_start3A_133 = arith.constant 0 : i32
        %dma_start3A_134 = tpu.memref_slice %arg3[%dma_start3A_132, %dma_start3A_133] : memref<10000x128xf32, #tpu.memory_space<hbm>> -> memref<10000x128xf32, #tpu.memory_space<hbm>>
        tpu.enqueue_indirect_dma source(%dma_start3A_134 : memref<10000x128xf32, #tpu.memory_space<hbm>>) target(%arg13 : memref<80x128xf32, #tpu.memory_space<vmem>>) offsets(%dma_start3A_131 : memref<80xi32, #tpu.memory_space<vmem>>) semaphore(%arg15 : memref<!tpu.dma_semaphore, #tpu.memory_space<semaphore_mem>>)
        %ge3A_135 = arith.constant 1 : i32
        %ge3A_136 = arith.cmpi sge, %scan3A_83, %ge3A_135 : i32
        %convert_element_type3A_137 = arith.extui %ge3A_136 : i1 to i32
        %cond3A_138 = arith.constant 0 : i32
        %cond3A_139 = arith.cmpi ne, %convert_element_type3A_137, %cond3A_138 : i32
        scf.if %cond3A_139 {
          %sub3A = arith.constant 1 : i32
          %sub3A_140 = arith.subi %scan3A_83, %sub3A : i32
          %mul3A_141 = arith.constant 80 : i32
          %mul3A_142 = arith.muli %sub3A_140, %mul3A_141 : i32
          %dma_wait3A_143 = tpu.memref_slice %arg8[%mul3A_142] : memref<5000xi32, #tpu.memory_space<vmem>> -> memref<80xi32, #tpu.memory_space<vmem>>
          %dma_wait3A_144 = arith.constant 0 : i32
          %dma_wait3A_145 = arith.constant 0 : i32
          %dma_wait3A_146 = tpu.memref_slice %arg2[%dma_wait3A_144, %dma_wait3A_145] : memref<10000x128xf32, #tpu.memory_space<hbm>> -> memref<10000x128xf32, #tpu.memory_space<hbm>>
          tpu.wait_indirect_dma semaphore(%arg14 : memref<!tpu.dma_semaphore, #tpu.memory_space<semaphore_mem>>) src(%dma_wait3A_146 : memref<10000x128xf32, #tpu.memory_space<hbm>>) dst(%arg10 : memref<80x128xf32, #tpu.memory_space<vmem>>)
          %mul3A_147 = arith.constant 80 : i32
          %mul3A_148 = arith.muli %sub3A_140, %mul3A_147 : i32
          %dma_wait3A_149 = tpu.memref_slice %arg9[%mul3A_148] : memref<5000xi32, #tpu.memory_space<vmem>> -> memref<80xi32, #tpu.memory_space<vmem>>
          %dma_wait3A_150 = arith.constant 0 : i32
          %dma_wait3A_151 = arith.constant 0 : i32
          %dma_wait3A_152 = tpu.memref_slice %arg3[%dma_wait3A_150, %dma_wait3A_151] : memref<10000x128xf32, #tpu.memory_space<hbm>> -> memref<10000x128xf32, #tpu.memory_space<hbm>>
          tpu.wait_indirect_dma semaphore(%arg14 : memref<!tpu.dma_semaphore, #tpu.memory_space<semaphore_mem>>) src(%dma_wait3A_152 : memref<10000x128xf32, #tpu.memory_space<hbm>>) dst(%arg11 : memref<80x128xf32, #tpu.memory_space<vmem>>)
          %mul3A_153 = arith.constant 80 : i32
          %mul3A_154 = arith.muli %sub3A_140, %mul3A_153 : i32
          %add3A_155 = arith.addi %mul3A_2, %mul3A_154 : i32
          %dma_start3A_156 = arith.constant 0 : i32
          %dma_start3A_157 = tpu.memref_slice %arg6[%add3A_155, %dma_start3A_156] : memref<160000x128xf32, #tpu.memory_space<hbm>> -> memref<80x128xf32, #tpu.memory_space<hbm>>
          %dma_start3A_158 = arith.constant 0 : i32
          %dma_start3A_159 = tpu.memref_slice %arg6[%add3A_155, %dma_start3A_158] : memref<160000x128xf32, #tpu.memory_space<hbm>> -> memref<80x128xf32, #tpu.memory_space<hbm>>
          tpu.enqueue_dma source(%arg10 : memref<80x128xf32, #tpu.memory_space<vmem>>) target(%dma_start3A_159 : memref<80x128xf32, #tpu.memory_space<hbm>>) target_semaphore(%arg16 : memref<!tpu.dma_semaphore, #tpu.memory_space<semaphore_mem>>)
          %dma_start3A_160 = arith.constant 0 : i32
          %dma_start3A_161 = tpu.memref_slice %arg7[%add3A_155, %dma_start3A_160] : memref<160000x128xf32, #tpu.memory_space<hbm>> -> memref<80x128xf32, #tpu.memory_space<hbm>>
          %dma_start3A_162 = arith.constant 0 : i32
          %dma_start3A_163 = tpu.memref_slice %arg7[%add3A_155, %dma_start3A_162] : memref<160000x128xf32, #tpu.memory_space<hbm>> -> memref<80x128xf32, #tpu.memory_space<hbm>>
          tpu.enqueue_dma source(%arg11 : memref<80x128xf32, #tpu.memory_space<vmem>>) target(%dma_start3A_163 : memref<80x128xf32, #tpu.memory_space<hbm>>) target_semaphore(%arg16 : memref<!tpu.dma_semaphore, #tpu.memory_space<semaphore_mem>>)
        } else {
        }
      } else {
      }
      %scan3A_118 = arith.constant 0 : i32
      scf.yield %scan3A_118 : i32
    }
    %scan3A_8 = arith.constant 62 : i32
    %dma_wait3A = arith.constant 4880 : i32
    %dma_wait3A_9 = tpu.memref_slice %arg8[%dma_wait3A] : memref<5000xi32, #tpu.memory_space<vmem>> -> memref<80xi32, #tpu.memory_space<vmem>>
    %dma_wait3A_10 = arith.constant 0 : i32
    %dma_wait3A_11 = arith.constant 0 : i32
    %dma_wait3A_12 = tpu.memref_slice %arg2[%dma_wait3A_10, %dma_wait3A_11] : memref<10000x128xf32, #tpu.memory_space<hbm>> -> memref<10000x128xf32, #tpu.memory_space<hbm>>
    tpu.wait_indirect_dma semaphore(%arg15 : memref<!tpu.dma_semaphore, #tpu.memory_space<semaphore_mem>>) src(%dma_wait3A_12 : memref<10000x128xf32, #tpu.memory_space<hbm>>) dst(%arg12 : memref<80x128xf32, #tpu.memory_space<vmem>>)
    %dma_wait3A_13 = arith.constant 4880 : i32
    %dma_wait3A_14 = tpu.memref_slice %arg9[%dma_wait3A_13] : memref<5000xi32, #tpu.memory_space<vmem>> -> memref<80xi32, #tpu.memory_space<vmem>>
    %dma_wait3A_15 = arith.constant 0 : i32
    %dma_wait3A_16 = arith.constant 0 : i32
    %dma_wait3A_17 = tpu.memref_slice %arg3[%dma_wait3A_15, %dma_wait3A_16] : memref<10000x128xf32, #tpu.memory_space<hbm>> -> memref<10000x128xf32, #tpu.memory_space<hbm>>
    tpu.wait_indirect_dma semaphore(%arg15 : memref<!tpu.dma_semaphore, #tpu.memory_space<semaphore_mem>>) src(%dma_wait3A_17 : memref<10000x128xf32, #tpu.memory_space<hbm>>) dst(%arg13 : memref<80x128xf32, #tpu.memory_space<vmem>>)
    %add3A_18 = arith.constant 4880 : i32
    %add3A_19 = arith.addi %mul3A_2, %add3A_18 : i32
    %dma_start3A = arith.constant 0 : i32
    %dma_start3A_20 = tpu.memref_slice %arg6[%add3A_19, %dma_start3A] : memref<160000x128xf32, #tpu.memory_space<hbm>> -> memref<80x128xf32, #tpu.memory_space<hbm>>
    %dma_start3A_21 = arith.constant 0 : i32
    %dma_start3A_22 = tpu.memref_slice %arg6[%add3A_19, %dma_start3A_21] : memref<160000x128xf32, #tpu.memory_space<hbm>> -> memref<80x128xf32, #tpu.memory_space<hbm>>
    tpu.enqueue_dma source(%arg12 : memref<80x128xf32, #tpu.memory_space<vmem>>) target(%dma_start3A_22 : memref<80x128xf32, #tpu.memory_space<hbm>>) target_semaphore(%arg17 : memref<!tpu.dma_semaphore, #tpu.memory_space<semaphore_mem>>)
    %dma_start3A_23 = arith.constant 0 : i32
    %dma_start3A_24 = tpu.memref_slice %arg7[%add3A_19, %dma_start3A_23] : memref<160000x128xf32, #tpu.memory_space<hbm>> -> memref<80x128xf32, #tpu.memory_space<hbm>>
    %dma_start3A_25 = arith.constant 0 : i32
    %dma_start3A_26 = tpu.memref_slice %arg7[%add3A_19, %dma_start3A_25] : memref<160000x128xf32, #tpu.memory_space<hbm>> -> memref<80x128xf32, #tpu.memory_space<hbm>>
    tpu.enqueue_dma source(%arg13 : memref<80x128xf32, #tpu.memory_space<vmem>>) target(%dma_start3A_26 : memref<80x128xf32, #tpu.memory_space<hbm>>) target_semaphore(%arg17 : memref<!tpu.dma_semaphore, #tpu.memory_space<semaphore_mem>>)
    %add3A_27 = arith.constant 4800 : i32
    %add3A_28 = arith.addi %mul3A_2, %add3A_27 : i32
    %dma_wait3A_29 = arith.constant 0 : i32
    %dma_wait3A_30 = tpu.memref_slice %arg6[%add3A_28, %dma_wait3A_29] : memref<160000x128xf32, #tpu.memory_space<hbm>> -> memref<80x128xf32, #tpu.memory_space<hbm>>
    %dma_wait3A_31 = arith.constant 0 : i32
    %dma_wait3A_32 = tpu.memref_slice %arg6[%add3A_28, %dma_wait3A_31] : memref<160000x128xf32, #tpu.memory_space<hbm>> -> memref<80x128xf32, #tpu.memory_space<hbm>>
    tpu.wait_dma2 semaphore(%arg16 : memref<!tpu.dma_semaphore, #tpu.memory_space<semaphore_mem>>) src(%arg10 : memref<80x128xf32, #tpu.memory_space<vmem>>) dst(%dma_wait3A_32 : memref<80x128xf32, #tpu.memory_space<hbm>>)
    %dma_wait3A_33 = arith.constant 0 : i32
    %dma_wait3A_34 = tpu.memref_slice %arg7[%add3A_28, %dma_wait3A_33] : memref<160000x128xf32, #tpu.memory_space<hbm>> -> memref<80x128xf32, #tpu.memory_space<hbm>>
    %dma_wait3A_35 = arith.constant 0 : i32
    %dma_wait3A_36 = tpu.memref_slice %arg7[%add3A_28, %dma_wait3A_35] : memref<160000x128xf32, #tpu.memory_space<hbm>> -> memref<80x128xf32, #tpu.memory_space<hbm>>
    tpu.wait_dma2 semaphore(%arg16 : memref<!tpu.dma_semaphore, #tpu.memory_space<semaphore_mem>>) src(%arg11 : memref<80x128xf32, #tpu.memory_space<vmem>>) dst(%dma_wait3A_36 : memref<80x128xf32, #tpu.memory_space<hbm>>)
    %add3A_37 = arith.constant 4880 : i32
    %add3A_38 = arith.addi %mul3A_2, %add3A_37 : i32
    %dma_wait3A_39 = arith.constant 0 : i32
    %dma_wait3A_40 = tpu.memref_slice %arg6[%add3A_38, %dma_wait3A_39] : memref<160000x128xf32, #tpu.memory_space<hbm>> -> memref<80x128xf32, #tpu.memory_space<hbm>>
    %dma_wait3A_41 = arith.constant 0 : i32
    %dma_wait3A_42 = tpu.memref_slice %arg6[%add3A_38, %dma_wait3A_41] : memref<160000x128xf32, #tpu.memory_space<hbm>> -> memref<80x128xf32, #tpu.memory_space<hbm>>
    tpu.wait_dma2 semaphore(%arg17 : memref<!tpu.dma_semaphore, #tpu.memory_space<semaphore_mem>>) src(%arg12 : memref<80x128xf32, #tpu.memory_space<vmem>>) dst(%dma_wait3A_42 : memref<80x128xf32, #tpu.memory_space<hbm>>)
    %dma_wait3A_43 = arith.constant 0 : i32
    %dma_wait3A_44 = tpu.memref_slice %arg7[%add3A_38, %dma_wait3A_43] : memref<160000x128xf32, #tpu.memory_space<hbm>> -> memref<80x128xf32, #tpu.memory_space<hbm>>
    %dma_wait3A_45 = arith.constant 0 : i32
    %dma_wait3A_46 = tpu.memref_slice %arg7[%add3A_38, %dma_wait3A_45] : memref<160000x128xf32, #tpu.memory_space<hbm>> -> memref<80x128xf32, #tpu.memory_space<hbm>>
    tpu.wait_dma2 semaphore(%arg17 : memref<!tpu.dma_semaphore, #tpu.memory_space<semaphore_mem>>) src(%arg13 : memref<80x128xf32, #tpu.memory_space<vmem>>) dst(%dma_wait3A_46 : memref<80x128xf32, #tpu.memory_space<hbm>>)
    %dma_start3A_47 = arith.constant 0 : i32
    %dma_start3A_48 = arith.constant 0 : i32
    %dma_start3A_49 = tpu.memref_slice %arg10[%dma_start3A_47, %dma_start3A_48] : memref<80x128xf32, #tpu.memory_space<vmem>> -> memref<40x128xf32, #tpu.memory_space<vmem>>
    %dma_start3A_50 = arith.constant 4960 : i32
    %dma_start3A_51 = tpu.memref_slice %arg8[%dma_start3A_50] : memref<5000xi32, #tpu.memory_space<vmem>> -> memref<40xi32, #tpu.memory_space<vmem>>
    %dma_start3A_52 = arith.constant 0 : i32
    %dma_start3A_53 = arith.constant 0 : i32
    %dma_start3A_54 = tpu.memref_slice %arg2[%dma_start3A_52, %dma_start3A_53] : memref<10000x128xf32, #tpu.memory_space<hbm>> -> memref<10000x128xf32, #tpu.memory_space<hbm>>
    tpu.enqueue_indirect_dma source(%dma_start3A_54 : memref<10000x128xf32, #tpu.memory_space<hbm>>) target(%dma_start3A_49 : memref<40x128xf32, #tpu.memory_space<vmem>>) offsets(%dma_start3A_51 : memref<40xi32, #tpu.memory_space<vmem>>) semaphore(%arg14 : memref<!tpu.dma_semaphore, #tpu.memory_space<semaphore_mem>>)
    %dma_wait3A_55 = arith.constant 0 : i32
    %dma_wait3A_56 = arith.constant 0 : i32
    %dma_wait3A_57 = tpu.memref_slice %arg10[%dma_wait3A_55, %dma_wait3A_56] : memref<80x128xf32, #tpu.memory_space<vmem>> -> memref<40x128xf32, #tpu.memory_space<vmem>>
    %dma_wait3A_58 = arith.constant 4960 : i32
    %dma_wait3A_59 = tpu.memref_slice %arg8[%dma_wait3A_58] : memref<5000xi32, #tpu.memory_space<vmem>> -> memref<40xi32, #tpu.memory_space<vmem>>
    %dma_wait3A_60 = arith.constant 0 : i32
    %dma_wait3A_61 = arith.constant 0 : i32
    %dma_wait3A_62 = tpu.memref_slice %arg2[%dma_wait3A_60, %dma_wait3A_61] : memref<10000x128xf32, #tpu.memory_space<hbm>> -> memref<10000x128xf32, #tpu.memory_space<hbm>>
    tpu.wait_indirect_dma semaphore(%arg14 : memref<!tpu.dma_semaphore, #tpu.memory_space<semaphore_mem>>) src(%dma_wait3A_62 : memref<10000x128xf32, #tpu.memory_space<hbm>>) dst(%dma_wait3A_57 : memref<40x128xf32, #tpu.memory_space<vmem>>)
    %dma_start3A_63 = arith.constant 0 : i32
    %dma_start3A_64 = arith.constant 0 : i32
    %dma_start3A_65 = tpu.memref_slice %arg11[%dma_start3A_63, %dma_start3A_64] : memref<80x128xf32, #tpu.memory_space<vmem>> -> memref<40x128xf32, #tpu.memory_space<vmem>>
    %dma_start3A_66 = arith.constant 4960 : i32
    %dma_start3A_67 = tpu.memref_slice %arg9[%dma_start3A_66] : memref<5000xi32, #tpu.memory_space<vmem>> -> memref<40xi32, #tpu.memory_space<vmem>>
    %dma_start3A_68 = arith.constant 0 : i32
    %dma_start3A_69 = arith.constant 0 : i32
    %dma_start3A_70 = tpu.memref_slice %arg3[%dma_start3A_68, %dma_start3A_69] : memref<10000x128xf32, #tpu.memory_space<hbm>> -> memref<10000x128xf32, #tpu.memory_space<hbm>>
    tpu.enqueue_indirect_dma source(%dma_start3A_70 : memref<10000x128xf32, #tpu.memory_space<hbm>>) target(%dma_start3A_65 : memref<40x128xf32, #tpu.memory_space<vmem>>) offsets(%dma_start3A_67 : memref<40xi32, #tpu.memory_space<vmem>>) semaphore(%arg14 : memref<!tpu.dma_semaphore, #tpu.memory_space<semaphore_mem>>)
    %dma_wait3A_71 = arith.constant 0 : i32
    %dma_wait3A_72 = arith.constant 0 : i32
    %dma_wait3A_73 = tpu.memref_slice %arg11[%dma_wait3A_71, %dma_wait3A_72] : memref<80x128xf32, #tpu.memory_space<vmem>> -> memref<40x128xf32, #tpu.memory_space<vmem>>
    %dma_wait3A_74 = arith.constant 4960 : i32
    %dma_wait3A_75 = tpu.memref_slice %arg9[%dma_wait3A_74] : memref<5000xi32, #tpu.memory_space<vmem>> -> memref<40xi32, #tpu.memory_space<vmem>>
    %dma_wait3A_76 = arith.constant 0 : i32
    %dma_wait3A_77 = arith.constant 0 : i32
    %dma_wait3A_78 = tpu.memref_slice %arg3[%dma_wait3A_76, %dma_wait3A_77] : memref<10000x128xf32, #tpu.memory_space<hbm>> -> memref<10000x128xf32, #tpu.memory_space<hbm>>
    tpu.wait_indirect_dma semaphore(%arg14 : memref<!tpu.dma_semaphore, #tpu.memory_space<semaphore_mem>>) src(%dma_wait3A_78 : memref<10000x128xf32, #tpu.memory_space<hbm>>) dst(%dma_wait3A_73 : memref<40x128xf32, #tpu.memory_space<vmem>>)
    %add3A_79 = arith.constant 4960 : i32
    %add3A_80 = arith.addi %mul3A_2, %add3A_79 : i32
    "tpu.region"() ({
      %run_scoped3A = tpu.sem_alloc : memref<!tpu.dma_semaphore, #tpu.memory_space<semaphore_mem>>
      %dma_start3A_83 = arith.constant 0 : i32
      %dma_start3A_84 = arith.constant 0 : i32
      %dma_start3A_85 = tpu.memref_slice %arg10[%dma_start3A_83, %dma_start3A_84] : memref<80x128xf32, #tpu.memory_space<vmem>> -> memref<40x128xf32, #tpu.memory_space<vmem>>
      %dma_start3A_86 = arith.constant 0 : i32
      %dma_start3A_87 = tpu.memref_slice %arg6[%add3A_80, %dma_start3A_86] : memref<160000x128xf32, #tpu.memory_space<hbm>> -> memref<40x128xf32, #tpu.memory_space<hbm>>
      %dma_start3A_88 = arith.constant 0 : i32
      %dma_start3A_89 = tpu.memref_slice %arg6[%add3A_80, %dma_start3A_88] : memref<160000x128xf32, #tpu.memory_space<hbm>> -> memref<40x128xf32, #tpu.memory_space<hbm>>
      %dma_start3A_90 = arith.constant 0 : i32
      %dma_start3A_91 = arith.constant 0 : i32
      %dma_start3A_92 = tpu.memref_slice %arg10[%dma_start3A_90, %dma_start3A_91] : memref<80x128xf32, #tpu.memory_space<vmem>> -> memref<40x128xf32, #tpu.memory_space<vmem>>
      tpu.enqueue_dma source(%dma_start3A_92 : memref<40x128xf32, #tpu.memory_space<vmem>>) target(%dma_start3A_89 : memref<40x128xf32, #tpu.memory_space<hbm>>) target_semaphore(%run_scoped3A : memref<!tpu.dma_semaphore, #tpu.memory_space<semaphore_mem>>)
      %dma_wait3A_93 = arith.constant 0 : i32
      %dma_wait3A_94 = arith.constant 0 : i32
      %dma_wait3A_95 = tpu.memref_slice %arg10[%dma_wait3A_93, %dma_wait3A_94] : memref<80x128xf32, #tpu.memory_space<vmem>> -> memref<40x128xf32, #tpu.memory_space<vmem>>
      %dma_wait3A_96 = arith.constant 0 : i32
      %dma_wait3A_97 = tpu.memref_slice %arg6[%add3A_80, %dma_wait3A_96] : memref<160000x128xf32, #tpu.memory_space<hbm>> -> memref<40x128xf32, #tpu.memory_space<hbm>>
      %dma_wait3A_98 = arith.constant 0 : i32
      %dma_wait3A_99 = tpu.memref_slice %arg6[%add3A_80, %dma_wait3A_98] : memref<160000x128xf32, #tpu.memory_space<hbm>> -> memref<40x128xf32, #tpu.memory_space<hbm>>
      %dma_wait3A_100 = arith.constant 0 : i32
      %dma_wait3A_101 = arith.constant 0 : i32
      %dma_wait3A_102 = tpu.memref_slice %arg10[%dma_wait3A_100, %dma_wait3A_101] : memref<80x128xf32, #tpu.memory_space<vmem>> -> memref<40x128xf32, #tpu.memory_space<vmem>>
      tpu.wait_dma2 semaphore(%run_scoped3A : memref<!tpu.dma_semaphore, #tpu.memory_space<semaphore_mem>>) src(%dma_wait3A_102 : memref<40x128xf32, #tpu.memory_space<vmem>>) dst(%dma_wait3A_99 : memref<40x128xf32, #tpu.memory_space<hbm>>)
      tpu.yield
    }) : () -> ()
    %add3A_81 = arith.constant 4960 : i32
    %add3A_82 = arith.addi %mul3A_2, %add3A_81 : i32
    "tpu.region"() ({
      %run_scoped3A = tpu.sem_alloc : memref<!tpu.dma_semaphore, #tpu.memory_space<semaphore_mem>>
      %dma_start3A_83 = arith.constant 0 : i32
      %dma_start3A_84 = arith.constant 0 : i32
      %dma_start3A_85 = tpu.memref_slice %arg11[%dma_start3A_83, %dma_start3A_84] : memref<80x128xf32, #tpu.memory_space<vmem>> -> memref<40x128xf32, #tpu.memory_space<vmem>>
      %dma_start3A_86 = arith.constant 0 : i32
      %dma_start3A_87 = tpu.memref_slice %arg7[%add3A_82, %dma_start3A_86] : memref<160000x128xf32, #tpu.memory_space<hbm>> -> memref<40x128xf32, #tpu.memory_space<hbm>>
      %dma_start3A_88 = arith.constant 0 : i32
      %dma_start3A_89 = tpu.memref_slice %arg7[%add3A_82, %dma_start3A_88] : memref<160000x128xf32, #tpu.memory_space<hbm>> -> memref<40x128xf32, #tpu.memory_space<hbm>>
      %dma_start3A_90 = arith.constant 0 : i32
      %dma_start3A_91 = arith.constant 0 : i32
      %dma_start3A_92 = tpu.memref_slice %arg11[%dma_start3A_90, %dma_start3A_91] : memref<80x128xf32, #tpu.memory_space<vmem>> -> memref<40x128xf32, #tpu.memory_space<vmem>>
      tpu.enqueue_dma source(%dma_start3A_92 : memref<40x128xf32, #tpu.memory_space<vmem>>) target(%dma_start3A_89 : memref<40x128xf32, #tpu.memory_space<hbm>>) target_semaphore(%run_scoped3A : memref<!tpu.dma_semaphore, #tpu.memory_space<semaphore_mem>>)
      %dma_wait3A_93 = arith.constant 0 : i32
      %dma_wait3A_94 = arith.constant 0 : i32
      %dma_wait3A_95 = tpu.memref_slice %arg11[%dma_wait3A_93, %dma_wait3A_94] : memref<80x128xf32, #tpu.memory_space<vmem>> -> memref<40x128xf32, #tpu.memory_space<vmem>>
      %dma_wait3A_96 = arith.constant 0 : i32
      %dma_wait3A_97 = tpu.memref_slice %arg7[%add3A_82, %dma_wait3A_96] : memref<160000x128xf32, #tpu.memory_space<hbm>> -> memref<40x128xf32, #tpu.memory_space<hbm>>
      %dma_wait3A_98 = arith.constant 0 : i32
      %dma_wait3A_99 = tpu.memref_slice %arg7[%add3A_82, %dma_wait3A_98] : memref<160000x128xf32, #tpu.memory_space<hbm>> -> memref<40x128xf32, #tpu.memory_space<hbm>>
      %dma_wait3A_100 = arith.constant 0 : i32
      %dma_wait3A_101 = arith.constant 0 : i32
      %dma_wait3A_102 = tpu.memref_slice %arg11[%dma_wait3A_100, %dma_wait3A_101] : memref<80x128xf32, #tpu.memory_space<vmem>> -> memref<40x128xf32, #tpu.memory_space<vmem>>
      tpu.wait_dma2 semaphore(%run_scoped3A : memref<!tpu.dma_semaphore, #tpu.memory_space<semaphore_mem>>) src(%dma_wait3A_102 : memref<40x128xf32, #tpu.memory_space<vmem>>) dst(%dma_wait3A_99 : memref<40x128xf32, #tpu.memory_space<hbm>>)
      tpu.yield
    }) : () -> ()
    return
  }
}

#map = affine_map<(d0, d1) -> (0, 0)>
#map1 = affine_map<(d0, d1) -> (0)>
#map2 = affine_map<(d0, d1) -> (0, 0, 0)>
module attributes {stable_mosaic.version = 14 : i64} {
  func.func @_sc_scatter_body(%arg0: i32, %arg1: i32, %arg2: memref<160000x128xf32, #tpu.memory_space<hbm>>, %arg3: memref<1280000xf32, #tpu.memory_space<hbm>>, %arg4: memref<16x125x80xi32, #tpu.memory_space<hbm>>, %arg5: memref<80x128xf32, #tpu.memory_space<hbm>>, %arg6: memref<20000x128xf32, #tpu.memory_space<hbm>>, %arg7: memref<125x80xi32, #tpu.memory_space<vmem>>, %arg8: memref<80x128xf32, #tpu.memory_space<vmem>>, %arg9: memref<656xf32, #tpu.memory_space<vmem>>, %arg10: memref<80x128xf32, #tpu.memory_space<vmem>>, %arg11: memref<656xf32, #tpu.memory_space<vmem>>, %arg12: memref<!tpu.dma_semaphore, #tpu.memory_space<semaphore_mem>>, %arg13: memref<!tpu.dma_semaphore, #tpu.memory_space<semaphore_mem>>, %arg14: memref<!tpu.dma_semaphore, #tpu.memory_space<semaphore_mem>>, %arg15: memref<!tpu.dma_semaphore, #tpu.memory_space<semaphore_mem>>, %arg16: memref<10000x128xf32, #tpu.memory_space<vmem_shared>>) attributes {dimension_semantics = [#tpu.dimension_semantics<core_parallel>, #tpu.dimension_semantics<subcore_parallel>], iteration_bounds = array<i64: 2, 16>, scalar_prefetch = 0 : i64, scratch_operands = 10 : i64, tpu.core_type = #tpu.core_type<sc_vector_subcore>, window_params = [{transform_indices = #map}, {transform_indices = #map1}, {transform_indices = #map2}, {transform_indices = #map}, {transform_indices = #map}]} {
    "tpu.region"() ({
      %run_scoped3A = tpu.sem_alloc : memref<!tpu.dma_semaphore, #tpu.memory_space<semaphore_mem>>
      %dma_start3A_51 = arith.constant 0 : i32
      %dma_start3A_52 = arith.constant 0 : i32
      %dma_start3A_53 = tpu.memref_slice %arg4[%arg1, %dma_start3A_51, %dma_start3A_52] : memref<16x125x80xi32, #tpu.memory_space<hbm>> -> memref<1x125x80xi32, #tpu.memory_space<hbm>>
      %dma_start3A_54 = tpu.memref_squeeze %dma_start3A_53 : memref<1x125x80xi32, #tpu.memory_space<hbm>> -> memref<125x80xi32, #tpu.memory_space<hbm>>
      %dma_start3A_55 = arith.constant 0 : i32
      %dma_start3A_56 = arith.constant 0 : i32
      %dma_start3A_57 = tpu.memref_slice %arg4[%arg1, %dma_start3A_55, %dma_start3A_56] : memref<16x125x80xi32, #tpu.memory_space<hbm>> -> memref<1x125x80xi32, #tpu.memory_space<hbm>>
      %dma_start3A_58 = tpu.memref_squeeze %dma_start3A_57 : memref<1x125x80xi32, #tpu.memory_space<hbm>> -> memref<125x80xi32, #tpu.memory_space<hbm>>
      tpu.enqueue_dma source(%dma_start3A_58 : memref<125x80xi32, #tpu.memory_space<hbm>>) target(%arg7 : memref<125x80xi32, #tpu.memory_space<vmem>>) target_semaphore(%run_scoped3A : memref<!tpu.dma_semaphore, #tpu.memory_space<semaphore_mem>>)
      %dma_wait3A_59 = arith.constant 0 : i32
      %dma_wait3A_60 = arith.constant 0 : i32
      %dma_wait3A_61 = tpu.memref_slice %arg4[%arg1, %dma_wait3A_59, %dma_wait3A_60] : memref<16x125x80xi32, #tpu.memory_space<hbm>> -> memref<1x125x80xi32, #tpu.memory_space<hbm>>
      %dma_wait3A_62 = tpu.memref_squeeze %dma_wait3A_61 : memref<1x125x80xi32, #tpu.memory_space<hbm>> -> memref<125x80xi32, #tpu.memory_space<hbm>>
      %dma_wait3A_63 = arith.constant 0 : i32
      %dma_wait3A_64 = arith.constant 0 : i32
      %dma_wait3A_65 = tpu.memref_slice %arg4[%arg1, %dma_wait3A_63, %dma_wait3A_64] : memref<16x125x80xi32, #tpu.memory_space<hbm>> -> memref<1x125x80xi32, #tpu.memory_space<hbm>>
      %dma_wait3A_66 = tpu.memref_squeeze %dma_wait3A_65 : memref<1x125x80xi32, #tpu.memory_space<hbm>> -> memref<125x80xi32, #tpu.memory_space<hbm>>
      tpu.wait_dma2 semaphore(%run_scoped3A : memref<!tpu.dma_semaphore, #tpu.memory_space<semaphore_mem>>) src(%dma_wait3A_66 : memref<125x80xi32, #tpu.memory_space<hbm>>) dst(%arg7 : memref<125x80xi32, #tpu.memory_space<vmem>>)
      tpu.yield
    }) : () -> ()
    "tpu.region"() ({
      %run_scoped3A = tpu.sem_alloc : memref<!tpu.dma_semaphore, #tpu.memory_space<semaphore_mem>>
      tpu.enqueue_dma source(%arg5 : memref<80x128xf32, #tpu.memory_space<hbm>>) target(%arg8 : memref<80x128xf32, #tpu.memory_space<vmem>>) target_semaphore(%run_scoped3A : memref<!tpu.dma_semaphore, #tpu.memory_space<semaphore_mem>>)
      tpu.wait_dma2 semaphore(%run_scoped3A : memref<!tpu.dma_semaphore, #tpu.memory_space<semaphore_mem>>) src(%arg5 : memref<80x128xf32, #tpu.memory_space<hbm>>) dst(%arg8 : memref<80x128xf32, #tpu.memory_space<vmem>>)
      tpu.yield
    }) : () -> ()
    "tpu.region"() ({
      %run_scoped3A = tpu.sem_alloc : memref<!tpu.dma_semaphore, #tpu.memory_space<semaphore_mem>>
      tpu.enqueue_dma source(%arg5 : memref<80x128xf32, #tpu.memory_space<hbm>>) target(%arg10 : memref<80x128xf32, #tpu.memory_space<vmem>>) target_semaphore(%run_scoped3A : memref<!tpu.dma_semaphore, #tpu.memory_space<semaphore_mem>>)
      tpu.wait_dma2 semaphore(%run_scoped3A : memref<!tpu.dma_semaphore, #tpu.memory_space<semaphore_mem>>) src(%arg5 : memref<80x128xf32, #tpu.memory_space<hbm>>) dst(%arg10 : memref<80x128xf32, #tpu.memory_space<vmem>>)
      tpu.yield
    }) : () -> ()
    %scan3A = arith.constant 0 : i32
    %scan3A_0 = arith.constant 0 : i32
    %scan3A_1 = arith.constant 125 : i32
    %scan3A_2 = arith.addi %scan3A_0, %scan3A_1 : i32
    %scan3A_3 = arith.constant 1 : i32
    %scan3A_4 = scf.for %scan3A_51 = %scan3A_0 to %scan3A_2 step %scan3A_3 iter_args(%scan3A_52 = %scan3A) -> (i32)  : i32 {
      %jit3A = arith.constant 16 : i32
      %eq3A_53 = arith.constant 0 : i32
      %eq3A_54 = arith.cmpi eq, %jit3A, %eq3A_53 : i32
      %jit3A_55 = arith.constant 1 : i32
      %select_n3A = arith.select %eq3A_54, %jit3A_55, %jit3A : i32
      %rem3A = arith.remsi %scan3A_51, %select_n3A : i32
      %ne3A = arith.constant 0 : i32
      %ne3A_56 = arith.cmpi ne, %rem3A, %ne3A : i32
      %lt3A_57 = arith.constant 0 : i32
      %lt3A_58 = arith.cmpi slt, %rem3A, %lt3A_57 : i32
      %lt3A_59 = arith.constant 0 : i32
      %lt3A_60 = arith.cmpi slt, %select_n3A, %lt3A_59 : i32
      %ne3A_61 = arith.xori %lt3A_58, %lt3A_60 : i1
      %and3A = arith.andi %ne3A_61, %ne3A_56 : i1
      %add3A_62 = arith.addi %rem3A, %select_n3A : i32
      %select_n3A_63 = arith.select %and3A, %add3A_62, %rem3A : i32
      %eq3A_64 = arith.cmpi eq, %select_n3A_63, %arg1 : i32
      %convert_element_type3A_65 = arith.extui %eq3A_64 : i1 to i32
      %cond3A_66 = arith.constant 0 : i32
      %cond3A_67 = arith.cmpi ne, %convert_element_type3A_65, %cond3A_66 : i32
      scf.if %cond3A_67 {
        %mul3A_69 = arith.constant 80 : i32
        %mul3A_70 = arith.muli %scan3A_51, %mul3A_69 : i32
        "tpu.region"() ({
          %run_scoped3A = tpu.sem_alloc : memref<!tpu.dma_semaphore, #tpu.memory_space<semaphore_mem>>
          %dma_start3A_71 = arith.constant 0 : i32
          %dma_start3A_72 = tpu.memref_slice %arg16[%mul3A_70, %dma_start3A_71] : memref<10000x128xf32, #tpu.memory_space<vmem_shared>> -> memref<80x128xf32, #tpu.memory_space<vmem_shared>>
          %dma_start3A_73 = arith.constant 0 : i32
          %dma_start3A_74 = tpu.memref_slice %arg16[%mul3A_70, %dma_start3A_73] : memref<10000x128xf32, #tpu.memory_space<vmem_shared>> -> memref<80x128xf32, #tpu.memory_space<vmem_shared>>
          tpu.enqueue_dma source(%arg8 : memref<80x128xf32, #tpu.memory_space<vmem>>) target(%dma_start3A_74 : memref<80x128xf32, #tpu.memory_space<vmem_shared>>) target_semaphore(%run_scoped3A : memref<!tpu.dma_semaphore, #tpu.memory_space<semaphore_mem>>)
          %dma_wait3A_75 = arith.constant 0 : i32
          %dma_wait3A_76 = tpu.memref_slice %arg16[%mul3A_70, %dma_wait3A_75] : memref<10000x128xf32, #tpu.memory_space<vmem_shared>> -> memref<80x128xf32, #tpu.memory_space<vmem_shared>>
          %dma_wait3A_77 = arith.constant 0 : i32
          %dma_wait3A_78 = tpu.memref_slice %arg16[%mul3A_70, %dma_wait3A_77] : memref<10000x128xf32, #tpu.memory_space<vmem_shared>> -> memref<80x128xf32, #tpu.memory_space<vmem_shared>>
          tpu.wait_dma2 semaphore(%run_scoped3A : memref<!tpu.dma_semaphore, #tpu.memory_space<semaphore_mem>>) src(%arg8 : memref<80x128xf32, #tpu.memory_space<vmem>>) dst(%dma_wait3A_78 : memref<80x128xf32, #tpu.memory_space<vmem_shared>>)
          tpu.yield
        }) : () -> ()
      } else {
      }
      %scan3A_68 = arith.constant 0 : i32
      scf.yield %scan3A_68 : i32
    }
    %scan3A_5 = arith.constant 125 : i32
    %barrier3A = arith.constant 0 : index
    tpu.barrier barrier_id(%barrier3A)
    %iota3A = tpu.iota {dimensions = array<i32: 0>} : vector<16xi32>
    %lt3A = arith.constant 8 : i32
    %lt3A_6 = vector.broadcast %lt3A : i32 to vector<16xi32>
    %lt3A_7 = arith.cmpi slt, %iota3A, %lt3A_6 : vector<16xi32>
    %scan3A_8 = arith.constant 0 : i32
    %scan3A_9 = arith.constant 0 : i32
    %scan3A_10 = arith.constant 125 : i32
    %scan3A_11 = arith.addi %scan3A_9, %scan3A_10 : i32
    %scan3A_12 = arith.constant 1 : i32
    %scan3A_13 = scf.for %scan3A_51 = %scan3A_9 to %scan3A_11 step %scan3A_12 iter_args(%scan3A_52 = %scan3A_8) -> (i32)  : i32 {
      %jit3A = arith.constant 2 : i32
      %eq3A_53 = arith.constant 0 : i32
      %eq3A_54 = arith.cmpi eq, %jit3A, %eq3A_53 : i32
      %jit3A_55 = arith.constant 1 : i32
      %select_n3A = arith.select %eq3A_54, %jit3A_55, %jit3A : i32
      %rem3A = arith.remsi %scan3A_51, %select_n3A : i32
      %ne3A = arith.constant 0 : i32
      %ne3A_56 = arith.cmpi ne, %rem3A, %ne3A : i32
      %lt3A_57 = arith.constant 0 : i32
      %lt3A_58 = arith.cmpi slt, %rem3A, %lt3A_57 : i32
      %lt3A_59 = arith.constant 0 : i32
      %lt3A_60 = arith.cmpi slt, %select_n3A, %lt3A_59 : i32
      %ne3A_61 = arith.xori %lt3A_58, %lt3A_60 : i1
      %and3A = arith.andi %ne3A_61, %ne3A_56 : i1
      %add3A_62 = arith.addi %rem3A, %select_n3A : i32
      %select_n3A_63 = arith.select %and3A, %add3A_62, %rem3A : i32
      %eq3A_64 = arith.constant 0 : i32
      %eq3A_65 = arith.cmpi eq, %select_n3A_63, %eq3A_64 : i32
      %convert_element_type3A_66 = arith.extui %eq3A_65 : i1 to i32
      %cond3A_67 = arith.constant 0 : i32
      %cond3A_68 = arith.cmpi ne, %convert_element_type3A_66, %cond3A_67 : i32
      scf.if %cond3A_68 {
        %ge3A = arith.constant 2 : i32
        %ge3A_91 = arith.cmpi sge, %scan3A_51, %ge3A : i32
        %convert_element_type3A_92 = arith.extui %ge3A_91 : i1 to i32
        %cond3A_93 = arith.constant 0 : i32
        %cond3A_94 = arith.cmpi ne, %convert_element_type3A_92, %cond3A_93 : i32
        scf.if %cond3A_94 {
          %sub3A = arith.constant 2 : i32
          %sub3A_115 = arith.subi %scan3A_51, %sub3A : i32
          %dma_wait3A_116 = arith.constant 0 : i32
          %dma_wait3A_117 = tpu.memref_slice %arg7[%sub3A_115, %dma_wait3A_116] : memref<125x80xi32, #tpu.memory_space<vmem>> -> memref<1x80xi32, #tpu.memory_space<vmem>>
          %dma_wait3A_118 = tpu.memref_squeeze %dma_wait3A_117 : memref<1x80xi32, #tpu.memory_space<vmem>> -> memref<80xi32, #tpu.memory_space<vmem>>
          %dma_wait3A_119 = arith.constant 0 : i32
          %dma_wait3A_120 = arith.constant 0 : i32
          %dma_wait3A_121 = tpu.memref_slice %arg16[%dma_wait3A_119, %dma_wait3A_120] : memref<10000x128xf32, #tpu.memory_space<vmem_shared>> -> memref<10000x128xf32, #tpu.memory_space<vmem_shared>>
          tpu.wait_indirect_dma semaphore(%arg14 : memref<!tpu.dma_semaphore, #tpu.memory_space<semaphore_mem>>) src(%arg8 : memref<80x128xf32, #tpu.memory_space<vmem>>) dst(%dma_wait3A_121 : memref<10000x128xf32, #tpu.memory_space<vmem_shared>>)
        } else {
        }
        %mul3A_95 = arith.constant 10000 : i32
        %mul3A_96 = arith.muli %arg1, %mul3A_95 : i32
        %mul3A_97 = arith.constant 80 : i32
        %mul3A_98 = arith.muli %scan3A_51, %mul3A_97 : i32
        %add3A_99 = arith.addi %mul3A_96, %mul3A_98 : i32
        %eq3A_100 = arith.constant 0 : i32
        %eq3A_101 = arith.cmpi eq, %arg0, %eq3A_100 : i32
        %convert_element_type3A_102 = arith.extui %eq3A_101 : i1 to i32
        %cond3A_103 = arith.constant 0 : i32
        %cond3A_104 = arith.cmpi ne, %convert_element_type3A_102, %cond3A_103 : i32
        scf.if %cond3A_104 {
          %dma_start3A_115 = arith.constant 0 : i32
          %dma_start3A_116 = tpu.memref_slice %arg2[%add3A_99, %dma_start3A_115] : memref<160000x128xf32, #tpu.memory_space<hbm>> -> memref<80x128xf32, #tpu.memory_space<hbm>>
          %dma_start3A_117 = arith.constant 0 : i32
          %dma_start3A_118 = tpu.memref_slice %arg2[%add3A_99, %dma_start3A_117] : memref<160000x128xf32, #tpu.memory_space<hbm>> -> memref<80x128xf32, #tpu.memory_space<hbm>>
          tpu.enqueue_dma source(%dma_start3A_118 : memref<80x128xf32, #tpu.memory_space<hbm>>) target(%arg8 : memref<80x128xf32, #tpu.memory_space<vmem>>) target_semaphore(%arg12 : memref<!tpu.dma_semaphore, #tpu.memory_space<semaphore_mem>>)
        } else {
        }
        %eq3A_105 = arith.constant 1 : i32
        %eq3A_106 = arith.cmpi eq, %arg0, %eq3A_105 : i32
        %convert_element_type3A_107 = arith.extui %eq3A_106 : i1 to i32
        %cond3A_108 = arith.constant 0 : i32
        %cond3A_109 = arith.cmpi ne, %convert_element_type3A_107, %cond3A_108 : i32
        scf.if %cond3A_109 {
          %mul3A_115 = arith.constant 8 : i32
          %mul3A_116 = arith.muli %add3A_99, %mul3A_115 : i32
          %dma_start3A_117 = arith.constant 0 : i32
          %dma_start3A_118 = tpu.memref_slice %arg9[%dma_start3A_117] : memref<656xf32, #tpu.memory_space<vmem>> -> memref<640xf32, #tpu.memory_space<vmem>>
          %dma_start3A_119 = tpu.memref_slice %arg3[%mul3A_116] : memref<1280000xf32, #tpu.memory_space<hbm>> -> memref<640xf32, #tpu.memory_space<hbm>>
          %dma_start3A_120 = arith.constant 0 : i32
          %dma_start3A_121 = tpu.memref_slice %arg9[%dma_start3A_120] : memref<656xf32, #tpu.memory_space<vmem>> -> memref<640xf32, #tpu.memory_space<vmem>>
          %dma_start3A_122 = tpu.memref_slice %arg3[%mul3A_116] : memref<1280000xf32, #tpu.memory_space<hbm>> -> memref<640xf32, #tpu.memory_space<hbm>>
          tpu.enqueue_dma source(%dma_start3A_122 : memref<640xf32, #tpu.memory_space<hbm>>) target(%dma_start3A_121 : memref<640xf32, #tpu.memory_space<vmem>>) target_semaphore(%arg12 : memref<!tpu.dma_semaphore, #tpu.memory_space<semaphore_mem>>)
        } else {
        }
        %ge3A_110 = arith.constant 1 : i32
        %ge3A_111 = arith.cmpi sge, %scan3A_51, %ge3A_110 : i32
        %convert_element_type3A_112 = arith.extui %ge3A_111 : i1 to i32
        %cond3A_113 = arith.constant 0 : i32
        %cond3A_114 = arith.cmpi ne, %convert_element_type3A_112, %cond3A_113 : i32
        scf.if %cond3A_114 {
          %sub3A = arith.constant 1 : i32
          %sub3A_115 = arith.subi %scan3A_51, %sub3A : i32
          %mul3A_116 = arith.constant 10000 : i32
          %mul3A_117 = arith.muli %arg1, %mul3A_116 : i32
          %mul3A_118 = arith.constant 80 : i32
          %mul3A_119 = arith.muli %sub3A_115, %mul3A_118 : i32
          %add3A_120 = arith.addi %mul3A_117, %mul3A_119 : i32
          %eq3A_121 = arith.constant 0 : i32
          %eq3A_122 = arith.cmpi eq, %arg0, %eq3A_121 : i32
          %convert_element_type3A_123 = arith.extui %eq3A_122 : i1 to i32
          %cond3A_124 = arith.constant 0 : i32
          %cond3A_125 = arith.cmpi ne, %convert_element_type3A_123, %cond3A_124 : i32
          scf.if %cond3A_125 {
            %dma_wait3A_137 = arith.constant 0 : i32
            %dma_wait3A_138 = tpu.memref_slice %arg2[%add3A_120, %dma_wait3A_137] : memref<160000x128xf32, #tpu.memory_space<hbm>> -> memref<80x128xf32, #tpu.memory_space<hbm>>
            %dma_wait3A_139 = arith.constant 0 : i32
            %dma_wait3A_140 = tpu.memref_slice %arg2[%add3A_120, %dma_wait3A_139] : memref<160000x128xf32, #tpu.memory_space<hbm>> -> memref<80x128xf32, #tpu.memory_space<hbm>>
            tpu.wait_dma2 semaphore(%arg13 : memref<!tpu.dma_semaphore, #tpu.memory_space<semaphore_mem>>) src(%dma_wait3A_140 : memref<80x128xf32, #tpu.memory_space<hbm>>) dst(%arg10 : memref<80x128xf32, #tpu.memory_space<vmem>>)
          } else {
          }
          %eq3A_126 = arith.constant 1 : i32
          %eq3A_127 = arith.cmpi eq, %arg0, %eq3A_126 : i32
          %convert_element_type3A_128 = arith.extui %eq3A_127 : i1 to i32
          %cond3A_129 = arith.constant 0 : i32
          %cond3A_130 = arith.cmpi ne, %convert_element_type3A_128, %cond3A_129 : i32
          scf.if %cond3A_130 {
            %mul3A_137 = arith.constant 8 : i32
            %mul3A_138 = arith.muli %add3A_120, %mul3A_137 : i32
            %dma_wait3A_139 = arith.constant 0 : i32
            %dma_wait3A_140 = tpu.memref_slice %arg11[%dma_wait3A_139] : memref<656xf32, #tpu.memory_space<vmem>> -> memref<640xf32, #tpu.memory_space<vmem>>
            %dma_wait3A_141 = tpu.memref_slice %arg3[%mul3A_138] : memref<1280000xf32, #tpu.memory_space<hbm>> -> memref<640xf32, #tpu.memory_space<hbm>>
            %dma_wait3A_142 = arith.constant 0 : i32
            %dma_wait3A_143 = tpu.memref_slice %arg11[%dma_wait3A_142] : memref<656xf32, #tpu.memory_space<vmem>> -> memref<640xf32, #tpu.memory_space<vmem>>
            %dma_wait3A_144 = tpu.memref_slice %arg3[%mul3A_138] : memref<1280000xf32, #tpu.memory_space<hbm>> -> memref<640xf32, #tpu.memory_space<hbm>>
            tpu.wait_dma2 semaphore(%arg13 : memref<!tpu.dma_semaphore, #tpu.memory_space<semaphore_mem>>) src(%dma_wait3A_144 : memref<640xf32, #tpu.memory_space<hbm>>) dst(%dma_wait3A_143 : memref<640xf32, #tpu.memory_space<vmem>>)
            %scan3A_145 = arith.constant 0 : i32
            %scan3A_146 = arith.constant 0 : i32
            %scan3A_147 = arith.constant 80 : i32
            %scan3A_148 = arith.addi %scan3A_146, %scan3A_147 : i32
            %scan3A_149 = arith.constant 1 : i32
            %scan3A_150 = scf.for %scan3A_152 = %scan3A_146 to %scan3A_148 step %scan3A_149 iter_args(%scan3A_153 = %scan3A_145) -> (i32)  : i32 {
              %mul3A_154 = arith.constant 8 : i32
              %mul3A_155 = arith.muli %scan3A_152, %mul3A_154 : i32
              %get3A = arith.index_cast %mul3A_155 : i32 to index
              %get3A_156 = tpu.vector_load %arg11[%get3A] {strides = array<i32>} : memref<656xf32, #tpu.memory_space<vmem>>, vector<16xf32>,
              %get3A_157 = vector.shape_cast %get3A_156 : vector<16xf32> to vector<16xf32>
              %jit3A_158 = arith.constant 0.000000e+00 : f32
              %broadcast_in_dim3A = vector.broadcast %jit3A_158 : f32 to vector<16xf32>
              %select_n3A_159 = arith.select %lt3A_7, %get3A_157, %broadcast_in_dim3A : vector<16xi1>, vector<16xf32>
              %swap3A = arith.index_cast %scan3A_152 : i32 to index
              %swap3A_160 = arith.constant 0 : index
              %swap3A_161 = tpu.vector_load %arg10[%swap3A, %swap3A_160] {strides = array<i32>} : memref<80x128xf32, #tpu.memory_space<vmem>>, vector<1x16xf32>,
              %swap3A_162 = vector.shape_cast %swap3A_161 : vector<1x16xf32> to vector<16xf32>
              %swap3A_163 = vector.shape_cast %select_n3A_159 : vector<16xf32> to vector<1x16xf32>
              tpu.vector_store %arg10[%swap3A, %swap3A_160], %swap3A_163 {strides = array<i32>} : memref<80x128xf32, #tpu.memory_space<vmem>>, vector<1x16xf32>,
              %scan3A_164 = arith.constant 0 : i32
              scf.yield %scan3A_164 : i32
            }
            %scan3A_151 = arith.constant 80 : i32
          } else {
          }
          %dma_start3A_131 = arith.constant 0 : i32
          %dma_start3A_132 = tpu.memref_slice %arg7[%sub3A_115, %dma_start3A_131] : memref<125x80xi32, #tpu.memory_space<vmem>> -> memref<1x80xi32, #tpu.memory_space<vmem>>
          %dma_start3A_133 = tpu.memref_squeeze %dma_start3A_132 : memref<1x80xi32, #tpu.memory_space<vmem>> -> memref<80xi32, #tpu.memory_space<vmem>>
          %dma_start3A_134 = arith.constant 0 : i32
          %dma_start3A_135 = arith.constant 0 : i32
          %dma_start3A_136 = tpu.memref_slice %arg16[%dma_start3A_134, %dma_start3A_135] : memref<10000x128xf32, #tpu.memory_space<vmem_shared>> -> memref<10000x128xf32, #tpu.memory_space<vmem_shared>>
          tpu.enqueue_indirect_dma source(%arg10 : memref<80x128xf32, #tpu.memory_space<vmem>>) target(%dma_start3A_136 : memref<10000x128xf32, #tpu.memory_space<vmem_shared>>) offsets(%dma_start3A_133 : memref<80xi32, #tpu.memory_space<vmem>>) semaphore(%arg15 : memref<!tpu.dma_semaphore, #tpu.memory_space<semaphore_mem>>) {add = true}
        } else {
        }
      } else {
      }
      %jit3A_69 = arith.constant 2 : i32
      %eq3A_70 = arith.constant 0 : i32
      %eq3A_71 = arith.cmpi eq, %jit3A_69, %eq3A_70 : i32
      %jit3A_72 = arith.constant 1 : i32
      %select_n3A_73 = arith.select %eq3A_71, %jit3A_72, %jit3A_69 : i32
      %rem3A_74 = arith.remsi %scan3A_51, %select_n3A_73 : i32
      %ne3A_75 = arith.constant 0 : i32
      %ne3A_76 = arith.cmpi ne, %rem3A_74, %ne3A_75 : i32
      %lt3A_77 = arith.constant 0 : i32
      %lt3A_78 = arith.cmpi slt, %rem3A_74, %lt3A_77 : i32
      %lt3A_79 = arith.constant 0 : i32
      %lt3A_80 = arith.cmpi slt, %select_n3A_73, %lt3A_79 : i32
      %ne3A_81 = arith.xori %lt3A_78, %lt3A_80 : i1
      %and3A_82 = arith.andi %ne3A_81, %ne3A_76 : i1
      %add3A_83 = arith.addi %rem3A_74, %select_n3A_73 : i32
      %select_n3A_84 = arith.select %and3A_82, %add3A_83, %rem3A_74 : i32
      %eq3A_85 = arith.constant 1 : i32
      %eq3A_86 = arith.cmpi eq, %select_n3A_84, %eq3A_85 : i32
      %convert_element_type3A_87 = arith.extui %eq3A_86 : i1 to i32
      %cond3A_88 = arith.constant 0 : i32
      %cond3A_89 = arith.cmpi ne, %convert_element_type3A_87, %cond3A_88 : i32
      scf.if %cond3A_89 {
        %ge3A = arith.constant 2 : i32
        %ge3A_91 = arith.cmpi sge, %scan3A_51, %ge3A : i32
        %convert_element_type3A_92 = arith.extui %ge3A_91 : i1 to i32
        %cond3A_93 = arith.constant 0 : i32
        %cond3A_94 = arith.cmpi ne, %convert_element_type3A_92, %cond3A_93 : i32
        scf.if %cond3A_94 {
          %sub3A = arith.constant 2 : i32
          %sub3A_115 = arith.subi %scan3A_51, %sub3A : i32
          %dma_wait3A_116 = arith.constant 0 : i32
          %dma_wait3A_117 = tpu.memref_slice %arg7[%sub3A_115, %dma_wait3A_116] : memref<125x80xi32, #tpu.memory_space<vmem>> -> memref<1x80xi32, #tpu.memory_space<vmem>>
          %dma_wait3A_118 = tpu.memref_squeeze %dma_wait3A_117 : memref<1x80xi32, #tpu.memory_space<vmem>> -> memref<80xi32, #tpu.memory_space<vmem>>
          %dma_wait3A_119 = arith.constant 0 : i32
          %dma_wait3A_120 = arith.constant 0 : i32
          %dma_wait3A_121 = tpu.memref_slice %arg16[%dma_wait3A_119, %dma_wait3A_120] : memref<10000x128xf32, #tpu.memory_space<vmem_shared>> -> memref<10000x128xf32, #tpu.memory_space<vmem_shared>>
          tpu.wait_indirect_dma semaphore(%arg15 : memref<!tpu.dma_semaphore, #tpu.memory_space<semaphore_mem>>) src(%arg10 : memref<80x128xf32, #tpu.memory_space<vmem>>) dst(%dma_wait3A_121 : memref<10000x128xf32, #tpu.memory_space<vmem_shared>>)
        } else {
        }
        %mul3A_95 = arith.constant 10000 : i32
        %mul3A_96 = arith.muli %arg1, %mul3A_95 : i32
        %mul3A_97 = arith.constant 80 : i32
        %mul3A_98 = arith.muli %scan3A_51, %mul3A_97 : i32
        %add3A_99 = arith.addi %mul3A_96, %mul3A_98 : i32
        %eq3A_100 = arith.constant 0 : i32
        %eq3A_101 = arith.cmpi eq, %arg0, %eq3A_100 : i32
        %convert_element_type3A_102 = arith.extui %eq3A_101 : i1 to i32
        %cond3A_103 = arith.constant 0 : i32
        %cond3A_104 = arith.cmpi ne, %convert_element_type3A_102, %cond3A_103 : i32
        scf.if %cond3A_104 {
          %dma_start3A_115 = arith.constant 0 : i32
          %dma_start3A_116 = tpu.memref_slice %arg2[%add3A_99, %dma_start3A_115] : memref<160000x128xf32, #tpu.memory_space<hbm>> -> memref<80x128xf32, #tpu.memory_space<hbm>>
          %dma_start3A_117 = arith.constant 0 : i32
          %dma_start3A_118 = tpu.memref_slice %arg2[%add3A_99, %dma_start3A_117] : memref<160000x128xf32, #tpu.memory_space<hbm>> -> memref<80x128xf32, #tpu.memory_space<hbm>>
          tpu.enqueue_dma source(%dma_start3A_118 : memref<80x128xf32, #tpu.memory_space<hbm>>) target(%arg10 : memref<80x128xf32, #tpu.memory_space<vmem>>) target_semaphore(%arg13 : memref<!tpu.dma_semaphore, #tpu.memory_space<semaphore_mem>>)
        } else {
        }
        %eq3A_105 = arith.constant 1 : i32
        %eq3A_106 = arith.cmpi eq, %arg0, %eq3A_105 : i32
        %convert_element_type3A_107 = arith.extui %eq3A_106 : i1 to i32
        %cond3A_108 = arith.constant 0 : i32
        %cond3A_109 = arith.cmpi ne, %convert_element_type3A_107, %cond3A_108 : i32
        scf.if %cond3A_109 {
          %mul3A_115 = arith.constant 8 : i32
          %mul3A_116 = arith.muli %add3A_99, %mul3A_115 : i32
          %dma_start3A_117 = arith.constant 0 : i32
          %dma_start3A_118 = tpu.memref_slice %arg11[%dma_start3A_117] : memref<656xf32, #tpu.memory_space<vmem>> -> memref<640xf32, #tpu.memory_space<vmem>>
          %dma_start3A_119 = tpu.memref_slice %arg3[%mul3A_116] : memref<1280000xf32, #tpu.memory_space<hbm>> -> memref<640xf32, #tpu.memory_space<hbm>>
          %dma_start3A_120 = arith.constant 0 : i32
          %dma_start3A_121 = tpu.memref_slice %arg11[%dma_start3A_120] : memref<656xf32, #tpu.memory_space<vmem>> -> memref<640xf32, #tpu.memory_space<vmem>>
          %dma_start3A_122 = tpu.memref_slice %arg3[%mul3A_116] : memref<1280000xf32, #tpu.memory_space<hbm>> -> memref<640xf32, #tpu.memory_space<hbm>>
          tpu.enqueue_dma source(%dma_start3A_122 : memref<640xf32, #tpu.memory_space<hbm>>) target(%dma_start3A_121 : memref<640xf32, #tpu.memory_space<vmem>>) target_semaphore(%arg13 : memref<!tpu.dma_semaphore, #tpu.memory_space<semaphore_mem>>)
        } else {
        }
        %ge3A_110 = arith.constant 1 : i32
        %ge3A_111 = arith.cmpi sge, %scan3A_51, %ge3A_110 : i32
        %convert_element_type3A_112 = arith.extui %ge3A_111 : i1 to i32
        %cond3A_113 = arith.constant 0 : i32
        %cond3A_114 = arith.cmpi ne, %convert_element_type3A_112, %cond3A_113 : i32
        scf.if %cond3A_114 {
          %sub3A = arith.constant 1 : i32
          %sub3A_115 = arith.subi %scan3A_51, %sub3A : i32
          %mul3A_116 = arith.constant 10000 : i32
          %mul3A_117 = arith.muli %arg1, %mul3A_116 : i32
          %mul3A_118 = arith.constant 80 : i32
          %mul3A_119 = arith.muli %sub3A_115, %mul3A_118 : i32
          %add3A_120 = arith.addi %mul3A_117, %mul3A_119 : i32
          %eq3A_121 = arith.constant 0 : i32
          %eq3A_122 = arith.cmpi eq, %arg0, %eq3A_121 : i32
          %convert_element_type3A_123 = arith.extui %eq3A_122 : i1 to i32
          %cond3A_124 = arith.constant 0 : i32
          %cond3A_125 = arith.cmpi ne, %convert_element_type3A_123, %cond3A_124 : i32
          scf.if %cond3A_125 {
            %dma_wait3A_137 = arith.constant 0 : i32
            %dma_wait3A_138 = tpu.memref_slice %arg2[%add3A_120, %dma_wait3A_137] : memref<160000x128xf32, #tpu.memory_space<hbm>> -> memref<80x128xf32, #tpu.memory_space<hbm>>
            %dma_wait3A_139 = arith.constant 0 : i32
            %dma_wait3A_140 = tpu.memref_slice %arg2[%add3A_120, %dma_wait3A_139] : memref<160000x128xf32, #tpu.memory_space<hbm>> -> memref<80x128xf32, #tpu.memory_space<hbm>>
            tpu.wait_dma2 semaphore(%arg12 : memref<!tpu.dma_semaphore, #tpu.memory_space<semaphore_mem>>) src(%dma_wait3A_140 : memref<80x128xf32, #tpu.memory_space<hbm>>) dst(%arg8 : memref<80x128xf32, #tpu.memory_space<vmem>>)
          } else {
          }
          %eq3A_126 = arith.constant 1 : i32
          %eq3A_127 = arith.cmpi eq, %arg0, %eq3A_126 : i32
          %convert_element_type3A_128 = arith.extui %eq3A_127 : i1 to i32
          %cond3A_129 = arith.constant 0 : i32
          %cond3A_130 = arith.cmpi ne, %convert_element_type3A_128, %cond3A_129 : i32
          scf.if %cond3A_130 {
            %mul3A_137 = arith.constant 8 : i32
            %mul3A_138 = arith.muli %add3A_120, %mul3A_137 : i32
            %dma_wait3A_139 = arith.constant 0 : i32
            %dma_wait3A_140 = tpu.memref_slice %arg9[%dma_wait3A_139] : memref<656xf32, #tpu.memory_space<vmem>> -> memref<640xf32, #tpu.memory_space<vmem>>
            %dma_wait3A_141 = tpu.memref_slice %arg3[%mul3A_138] : memref<1280000xf32, #tpu.memory_space<hbm>> -> memref<640xf32, #tpu.memory_space<hbm>>
            %dma_wait3A_142 = arith.constant 0 : i32
            %dma_wait3A_143 = tpu.memref_slice %arg9[%dma_wait3A_142] : memref<656xf32, #tpu.memory_space<vmem>> -> memref<640xf32, #tpu.memory_space<vmem>>
            %dma_wait3A_144 = tpu.memref_slice %arg3[%mul3A_138] : memref<1280000xf32, #tpu.memory_space<hbm>> -> memref<640xf32, #tpu.memory_space<hbm>>
            tpu.wait_dma2 semaphore(%arg12 : memref<!tpu.dma_semaphore, #tpu.memory_space<semaphore_mem>>) src(%dma_wait3A_144 : memref<640xf32, #tpu.memory_space<hbm>>) dst(%dma_wait3A_143 : memref<640xf32, #tpu.memory_space<vmem>>)
            %scan3A_145 = arith.constant 0 : i32
            %scan3A_146 = arith.constant 0 : i32
            %scan3A_147 = arith.constant 80 : i32
            %scan3A_148 = arith.addi %scan3A_146, %scan3A_147 : i32
            %scan3A_149 = arith.constant 1 : i32
            %scan3A_150 = scf.for %scan3A_152 = %scan3A_146 to %scan3A_148 step %scan3A_149 iter_args(%scan3A_153 = %scan3A_145) -> (i32)  : i32 {
              %mul3A_154 = arith.constant 8 : i32
              %mul3A_155 = arith.muli %scan3A_152, %mul3A_154 : i32
              %get3A = arith.index_cast %mul3A_155 : i32 to index
              %get3A_156 = tpu.vector_load %arg9[%get3A] {strides = array<i32>} : memref<656xf32, #tpu.memory_space<vmem>>, vector<16xf32>,
              %get3A_157 = vector.shape_cast %get3A_156 : vector<16xf32> to vector<16xf32>
              %jit3A_158 = arith.constant 0.000000e+00 : f32
              %broadcast_in_dim3A = vector.broadcast %jit3A_158 : f32 to vector<16xf32>
              %select_n3A_159 = arith.select %lt3A_7, %get3A_157, %broadcast_in_dim3A : vector<16xi1>, vector<16xf32>
              %swap3A = arith.index_cast %scan3A_152 : i32 to index
              %swap3A_160 = arith.constant 0 : index
              %swap3A_161 = tpu.vector_load %arg8[%swap3A, %swap3A_160] {strides = array<i32>} : memref<80x128xf32, #tpu.memory_space<vmem>>, vector<1x16xf32>,
              %swap3A_162 = vector.shape_cast %swap3A_161 : vector<1x16xf32> to vector<16xf32>
              %swap3A_163 = vector.shape_cast %select_n3A_159 : vector<16xf32> to vector<1x16xf32>
              tpu.vector_store %arg8[%swap3A, %swap3A_160], %swap3A_163 {strides = array<i32>} : memref<80x128xf32, #tpu.memory_space<vmem>>, vector<1x16xf32>,
              %scan3A_164 = arith.constant 0 : i32
              scf.yield %scan3A_164 : i32
            }
            %scan3A_151 = arith.constant 80 : i32
          } else {
          }
          %dma_start3A_131 = arith.constant 0 : i32
          %dma_start3A_132 = tpu.memref_slice %arg7[%sub3A_115, %dma_start3A_131] : memref<125x80xi32, #tpu.memory_space<vmem>> -> memref<1x80xi32, #tpu.memory_space<vmem>>
          %dma_start3A_133 = tpu.memref_squeeze %dma_start3A_132 : memref<1x80xi32, #tpu.memory_space<vmem>> -> memref<80xi32, #tpu.memory_space<vmem>>
          %dma_start3A_134 = arith.constant 0 : i32
          %dma_start3A_135 = arith.constant 0 : i32
          %dma_start3A_136 = tpu.memref_slice %arg16[%dma_start3A_134, %dma_start3A_135] : memref<10000x128xf32, #tpu.memory_space<vmem_shared>> -> memref<10000x128xf32, #tpu.memory_space<vmem_shared>>
          tpu.enqueue_indirect_dma source(%arg8 : memref<80x128xf32, #tpu.memory_space<vmem>>) target(%dma_start3A_136 : memref<10000x128xf32, #tpu.memory_space<vmem_shared>>) offsets(%dma_start3A_133 : memref<80xi32, #tpu.memory_space<vmem>>) semaphore(%arg14 : memref<!tpu.dma_semaphore, #tpu.memory_space<semaphore_mem>>) {add = true}
        } else {
        }
      } else {
      }
      %scan3A_90 = arith.constant 0 : i32
      scf.yield %scan3A_90 : i32
    }
    %scan3A_14 = arith.constant 125 : i32
    %mul3A = arith.constant 10000 : i32
    %mul3A_15 = arith.muli %arg1, %mul3A : i32
    %add3A = arith.constant 9920 : i32
    %add3A_16 = arith.addi %mul3A_15, %add3A : i32
    %eq3A = arith.constant 0 : i32
    %eq3A_17 = arith.cmpi eq, %arg0, %eq3A : i32
    %convert_element_type3A = arith.extui %eq3A_17 : i1 to i32
    %cond3A = arith.constant 0 : i32
    %cond3A_18 = arith.cmpi ne, %convert_element_type3A, %cond3A : i32
    scf.if %cond3A_18 {
      %dma_wait3A_51 = arith.constant 0 : i32
      %dma_wait3A_52 = tpu.memref_slice %arg2[%add3A_16, %dma_wait3A_51] : memref<160000x128xf32, #tpu.memory_space<hbm>> -> memref<80x128xf32, #tpu.memory_space<hbm>>
      %dma_wait3A_53 = arith.constant 0 : i32
      %dma_wait3A_54 = tpu.memref_slice %arg2[%add3A_16, %dma_wait3A_53] : memref<160000x128xf32, #tpu.memory_space<hbm>> -> memref<80x128xf32, #tpu.memory_space<hbm>>
      tpu.wait_dma2 semaphore(%arg12 : memref<!tpu.dma_semaphore, #tpu.memory_space<semaphore_mem>>) src(%dma_wait3A_54 : memref<80x128xf32, #tpu.memory_space<hbm>>) dst(%arg8 : memref<80x128xf32, #tpu.memory_space<vmem>>)
    } else {
    }
    %eq3A_19 = arith.constant 1 : i32
    %eq3A_20 = arith.cmpi eq, %arg0, %eq3A_19 : i32
    %convert_element_type3A_21 = arith.extui %eq3A_20 : i1 to i32
    %cond3A_22 = arith.constant 0 : i32
    %cond3A_23 = arith.cmpi ne, %convert_element_type3A_21, %cond3A_22 : i32
    scf.if %cond3A_23 {
      %mul3A_51 = arith.constant 8 : i32
      %mul3A_52 = arith.muli %add3A_16, %mul3A_51 : i32
      %dma_wait3A_53 = arith.constant 0 : i32
      %dma_wait3A_54 = tpu.memref_slice %arg9[%dma_wait3A_53] : memref<656xf32, #tpu.memory_space<vmem>> -> memref<640xf32, #tpu.memory_space<vmem>>
      %dma_wait3A_55 = tpu.memref_slice %arg3[%mul3A_52] : memref<1280000xf32, #tpu.memory_space<hbm>> -> memref<640xf32, #tpu.memory_space<hbm>>
      %dma_wait3A_56 = arith.constant 0 : i32
      %dma_wait3A_57 = tpu.memref_slice %arg9[%dma_wait3A_56] : memref<656xf32, #tpu.memory_space<vmem>> -> memref<640xf32, #tpu.memory_space<vmem>>
      %dma_wait3A_58 = tpu.memref_slice %arg3[%mul3A_52] : memref<1280000xf32, #tpu.memory_space<hbm>> -> memref<640xf32, #tpu.memory_space<hbm>>
      tpu.wait_dma2 semaphore(%arg12 : memref<!tpu.dma_semaphore, #tpu.memory_space<semaphore_mem>>) src(%dma_wait3A_58 : memref<640xf32, #tpu.memory_space<hbm>>) dst(%dma_wait3A_57 : memref<640xf32, #tpu.memory_space<vmem>>)
      %scan3A_59 = arith.constant 0 : i32
      %scan3A_60 = arith.constant 0 : i32
      %scan3A_61 = arith.constant 80 : i32
      %scan3A_62 = arith.addi %scan3A_60, %scan3A_61 : i32
      %scan3A_63 = arith.constant 1 : i32
      %scan3A_64 = scf.for %scan3A_66 = %scan3A_60 to %scan3A_62 step %scan3A_63 iter_args(%scan3A_67 = %scan3A_59) -> (i32)  : i32 {
        %mul3A_68 = arith.constant 8 : i32
        %mul3A_69 = arith.muli %scan3A_66, %mul3A_68 : i32
        %get3A = arith.index_cast %mul3A_69 : i32 to index
        %get3A_70 = tpu.vector_load %arg9[%get3A] {strides = array<i32>} : memref<656xf32, #tpu.memory_space<vmem>>, vector<16xf32>,
        %get3A_71 = vector.shape_cast %get3A_70 : vector<16xf32> to vector<16xf32>
        %jit3A = arith.constant 0.000000e+00 : f32
        %broadcast_in_dim3A = vector.broadcast %jit3A : f32 to vector<16xf32>
        %select_n3A = arith.select %lt3A_7, %get3A_71, %broadcast_in_dim3A : vector<16xi1>, vector<16xf32>
        %swap3A = arith.index_cast %scan3A_66 : i32 to index
        %swap3A_72 = arith.constant 0 : index
        %swap3A_73 = tpu.vector_load %arg8[%swap3A, %swap3A_72] {strides = array<i32>} : memref<80x128xf32, #tpu.memory_space<vmem>>, vector<1x16xf32>,
        %swap3A_74 = vector.shape_cast %swap3A_73 : vector<1x16xf32> to vector<16xf32>
        %swap3A_75 = vector.shape_cast %select_n3A : vector<16xf32> to vector<1x16xf32>
        tpu.vector_store %arg8[%swap3A, %swap3A_72], %swap3A_75 {strides = array<i32>} : memref<80x128xf32, #tpu.memory_space<vmem>>, vector<1x16xf32>,
        %scan3A_76 = arith.constant 0 : i32
        scf.yield %scan3A_76 : i32
      }
      %scan3A_65 = arith.constant 80 : i32
    } else {
    }
    %dma_start3A = arith.constant 124 : i32
    %dma_start3A_24 = arith.constant 0 : i32
    %dma_start3A_25 = tpu.memref_slice %arg7[%dma_start3A, %dma_start3A_24] : memref<125x80xi32, #tpu.memory_space<vmem>> -> memref<1x80xi32, #tpu.memory_space<vmem>>
    %dma_start3A_26 = tpu.memref_squeeze %dma_start3A_25 : memref<1x80xi32, #tpu.memory_space<vmem>> -> memref<80xi32, #tpu.memory_space<vmem>>
    %dma_start3A_27 = arith.constant 0 : i32
    %dma_start3A_28 = arith.constant 0 : i32
    %dma_start3A_29 = tpu.memref_slice %arg16[%dma_start3A_27, %dma_start3A_28] : memref<10000x128xf32, #tpu.memory_space<vmem_shared>> -> memref<10000x128xf32, #tpu.memory_space<vmem_shared>>
    tpu.enqueue_indirect_dma source(%arg8 : memref<80x128xf32, #tpu.memory_space<vmem>>) target(%dma_start3A_29 : memref<10000x128xf32, #tpu.memory_space<vmem_shared>>) offsets(%dma_start3A_26 : memref<80xi32, #tpu.memory_space<vmem>>) semaphore(%arg14 : memref<!tpu.dma_semaphore, #tpu.memory_space<semaphore_mem>>) {add = true}
    %dma_wait3A = arith.constant 123 : i32
    %dma_wait3A_30 = arith.constant 0 : i32
    %dma_wait3A_31 = tpu.memref_slice %arg7[%dma_wait3A, %dma_wait3A_30] : memref<125x80xi32, #tpu.memory_space<vmem>> -> memref<1x80xi32, #tpu.memory_space<vmem>>
    %dma_wait3A_32 = tpu.memref_squeeze %dma_wait3A_31 : memref<1x80xi32, #tpu.memory_space<vmem>> -> memref<80xi32, #tpu.memory_space<vmem>>
    %dma_wait3A_33 = arith.constant 0 : i32
    %dma_wait3A_34 = arith.constant 0 : i32
    %dma_wait3A_35 = tpu.memref_slice %arg16[%dma_wait3A_33, %dma_wait3A_34] : memref<10000x128xf32, #tpu.memory_space<vmem_shared>> -> memref<10000x128xf32, #tpu.memory_space<vmem_shared>>
    tpu.wait_indirect_dma semaphore(%arg15 : memref<!tpu.dma_semaphore, #tpu.memory_space<semaphore_mem>>) src(%arg10 : memref<80x128xf32, #tpu.memory_space<vmem>>) dst(%dma_wait3A_35 : memref<10000x128xf32, #tpu.memory_space<vmem_shared>>)
    %dma_wait3A_36 = arith.constant 124 : i32
    %dma_wait3A_37 = arith.constant 0 : i32
    %dma_wait3A_38 = tpu.memref_slice %arg7[%dma_wait3A_36, %dma_wait3A_37] : memref<125x80xi32, #tpu.memory_space<vmem>> -> memref<1x80xi32, #tpu.memory_space<vmem>>
    %dma_wait3A_39 = tpu.memref_squeeze %dma_wait3A_38 : memref<1x80xi32, #tpu.memory_space<vmem>> -> memref<80xi32, #tpu.memory_space<vmem>>
    %dma_wait3A_40 = arith.constant 0 : i32
    %dma_wait3A_41 = arith.constant 0 : i32
    %dma_wait3A_42 = tpu.memref_slice %arg16[%dma_wait3A_40, %dma_wait3A_41] : memref<10000x128xf32, #tpu.memory_space<vmem_shared>> -> memref<10000x128xf32, #tpu.memory_space<vmem_shared>>
    tpu.wait_indirect_dma semaphore(%arg14 : memref<!tpu.dma_semaphore, #tpu.memory_space<semaphore_mem>>) src(%arg8 : memref<80x128xf32, #tpu.memory_space<vmem>>) dst(%dma_wait3A_42 : memref<10000x128xf32, #tpu.memory_space<vmem_shared>>)
    %barrier3A_43 = arith.constant 0 : index
    tpu.barrier barrier_id(%barrier3A_43)
    %scan3A_44 = arith.constant 0 : i32
    %scan3A_45 = arith.constant 0 : i32
    %scan3A_46 = arith.constant 125 : i32
    %scan3A_47 = arith.addi %scan3A_45, %scan3A_46 : i32
    %scan3A_48 = arith.constant 1 : i32
    %scan3A_49 = scf.for %scan3A_51 = %scan3A_45 to %scan3A_47 step %scan3A_48 iter_args(%scan3A_52 = %scan3A_44) -> (i32)  : i32 {
      %jit3A = arith.constant 16 : i32
      %eq3A_53 = arith.constant 0 : i32
      %eq3A_54 = arith.cmpi eq, %jit3A, %eq3A_53 : i32
      %jit3A_55 = arith.constant 1 : i32
      %select_n3A = arith.select %eq3A_54, %jit3A_55, %jit3A : i32
      %rem3A = arith.remsi %scan3A_51, %select_n3A : i32
      %ne3A = arith.constant 0 : i32
      %ne3A_56 = arith.cmpi ne, %rem3A, %ne3A : i32
      %lt3A_57 = arith.constant 0 : i32
      %lt3A_58 = arith.cmpi slt, %rem3A, %lt3A_57 : i32
      %lt3A_59 = arith.constant 0 : i32
      %lt3A_60 = arith.cmpi slt, %select_n3A, %lt3A_59 : i32
      %ne3A_61 = arith.xori %lt3A_58, %lt3A_60 : i1
      %and3A = arith.andi %ne3A_61, %ne3A_56 : i1
      %add3A_62 = arith.addi %rem3A, %select_n3A : i32
      %select_n3A_63 = arith.select %and3A, %add3A_62, %rem3A : i32
      %eq3A_64 = arith.cmpi eq, %select_n3A_63, %arg1 : i32
      %convert_element_type3A_65 = arith.extui %eq3A_64 : i1 to i32
      %cond3A_66 = arith.constant 0 : i32
      %cond3A_67 = arith.cmpi ne, %convert_element_type3A_65, %cond3A_66 : i32
      scf.if %cond3A_67 {
        %mul3A_69 = arith.constant 80 : i32
        %mul3A_70 = arith.muli %scan3A_51, %mul3A_69 : i32
        "tpu.region"() ({
          %run_scoped3A = tpu.sem_alloc : memref<!tpu.dma_semaphore, #tpu.memory_space<semaphore_mem>>
          %dma_start3A_74 = arith.constant 0 : i32
          %dma_start3A_75 = tpu.memref_slice %arg16[%mul3A_70, %dma_start3A_74] : memref<10000x128xf32, #tpu.memory_space<vmem_shared>> -> memref<80x128xf32, #tpu.memory_space<vmem_shared>>
          %dma_start3A_76 = arith.constant 0 : i32
          %dma_start3A_77 = tpu.memref_slice %arg16[%mul3A_70, %dma_start3A_76] : memref<10000x128xf32, #tpu.memory_space<vmem_shared>> -> memref<80x128xf32, #tpu.memory_space<vmem_shared>>
          tpu.enqueue_dma source(%dma_start3A_77 : memref<80x128xf32, #tpu.memory_space<vmem_shared>>) target(%arg8 : memref<80x128xf32, #tpu.memory_space<vmem>>) target_semaphore(%run_scoped3A : memref<!tpu.dma_semaphore, #tpu.memory_space<semaphore_mem>>)
          %dma_wait3A_78 = arith.constant 0 : i32
          %dma_wait3A_79 = tpu.memref_slice %arg16[%mul3A_70, %dma_wait3A_78] : memref<10000x128xf32, #tpu.memory_space<vmem_shared>> -> memref<80x128xf32, #tpu.memory_space<vmem_shared>>
          %dma_wait3A_80 = arith.constant 0 : i32
          %dma_wait3A_81 = tpu.memref_slice %arg16[%mul3A_70, %dma_wait3A_80] : memref<10000x128xf32, #tpu.memory_space<vmem_shared>> -> memref<80x128xf32, #tpu.memory_space<vmem_shared>>
          tpu.wait_dma2 semaphore(%run_scoped3A : memref<!tpu.dma_semaphore, #tpu.memory_space<semaphore_mem>>) src(%dma_wait3A_81 : memref<80x128xf32, #tpu.memory_space<vmem_shared>>) dst(%arg8 : memref<80x128xf32, #tpu.memory_space<vmem>>)
          tpu.yield
        }) : () -> ()
        %mul3A_71 = arith.constant 10000 : i32
        %mul3A_72 = arith.muli %arg0, %mul3A_71 : i32
        %add3A_73 = arith.addi %mul3A_72, %mul3A_70 : i32
        "tpu.region"() ({
          %run_scoped3A = tpu.sem_alloc : memref<!tpu.dma_semaphore, #tpu.memory_space<semaphore_mem>>
          %dma_start3A_74 = arith.constant 0 : i32
          %dma_start3A_75 = tpu.memref_slice %arg6[%add3A_73, %dma_start3A_74] : memref<20000x128xf32, #tpu.memory_space<hbm>> -> memref<80x128xf32, #tpu.memory_space<hbm>>
          %dma_start3A_76 = arith.constant 0 : i32
          %dma_start3A_77 = tpu.memref_slice %arg6[%add3A_73, %dma_start3A_76] : memref<20000x128xf32, #tpu.memory_space<hbm>> -> memref<80x128xf32, #tpu.memory_space<hbm>>
          tpu.enqueue_dma source(%arg8 : memref<80x128xf32, #tpu.memory_space<vmem>>) target(%dma_start3A_77 : memref<80x128xf32, #tpu.memory_space<hbm>>) target_semaphore(%run_scoped3A : memref<!tpu.dma_semaphore, #tpu.memory_space<semaphore_mem>>)
          %dma_wait3A_78 = arith.constant 0 : i32
          %dma_wait3A_79 = tpu.memref_slice %arg6[%add3A_73, %dma_wait3A_78] : memref<20000x128xf32, #tpu.memory_space<hbm>> -> memref<80x128xf32, #tpu.memory_space<hbm>>
          %dma_wait3A_80 = arith.constant 0 : i32
          %dma_wait3A_81 = tpu.memref_slice %arg6[%add3A_73, %dma_wait3A_80] : memref<20000x128xf32, #tpu.memory_space<hbm>> -> memref<80x128xf32, #tpu.memory_space<hbm>>
          tpu.wait_dma2 semaphore(%run_scoped3A : memref<!tpu.dma_semaphore, #tpu.memory_space<semaphore_mem>>) src(%arg8 : memref<80x128xf32, #tpu.memory_space<vmem>>) dst(%dma_wait3A_81 : memref<80x128xf32, #tpu.memory_space<hbm>>)
          tpu.yield
        }) : () -> ()
      } else {
      }
      %scan3A_68 = arith.constant 0 : i32
      scf.yield %scan3A_68 : i32
    }
    %scan3A_50 = arith.constant 125 : i32
    return
  }
}

#map = affine_map<(d0, d1) -> (0, 0)>
#map1 = affine_map<(d0, d1) -> (0)>
#map2 = affine_map<(d0, d1) -> (0, 0, 0)>
module attributes {stable_mosaic.version = 14 : i64} {
  func.func @_sc_scatter_body(%arg0: i32, %arg1: i32, %arg2: memref<160000x128xf32, #tpu.memory_space<hbm>>, %arg3: memref<1280000xf32, #tpu.memory_space<hbm>>, %arg4: memref<16x125x80xi32, #tpu.memory_space<hbm>>, %arg5: memref<80x128xf32, #tpu.memory_space<hbm>>, %arg6: memref<20000x128xf32, #tpu.memory_space<hbm>>, %arg7: memref<125x80xi32, #tpu.memory_space<vmem>>, %arg8: memref<80x128xf32, #tpu.memory_space<vmem>>, %arg9: memref<656xf32, #tpu.memory_space<vmem>>, %arg10: memref<80x128xf32, #tpu.memory_space<vmem>>, %arg11: memref<656xf32, #tpu.memory_space<vmem>>, %arg12: memref<!tpu.dma_semaphore, #tpu.memory_space<semaphore_mem>>, %arg13: memref<!tpu.dma_semaphore, #tpu.memory_space<semaphore_mem>>, %arg14: memref<!tpu.dma_semaphore, #tpu.memory_space<semaphore_mem>>, %arg15: memref<!tpu.dma_semaphore, #tpu.memory_space<semaphore_mem>>, %arg16: memref<10000x128xf32, #tpu.memory_space<vmem_shared>>) attributes {dimension_semantics = [#tpu.dimension_semantics<core_parallel>, #tpu.dimension_semantics<subcore_parallel>], iteration_bounds = array<i64: 2, 16>, scalar_prefetch = 0 : i64, scratch_operands = 10 : i64, tpu.core_type = #tpu.core_type<sc_vector_subcore>, window_params = [{transform_indices = #map}, {transform_indices = #map1}, {transform_indices = #map2}, {transform_indices = #map}, {transform_indices = #map}]} {
    "tpu.region"() ({
      %run_scoped3A = tpu.sem_alloc : memref<!tpu.dma_semaphore, #tpu.memory_space<semaphore_mem>>
      %dma_start3A_51 = arith.constant 0 : i32
      %dma_start3A_52 = arith.constant 0 : i32
      %dma_start3A_53 = tpu.memref_slice %arg4[%arg1, %dma_start3A_51, %dma_start3A_52] : memref<16x125x80xi32, #tpu.memory_space<hbm>> -> memref<1x125x80xi32, #tpu.memory_space<hbm>>
      %dma_start3A_54 = tpu.memref_squeeze %dma_start3A_53 : memref<1x125x80xi32, #tpu.memory_space<hbm>> -> memref<125x80xi32, #tpu.memory_space<hbm>>
      %dma_start3A_55 = arith.constant 0 : i32
      %dma_start3A_56 = arith.constant 0 : i32
      %dma_start3A_57 = tpu.memref_slice %arg4[%arg1, %dma_start3A_55, %dma_start3A_56] : memref<16x125x80xi32, #tpu.memory_space<hbm>> -> memref<1x125x80xi32, #tpu.memory_space<hbm>>
      %dma_start3A_58 = tpu.memref_squeeze %dma_start3A_57 : memref<1x125x80xi32, #tpu.memory_space<hbm>> -> memref<125x80xi32, #tpu.memory_space<hbm>>
      tpu.enqueue_dma source(%dma_start3A_58 : memref<125x80xi32, #tpu.memory_space<hbm>>) target(%arg7 : memref<125x80xi32, #tpu.memory_space<vmem>>) target_semaphore(%run_scoped3A : memref<!tpu.dma_semaphore, #tpu.memory_space<semaphore_mem>>)
      %dma_wait3A_59 = arith.constant 0 : i32
      %dma_wait3A_60 = arith.constant 0 : i32
      %dma_wait3A_61 = tpu.memref_slice %arg4[%arg1, %dma_wait3A_59, %dma_wait3A_60] : memref<16x125x80xi32, #tpu.memory_space<hbm>> -> memref<1x125x80xi32, #tpu.memory_space<hbm>>
      %dma_wait3A_62 = tpu.memref_squeeze %dma_wait3A_61 : memref<1x125x80xi32, #tpu.memory_space<hbm>> -> memref<125x80xi32, #tpu.memory_space<hbm>>
      %dma_wait3A_63 = arith.constant 0 : i32
      %dma_wait3A_64 = arith.constant 0 : i32
      %dma_wait3A_65 = tpu.memref_slice %arg4[%arg1, %dma_wait3A_63, %dma_wait3A_64] : memref<16x125x80xi32, #tpu.memory_space<hbm>> -> memref<1x125x80xi32, #tpu.memory_space<hbm>>
      %dma_wait3A_66 = tpu.memref_squeeze %dma_wait3A_65 : memref<1x125x80xi32, #tpu.memory_space<hbm>> -> memref<125x80xi32, #tpu.memory_space<hbm>>
      tpu.wait_dma2 semaphore(%run_scoped3A : memref<!tpu.dma_semaphore, #tpu.memory_space<semaphore_mem>>) src(%dma_wait3A_66 : memref<125x80xi32, #tpu.memory_space<hbm>>) dst(%arg7 : memref<125x80xi32, #tpu.memory_space<vmem>>)
      tpu.yield
    }) : () -> ()
    "tpu.region"() ({
      %run_scoped3A = tpu.sem_alloc : memref<!tpu.dma_semaphore, #tpu.memory_space<semaphore_mem>>
      tpu.enqueue_dma source(%arg5 : memref<80x128xf32, #tpu.memory_space<hbm>>) target(%arg8 : memref<80x128xf32, #tpu.memory_space<vmem>>) target_semaphore(%run_scoped3A : memref<!tpu.dma_semaphore, #tpu.memory_space<semaphore_mem>>)
      tpu.wait_dma2 semaphore(%run_scoped3A : memref<!tpu.dma_semaphore, #tpu.memory_space<semaphore_mem>>) src(%arg5 : memref<80x128xf32, #tpu.memory_space<hbm>>) dst(%arg8 : memref<80x128xf32, #tpu.memory_space<vmem>>)
      tpu.yield
    }) : () -> ()
    "tpu.region"() ({
      %run_scoped3A = tpu.sem_alloc : memref<!tpu.dma_semaphore, #tpu.memory_space<semaphore_mem>>
      tpu.enqueue_dma source(%arg5 : memref<80x128xf32, #tpu.memory_space<hbm>>) target(%arg10 : memref<80x128xf32, #tpu.memory_space<vmem>>) target_semaphore(%run_scoped3A : memref<!tpu.dma_semaphore, #tpu.memory_space<semaphore_mem>>)
      tpu.wait_dma2 semaphore(%run_scoped3A : memref<!tpu.dma_semaphore, #tpu.memory_space<semaphore_mem>>) src(%arg5 : memref<80x128xf32, #tpu.memory_space<hbm>>) dst(%arg10 : memref<80x128xf32, #tpu.memory_space<vmem>>)
      tpu.yield
    }) : () -> ()
    %scan3A = arith.constant 0 : i32
    %scan3A_0 = arith.constant 0 : i32
    %scan3A_1 = arith.constant 125 : i32
    %scan3A_2 = arith.addi %scan3A_0, %scan3A_1 : i32
    %scan3A_3 = arith.constant 1 : i32
    %scan3A_4 = scf.for %scan3A_51 = %scan3A_0 to %scan3A_2 step %scan3A_3 iter_args(%scan3A_52 = %scan3A) -> (i32)  : i32 {
      %jit3A = arith.constant 16 : i32
      %eq3A_53 = arith.constant 0 : i32
      %eq3A_54 = arith.cmpi eq, %jit3A, %eq3A_53 : i32
      %jit3A_55 = arith.constant 1 : i32
      %select_n3A = arith.select %eq3A_54, %jit3A_55, %jit3A : i32
      %rem3A = arith.remsi %scan3A_51, %select_n3A : i32
      %ne3A = arith.constant 0 : i32
      %ne3A_56 = arith.cmpi ne, %rem3A, %ne3A : i32
      %lt3A_57 = arith.constant 0 : i32
      %lt3A_58 = arith.cmpi slt, %rem3A, %lt3A_57 : i32
      %lt3A_59 = arith.constant 0 : i32
      %lt3A_60 = arith.cmpi slt, %select_n3A, %lt3A_59 : i32
      %ne3A_61 = arith.xori %lt3A_58, %lt3A_60 : i1
      %and3A = arith.andi %ne3A_61, %ne3A_56 : i1
      %add3A_62 = arith.addi %rem3A, %select_n3A : i32
      %select_n3A_63 = arith.select %and3A, %add3A_62, %rem3A : i32
      %eq3A_64 = arith.cmpi eq, %select_n3A_63, %arg1 : i32
      %convert_element_type3A_65 = arith.extui %eq3A_64 : i1 to i32
      %cond3A_66 = arith.constant 0 : i32
      %cond3A_67 = arith.cmpi ne, %convert_element_type3A_65, %cond3A_66 : i32
      scf.if %cond3A_67 {
        %mul3A_69 = arith.constant 80 : i32
        %mul3A_70 = arith.muli %scan3A_51, %mul3A_69 : i32
        "tpu.region"() ({
          %run_scoped3A = tpu.sem_alloc : memref<!tpu.dma_semaphore, #tpu.memory_space<semaphore_mem>>
          %dma_start3A_71 = arith.constant 0 : i32
          %dma_start3A_72 = tpu.memref_slice %arg16[%mul3A_70, %dma_start3A_71] : memref<10000x128xf32, #tpu.memory_space<vmem_shared>> -> memref<80x128xf32, #tpu.memory_space<vmem_shared>>
          %dma_start3A_73 = arith.constant 0 : i32
          %dma_start3A_74 = tpu.memref_slice %arg16[%mul3A_70, %dma_start3A_73] : memref<10000x128xf32, #tpu.memory_space<vmem_shared>> -> memref<80x128xf32, #tpu.memory_space<vmem_shared>>
          tpu.enqueue_dma source(%arg8 : memref<80x128xf32, #tpu.memory_space<vmem>>) target(%dma_start3A_74 : memref<80x128xf32, #tpu.memory_space<vmem_shared>>) target_semaphore(%run_scoped3A : memref<!tpu.dma_semaphore, #tpu.memory_space<semaphore_mem>>)
          %dma_wait3A_75 = arith.constant 0 : i32
          %dma_wait3A_76 = tpu.memref_slice %arg16[%mul3A_70, %dma_wait3A_75] : memref<10000x128xf32, #tpu.memory_space<vmem_shared>> -> memref<80x128xf32, #tpu.memory_space<vmem_shared>>
          %dma_wait3A_77 = arith.constant 0 : i32
          %dma_wait3A_78 = tpu.memref_slice %arg16[%mul3A_70, %dma_wait3A_77] : memref<10000x128xf32, #tpu.memory_space<vmem_shared>> -> memref<80x128xf32, #tpu.memory_space<vmem_shared>>
          tpu.wait_dma2 semaphore(%run_scoped3A : memref<!tpu.dma_semaphore, #tpu.memory_space<semaphore_mem>>) src(%arg8 : memref<80x128xf32, #tpu.memory_space<vmem>>) dst(%dma_wait3A_78 : memref<80x128xf32, #tpu.memory_space<vmem_shared>>)
          tpu.yield
        }) : () -> ()
      } else {
      }
      %scan3A_68 = arith.constant 0 : i32
      scf.yield %scan3A_68 : i32
    }
    %scan3A_5 = arith.constant 125 : i32
    %barrier3A = arith.constant 0 : index
    tpu.barrier barrier_id(%barrier3A)
    %iota3A = tpu.iota {dimensions = array<i32: 0>} : vector<16xi32>
    %lt3A = arith.constant 8 : i32
    %lt3A_6 = vector.broadcast %lt3A : i32 to vector<16xi32>
    %lt3A_7 = arith.cmpi slt, %iota3A, %lt3A_6 : vector<16xi32>
    %scan3A_8 = arith.constant 0 : i32
    %scan3A_9 = arith.constant 0 : i32
    %scan3A_10 = arith.constant 125 : i32
    %scan3A_11 = arith.addi %scan3A_9, %scan3A_10 : i32
    %scan3A_12 = arith.constant 1 : i32
    %scan3A_13 = scf.for %scan3A_51 = %scan3A_9 to %scan3A_11 step %scan3A_12 iter_args(%scan3A_52 = %scan3A_8) -> (i32)  : i32 {
      %jit3A = arith.constant 2 : i32
      %eq3A_53 = arith.constant 0 : i32
      %eq3A_54 = arith.cmpi eq, %jit3A, %eq3A_53 : i32
      %jit3A_55 = arith.constant 1 : i32
      %select_n3A = arith.select %eq3A_54, %jit3A_55, %jit3A : i32
      %rem3A = arith.remsi %scan3A_51, %select_n3A : i32
      %ne3A = arith.constant 0 : i32
      %ne3A_56 = arith.cmpi ne, %rem3A, %ne3A : i32
      %lt3A_57 = arith.constant 0 : i32
      %lt3A_58 = arith.cmpi slt, %rem3A, %lt3A_57 : i32
      %lt3A_59 = arith.constant 0 : i32
      %lt3A_60 = arith.cmpi slt, %select_n3A, %lt3A_59 : i32
      %ne3A_61 = arith.xori %lt3A_58, %lt3A_60 : i1
      %and3A = arith.andi %ne3A_61, %ne3A_56 : i1
      %add3A_62 = arith.addi %rem3A, %select_n3A : i32
      %select_n3A_63 = arith.select %and3A, %add3A_62, %rem3A : i32
      %eq3A_64 = arith.constant 0 : i32
      %eq3A_65 = arith.cmpi eq, %select_n3A_63, %eq3A_64 : i32
      %convert_element_type3A_66 = arith.extui %eq3A_65 : i1 to i32
      %cond3A_67 = arith.constant 0 : i32
      %cond3A_68 = arith.cmpi ne, %convert_element_type3A_66, %cond3A_67 : i32
      scf.if %cond3A_68 {
        %ge3A = arith.constant 2 : i32
        %ge3A_91 = arith.cmpi sge, %scan3A_51, %ge3A : i32
        %convert_element_type3A_92 = arith.extui %ge3A_91 : i1 to i32
        %cond3A_93 = arith.constant 0 : i32
        %cond3A_94 = arith.cmpi ne, %convert_element_type3A_92, %cond3A_93 : i32
        scf.if %cond3A_94 {
          %sub3A = arith.constant 2 : i32
          %sub3A_115 = arith.subi %scan3A_51, %sub3A : i32
          %dma_wait3A_116 = arith.constant 0 : i32
          %dma_wait3A_117 = tpu.memref_slice %arg7[%sub3A_115, %dma_wait3A_116] : memref<125x80xi32, #tpu.memory_space<vmem>> -> memref<1x80xi32, #tpu.memory_space<vmem>>
          %dma_wait3A_118 = tpu.memref_squeeze %dma_wait3A_117 : memref<1x80xi32, #tpu.memory_space<vmem>> -> memref<80xi32, #tpu.memory_space<vmem>>
          %dma_wait3A_119 = arith.constant 0 : i32
          %dma_wait3A_120 = arith.constant 0 : i32
          %dma_wait3A_121 = tpu.memref_slice %arg16[%dma_wait3A_119, %dma_wait3A_120] : memref<10000x128xf32, #tpu.memory_space<vmem_shared>> -> memref<10000x128xf32, #tpu.memory_space<vmem_shared>>
          tpu.wait_indirect_dma semaphore(%arg14 : memref<!tpu.dma_semaphore, #tpu.memory_space<semaphore_mem>>) src(%arg8 : memref<80x128xf32, #tpu.memory_space<vmem>>) dst(%dma_wait3A_121 : memref<10000x128xf32, #tpu.memory_space<vmem_shared>>)
        } else {
        }
        %mul3A_95 = arith.constant 10000 : i32
        %mul3A_96 = arith.muli %arg1, %mul3A_95 : i32
        %mul3A_97 = arith.constant 80 : i32
        %mul3A_98 = arith.muli %scan3A_51, %mul3A_97 : i32
        %add3A_99 = arith.addi %mul3A_96, %mul3A_98 : i32
        %eq3A_100 = arith.constant 0 : i32
        %eq3A_101 = arith.cmpi eq, %arg0, %eq3A_100 : i32
        %convert_element_type3A_102 = arith.extui %eq3A_101 : i1 to i32
        %cond3A_103 = arith.constant 0 : i32
        %cond3A_104 = arith.cmpi ne, %convert_element_type3A_102, %cond3A_103 : i32
        scf.if %cond3A_104 {
          %dma_start3A_115 = arith.constant 0 : i32
          %dma_start3A_116 = tpu.memref_slice %arg2[%add3A_99, %dma_start3A_115] : memref<160000x128xf32, #tpu.memory_space<hbm>> -> memref<80x128xf32, #tpu.memory_space<hbm>>
          %dma_start3A_117 = arith.constant 0 : i32
          %dma_start3A_118 = tpu.memref_slice %arg2[%add3A_99, %dma_start3A_117] : memref<160000x128xf32, #tpu.memory_space<hbm>> -> memref<80x128xf32, #tpu.memory_space<hbm>>
          tpu.enqueue_dma source(%dma_start3A_118 : memref<80x128xf32, #tpu.memory_space<hbm>>) target(%arg8 : memref<80x128xf32, #tpu.memory_space<vmem>>) target_semaphore(%arg12 : memref<!tpu.dma_semaphore, #tpu.memory_space<semaphore_mem>>)
        } else {
        }
        %eq3A_105 = arith.constant 1 : i32
        %eq3A_106 = arith.cmpi eq, %arg0, %eq3A_105 : i32
        %convert_element_type3A_107 = arith.extui %eq3A_106 : i1 to i32
        %cond3A_108 = arith.constant 0 : i32
        %cond3A_109 = arith.cmpi ne, %convert_element_type3A_107, %cond3A_108 : i32
        scf.if %cond3A_109 {
          %mul3A_115 = arith.constant 8 : i32
          %mul3A_116 = arith.muli %add3A_99, %mul3A_115 : i32
          %dma_start3A_117 = arith.constant 0 : i32
          %dma_start3A_118 = tpu.memref_slice %arg9[%dma_start3A_117] : memref<656xf32, #tpu.memory_space<vmem>> -> memref<640xf32, #tpu.memory_space<vmem>>
          %dma_start3A_119 = tpu.memref_slice %arg3[%mul3A_116] : memref<1280000xf32, #tpu.memory_space<hbm>> -> memref<640xf32, #tpu.memory_space<hbm>>
          %dma_start3A_120 = arith.constant 0 : i32
          %dma_start3A_121 = tpu.memref_slice %arg9[%dma_start3A_120] : memref<656xf32, #tpu.memory_space<vmem>> -> memref<640xf32, #tpu.memory_space<vmem>>
          %dma_start3A_122 = tpu.memref_slice %arg3[%mul3A_116] : memref<1280000xf32, #tpu.memory_space<hbm>> -> memref<640xf32, #tpu.memory_space<hbm>>
          tpu.enqueue_dma source(%dma_start3A_122 : memref<640xf32, #tpu.memory_space<hbm>>) target(%dma_start3A_121 : memref<640xf32, #tpu.memory_space<vmem>>) target_semaphore(%arg12 : memref<!tpu.dma_semaphore, #tpu.memory_space<semaphore_mem>>)
        } else {
        }
        %ge3A_110 = arith.constant 1 : i32
        %ge3A_111 = arith.cmpi sge, %scan3A_51, %ge3A_110 : i32
        %convert_element_type3A_112 = arith.extui %ge3A_111 : i1 to i32
        %cond3A_113 = arith.constant 0 : i32
        %cond3A_114 = arith.cmpi ne, %convert_element_type3A_112, %cond3A_113 : i32
        scf.if %cond3A_114 {
          %sub3A = arith.constant 1 : i32
          %sub3A_115 = arith.subi %scan3A_51, %sub3A : i32
          %mul3A_116 = arith.constant 10000 : i32
          %mul3A_117 = arith.muli %arg1, %mul3A_116 : i32
          %mul3A_118 = arith.constant 80 : i32
          %mul3A_119 = arith.muli %sub3A_115, %mul3A_118 : i32
          %add3A_120 = arith.addi %mul3A_117, %mul3A_119 : i32
          %eq3A_121 = arith.constant 0 : i32
          %eq3A_122 = arith.cmpi eq, %arg0, %eq3A_121 : i32
          %convert_element_type3A_123 = arith.extui %eq3A_122 : i1 to i32
          %cond3A_124 = arith.constant 0 : i32
          %cond3A_125 = arith.cmpi ne, %convert_element_type3A_123, %cond3A_124 : i32
          scf.if %cond3A_125 {
            %dma_wait3A_137 = arith.constant 0 : i32
            %dma_wait3A_138 = tpu.memref_slice %arg2[%add3A_120, %dma_wait3A_137] : memref<160000x128xf32, #tpu.memory_space<hbm>> -> memref<80x128xf32, #tpu.memory_space<hbm>>
            %dma_wait3A_139 = arith.constant 0 : i32
            %dma_wait3A_140 = tpu.memref_slice %arg2[%add3A_120, %dma_wait3A_139] : memref<160000x128xf32, #tpu.memory_space<hbm>> -> memref<80x128xf32, #tpu.memory_space<hbm>>
            tpu.wait_dma2 semaphore(%arg13 : memref<!tpu.dma_semaphore, #tpu.memory_space<semaphore_mem>>) src(%dma_wait3A_140 : memref<80x128xf32, #tpu.memory_space<hbm>>) dst(%arg10 : memref<80x128xf32, #tpu.memory_space<vmem>>)
          } else {
          }
          %eq3A_126 = arith.constant 1 : i32
          %eq3A_127 = arith.cmpi eq, %arg0, %eq3A_126 : i32
          %convert_element_type3A_128 = arith.extui %eq3A_127 : i1 to i32
          %cond3A_129 = arith.constant 0 : i32
          %cond3A_130 = arith.cmpi ne, %convert_element_type3A_128, %cond3A_129 : i32
          scf.if %cond3A_130 {
            %mul3A_137 = arith.constant 8 : i32
            %mul3A_138 = arith.muli %add3A_120, %mul3A_137 : i32
            %dma_wait3A_139 = arith.constant 0 : i32
            %dma_wait3A_140 = tpu.memref_slice %arg11[%dma_wait3A_139] : memref<656xf32, #tpu.memory_space<vmem>> -> memref<640xf32, #tpu.memory_space<vmem>>
            %dma_wait3A_141 = tpu.memref_slice %arg3[%mul3A_138] : memref<1280000xf32, #tpu.memory_space<hbm>> -> memref<640xf32, #tpu.memory_space<hbm>>
            %dma_wait3A_142 = arith.constant 0 : i32
            %dma_wait3A_143 = tpu.memref_slice %arg11[%dma_wait3A_142] : memref<656xf32, #tpu.memory_space<vmem>> -> memref<640xf32, #tpu.memory_space<vmem>>
            %dma_wait3A_144 = tpu.memref_slice %arg3[%mul3A_138] : memref<1280000xf32, #tpu.memory_space<hbm>> -> memref<640xf32, #tpu.memory_space<hbm>>
            tpu.wait_dma2 semaphore(%arg13 : memref<!tpu.dma_semaphore, #tpu.memory_space<semaphore_mem>>) src(%dma_wait3A_144 : memref<640xf32, #tpu.memory_space<hbm>>) dst(%dma_wait3A_143 : memref<640xf32, #tpu.memory_space<vmem>>)
            %scan3A_145 = arith.constant 0 : i32
            %scan3A_146 = arith.constant 0 : i32
            %scan3A_147 = arith.constant 80 : i32
            %scan3A_148 = arith.addi %scan3A_146, %scan3A_147 : i32
            %scan3A_149 = arith.constant 1 : i32
            %scan3A_150 = scf.for %scan3A_152 = %scan3A_146 to %scan3A_148 step %scan3A_149 iter_args(%scan3A_153 = %scan3A_145) -> (i32)  : i32 {
              %mul3A_154 = arith.constant 8 : i32
              %mul3A_155 = arith.muli %scan3A_152, %mul3A_154 : i32
              %get3A = arith.index_cast %mul3A_155 : i32 to index
              %get3A_156 = tpu.vector_load %arg11[%get3A] {strides = array<i32>} : memref<656xf32, #tpu.memory_space<vmem>>, vector<16xf32>,
              %get3A_157 = vector.shape_cast %get3A_156 : vector<16xf32> to vector<16xf32>
              %jit3A_158 = arith.constant 0.000000e+00 : f32
              %broadcast_in_dim3A = vector.broadcast %jit3A_158 : f32 to vector<16xf32>
              %select_n3A_159 = arith.select %lt3A_7, %get3A_157, %broadcast_in_dim3A : vector<16xi1>, vector<16xf32>
              %swap3A = arith.index_cast %scan3A_152 : i32 to index
              %swap3A_160 = arith.constant 0 : index
              %swap3A_161 = tpu.vector_load %arg10[%swap3A, %swap3A_160] {strides = array<i32>} : memref<80x128xf32, #tpu.memory_space<vmem>>, vector<1x16xf32>,
              %swap3A_162 = vector.shape_cast %swap3A_161 : vector<1x16xf32> to vector<16xf32>
              %swap3A_163 = vector.shape_cast %select_n3A_159 : vector<16xf32> to vector<1x16xf32>
              tpu.vector_store %arg10[%swap3A, %swap3A_160], %swap3A_163 {strides = array<i32>} : memref<80x128xf32, #tpu.memory_space<vmem>>, vector<1x16xf32>,
              %scan3A_164 = arith.constant 0 : i32
              scf.yield %scan3A_164 : i32
            }
            %scan3A_151 = arith.constant 80 : i32
          } else {
          }
          %dma_start3A_131 = arith.constant 0 : i32
          %dma_start3A_132 = tpu.memref_slice %arg7[%sub3A_115, %dma_start3A_131] : memref<125x80xi32, #tpu.memory_space<vmem>> -> memref<1x80xi32, #tpu.memory_space<vmem>>
          %dma_start3A_133 = tpu.memref_squeeze %dma_start3A_132 : memref<1x80xi32, #tpu.memory_space<vmem>> -> memref<80xi32, #tpu.memory_space<vmem>>
          %dma_start3A_134 = arith.constant 0 : i32
          %dma_start3A_135 = arith.constant 0 : i32
          %dma_start3A_136 = tpu.memref_slice %arg16[%dma_start3A_134, %dma_start3A_135] : memref<10000x128xf32, #tpu.memory_space<vmem_shared>> -> memref<10000x128xf32, #tpu.memory_space<vmem_shared>>
          tpu.enqueue_indirect_dma source(%arg10 : memref<80x128xf32, #tpu.memory_space<vmem>>) target(%dma_start3A_136 : memref<10000x128xf32, #tpu.memory_space<vmem_shared>>) offsets(%dma_start3A_133 : memref<80xi32, #tpu.memory_space<vmem>>) semaphore(%arg15 : memref<!tpu.dma_semaphore, #tpu.memory_space<semaphore_mem>>) {add = true}
        } else {
        }
      } else {
      }
      %jit3A_69 = arith.constant 2 : i32
      %eq3A_70 = arith.constant 0 : i32
      %eq3A_71 = arith.cmpi eq, %jit3A_69, %eq3A_70 : i32
      %jit3A_72 = arith.constant 1 : i32
      %select_n3A_73 = arith.select %eq3A_71, %jit3A_72, %jit3A_69 : i32
      %rem3A_74 = arith.remsi %scan3A_51, %select_n3A_73 : i32
      %ne3A_75 = arith.constant 0 : i32
      %ne3A_76 = arith.cmpi ne, %rem3A_74, %ne3A_75 : i32
      %lt3A_77 = arith.constant 0 : i32
      %lt3A_78 = arith.cmpi slt, %rem3A_74, %lt3A_77 : i32
      %lt3A_79 = arith.constant 0 : i32
      %lt3A_80 = arith.cmpi slt, %select_n3A_73, %lt3A_79 : i32
      %ne3A_81 = arith.xori %lt3A_78, %lt3A_80 : i1
      %and3A_82 = arith.andi %ne3A_81, %ne3A_76 : i1
      %add3A_83 = arith.addi %rem3A_74, %select_n3A_73 : i32
      %select_n3A_84 = arith.select %and3A_82, %add3A_83, %rem3A_74 : i32
      %eq3A_85 = arith.constant 1 : i32
      %eq3A_86 = arith.cmpi eq, %select_n3A_84, %eq3A_85 : i32
      %convert_element_type3A_87 = arith.extui %eq3A_86 : i1 to i32
      %cond3A_88 = arith.constant 0 : i32
      %cond3A_89 = arith.cmpi ne, %convert_element_type3A_87, %cond3A_88 : i32
      scf.if %cond3A_89 {
        %ge3A = arith.constant 2 : i32
        %ge3A_91 = arith.cmpi sge, %scan3A_51, %ge3A : i32
        %convert_element_type3A_92 = arith.extui %ge3A_91 : i1 to i32
        %cond3A_93 = arith.constant 0 : i32
        %cond3A_94 = arith.cmpi ne, %convert_element_type3A_92, %cond3A_93 : i32
        scf.if %cond3A_94 {
          %sub3A = arith.constant 2 : i32
          %sub3A_115 = arith.subi %scan3A_51, %sub3A : i32
          %dma_wait3A_116 = arith.constant 0 : i32
          %dma_wait3A_117 = tpu.memref_slice %arg7[%sub3A_115, %dma_wait3A_116] : memref<125x80xi32, #tpu.memory_space<vmem>> -> memref<1x80xi32, #tpu.memory_space<vmem>>
          %dma_wait3A_118 = tpu.memref_squeeze %dma_wait3A_117 : memref<1x80xi32, #tpu.memory_space<vmem>> -> memref<80xi32, #tpu.memory_space<vmem>>
          %dma_wait3A_119 = arith.constant 0 : i32
          %dma_wait3A_120 = arith.constant 0 : i32
          %dma_wait3A_121 = tpu.memref_slice %arg16[%dma_wait3A_119, %dma_wait3A_120] : memref<10000x128xf32, #tpu.memory_space<vmem_shared>> -> memref<10000x128xf32, #tpu.memory_space<vmem_shared>>
          tpu.wait_indirect_dma semaphore(%arg15 : memref<!tpu.dma_semaphore, #tpu.memory_space<semaphore_mem>>) src(%arg10 : memref<80x128xf32, #tpu.memory_space<vmem>>) dst(%dma_wait3A_121 : memref<10000x128xf32, #tpu.memory_space<vmem_shared>>)
        } else {
        }
        %mul3A_95 = arith.constant 10000 : i32
        %mul3A_96 = arith.muli %arg1, %mul3A_95 : i32
        %mul3A_97 = arith.constant 80 : i32
        %mul3A_98 = arith.muli %scan3A_51, %mul3A_97 : i32
        %add3A_99 = arith.addi %mul3A_96, %mul3A_98 : i32
        %eq3A_100 = arith.constant 0 : i32
        %eq3A_101 = arith.cmpi eq, %arg0, %eq3A_100 : i32
        %convert_element_type3A_102 = arith.extui %eq3A_101 : i1 to i32
        %cond3A_103 = arith.constant 0 : i32
        %cond3A_104 = arith.cmpi ne, %convert_element_type3A_102, %cond3A_103 : i32
        scf.if %cond3A_104 {
          %dma_start3A_115 = arith.constant 0 : i32
          %dma_start3A_116 = tpu.memref_slice %arg2[%add3A_99, %dma_start3A_115] : memref<160000x128xf32, #tpu.memory_space<hbm>> -> memref<80x128xf32, #tpu.memory_space<hbm>>
          %dma_start3A_117 = arith.constant 0 : i32
          %dma_start3A_118 = tpu.memref_slice %arg2[%add3A_99, %dma_start3A_117] : memref<160000x128xf32, #tpu.memory_space<hbm>> -> memref<80x128xf32, #tpu.memory_space<hbm>>
          tpu.enqueue_dma source(%dma_start3A_118 : memref<80x128xf32, #tpu.memory_space<hbm>>) target(%arg10 : memref<80x128xf32, #tpu.memory_space<vmem>>) target_semaphore(%arg13 : memref<!tpu.dma_semaphore, #tpu.memory_space<semaphore_mem>>)
        } else {
        }
        %eq3A_105 = arith.constant 1 : i32
        %eq3A_106 = arith.cmpi eq, %arg0, %eq3A_105 : i32
        %convert_element_type3A_107 = arith.extui %eq3A_106 : i1 to i32
        %cond3A_108 = arith.constant 0 : i32
        %cond3A_109 = arith.cmpi ne, %convert_element_type3A_107, %cond3A_108 : i32
        scf.if %cond3A_109 {
          %mul3A_115 = arith.constant 8 : i32
          %mul3A_116 = arith.muli %add3A_99, %mul3A_115 : i32
          %dma_start3A_117 = arith.constant 0 : i32
          %dma_start3A_118 = tpu.memref_slice %arg11[%dma_start3A_117] : memref<656xf32, #tpu.memory_space<vmem>> -> memref<640xf32, #tpu.memory_space<vmem>>
          %dma_start3A_119 = tpu.memref_slice %arg3[%mul3A_116] : memref<1280000xf32, #tpu.memory_space<hbm>> -> memref<640xf32, #tpu.memory_space<hbm>>
          %dma_start3A_120 = arith.constant 0 : i32
          %dma_start3A_121 = tpu.memref_slice %arg11[%dma_start3A_120] : memref<656xf32, #tpu.memory_space<vmem>> -> memref<640xf32, #tpu.memory_space<vmem>>
          %dma_start3A_122 = tpu.memref_slice %arg3[%mul3A_116] : memref<1280000xf32, #tpu.memory_space<hbm>> -> memref<640xf32, #tpu.memory_space<hbm>>
          tpu.enqueue_dma source(%dma_start3A_122 : memref<640xf32, #tpu.memory_space<hbm>>) target(%dma_start3A_121 : memref<640xf32, #tpu.memory_space<vmem>>) target_semaphore(%arg13 : memref<!tpu.dma_semaphore, #tpu.memory_space<semaphore_mem>>)
        } else {
        }
        %ge3A_110 = arith.constant 1 : i32
        %ge3A_111 = arith.cmpi sge, %scan3A_51, %ge3A_110 : i32
        %convert_element_type3A_112 = arith.extui %ge3A_111 : i1 to i32
        %cond3A_113 = arith.constant 0 : i32
        %cond3A_114 = arith.cmpi ne, %convert_element_type3A_112, %cond3A_113 : i32
        scf.if %cond3A_114 {
          %sub3A = arith.constant 1 : i32
          %sub3A_115 = arith.subi %scan3A_51, %sub3A : i32
          %mul3A_116 = arith.constant 10000 : i32
          %mul3A_117 = arith.muli %arg1, %mul3A_116 : i32
          %mul3A_118 = arith.constant 80 : i32
          %mul3A_119 = arith.muli %sub3A_115, %mul3A_118 : i32
          %add3A_120 = arith.addi %mul3A_117, %mul3A_119 : i32
          %eq3A_121 = arith.constant 0 : i32
          %eq3A_122 = arith.cmpi eq, %arg0, %eq3A_121 : i32
          %convert_element_type3A_123 = arith.extui %eq3A_122 : i1 to i32
          %cond3A_124 = arith.constant 0 : i32
          %cond3A_125 = arith.cmpi ne, %convert_element_type3A_123, %cond3A_124 : i32
          scf.if %cond3A_125 {
            %dma_wait3A_137 = arith.constant 0 : i32
            %dma_wait3A_138 = tpu.memref_slice %arg2[%add3A_120, %dma_wait3A_137] : memref<160000x128xf32, #tpu.memory_space<hbm>> -> memref<80x128xf32, #tpu.memory_space<hbm>>
            %dma_wait3A_139 = arith.constant 0 : i32
            %dma_wait3A_140 = tpu.memref_slice %arg2[%add3A_120, %dma_wait3A_139] : memref<160000x128xf32, #tpu.memory_space<hbm>> -> memref<80x128xf32, #tpu.memory_space<hbm>>
            tpu.wait_dma2 semaphore(%arg12 : memref<!tpu.dma_semaphore, #tpu.memory_space<semaphore_mem>>) src(%dma_wait3A_140 : memref<80x128xf32, #tpu.memory_space<hbm>>) dst(%arg8 : memref<80x128xf32, #tpu.memory_space<vmem>>)
          } else {
          }
          %eq3A_126 = arith.constant 1 : i32
          %eq3A_127 = arith.cmpi eq, %arg0, %eq3A_126 : i32
          %convert_element_type3A_128 = arith.extui %eq3A_127 : i1 to i32
          %cond3A_129 = arith.constant 0 : i32
          %cond3A_130 = arith.cmpi ne, %convert_element_type3A_128, %cond3A_129 : i32
          scf.if %cond3A_130 {
            %mul3A_137 = arith.constant 8 : i32
            %mul3A_138 = arith.muli %add3A_120, %mul3A_137 : i32
            %dma_wait3A_139 = arith.constant 0 : i32
            %dma_wait3A_140 = tpu.memref_slice %arg9[%dma_wait3A_139] : memref<656xf32, #tpu.memory_space<vmem>> -> memref<640xf32, #tpu.memory_space<vmem>>
            %dma_wait3A_141 = tpu.memref_slice %arg3[%mul3A_138] : memref<1280000xf32, #tpu.memory_space<hbm>> -> memref<640xf32, #tpu.memory_space<hbm>>
            %dma_wait3A_142 = arith.constant 0 : i32
            %dma_wait3A_143 = tpu.memref_slice %arg9[%dma_wait3A_142] : memref<656xf32, #tpu.memory_space<vmem>> -> memref<640xf32, #tpu.memory_space<vmem>>
            %dma_wait3A_144 = tpu.memref_slice %arg3[%mul3A_138] : memref<1280000xf32, #tpu.memory_space<hbm>> -> memref<640xf32, #tpu.memory_space<hbm>>
            tpu.wait_dma2 semaphore(%arg12 : memref<!tpu.dma_semaphore, #tpu.memory_space<semaphore_mem>>) src(%dma_wait3A_144 : memref<640xf32, #tpu.memory_space<hbm>>) dst(%dma_wait3A_143 : memref<640xf32, #tpu.memory_space<vmem>>)
            %scan3A_145 = arith.constant 0 : i32
            %scan3A_146 = arith.constant 0 : i32
            %scan3A_147 = arith.constant 80 : i32
            %scan3A_148 = arith.addi %scan3A_146, %scan3A_147 : i32
            %scan3A_149 = arith.constant 1 : i32
            %scan3A_150 = scf.for %scan3A_152 = %scan3A_146 to %scan3A_148 step %scan3A_149 iter_args(%scan3A_153 = %scan3A_145) -> (i32)  : i32 {
              %mul3A_154 = arith.constant 8 : i32
              %mul3A_155 = arith.muli %scan3A_152, %mul3A_154 : i32
              %get3A = arith.index_cast %mul3A_155 : i32 to index
              %get3A_156 = tpu.vector_load %arg9[%get3A] {strides = array<i32>} : memref<656xf32, #tpu.memory_space<vmem>>, vector<16xf32>,
              %get3A_157 = vector.shape_cast %get3A_156 : vector<16xf32> to vector<16xf32>
              %jit3A_158 = arith.constant 0.000000e+00 : f32
              %broadcast_in_dim3A = vector.broadcast %jit3A_158 : f32 to vector<16xf32>
              %select_n3A_159 = arith.select %lt3A_7, %get3A_157, %broadcast_in_dim3A : vector<16xi1>, vector<16xf32>
              %swap3A = arith.index_cast %scan3A_152 : i32 to index
              %swap3A_160 = arith.constant 0 : index
              %swap3A_161 = tpu.vector_load %arg8[%swap3A, %swap3A_160] {strides = array<i32>} : memref<80x128xf32, #tpu.memory_space<vmem>>, vector<1x16xf32>,
              %swap3A_162 = vector.shape_cast %swap3A_161 : vector<1x16xf32> to vector<16xf32>
              %swap3A_163 = vector.shape_cast %select_n3A_159 : vector<16xf32> to vector<1x16xf32>
              tpu.vector_store %arg8[%swap3A, %swap3A_160], %swap3A_163 {strides = array<i32>} : memref<80x128xf32, #tpu.memory_space<vmem>>, vector<1x16xf32>,
              %scan3A_164 = arith.constant 0 : i32
              scf.yield %scan3A_164 : i32
            }
            %scan3A_151 = arith.constant 80 : i32
          } else {
          }
          %dma_start3A_131 = arith.constant 0 : i32
          %dma_start3A_132 = tpu.memref_slice %arg7[%sub3A_115, %dma_start3A_131] : memref<125x80xi32, #tpu.memory_space<vmem>> -> memref<1x80xi32, #tpu.memory_space<vmem>>
          %dma_start3A_133 = tpu.memref_squeeze %dma_start3A_132 : memref<1x80xi32, #tpu.memory_space<vmem>> -> memref<80xi32, #tpu.memory_space<vmem>>
          %dma_start3A_134 = arith.constant 0 : i32
          %dma_start3A_135 = arith.constant 0 : i32
          %dma_start3A_136 = tpu.memref_slice %arg16[%dma_start3A_134, %dma_start3A_135] : memref<10000x128xf32, #tpu.memory_space<vmem_shared>> -> memref<10000x128xf32, #tpu.memory_space<vmem_shared>>
          tpu.enqueue_indirect_dma source(%arg8 : memref<80x128xf32, #tpu.memory_space<vmem>>) target(%dma_start3A_136 : memref<10000x128xf32, #tpu.memory_space<vmem_shared>>) offsets(%dma_start3A_133 : memref<80xi32, #tpu.memory_space<vmem>>) semaphore(%arg14 : memref<!tpu.dma_semaphore, #tpu.memory_space<semaphore_mem>>) {add = true}
        } else {
        }
      } else {
      }
      %scan3A_90 = arith.constant 0 : i32
      scf.yield %scan3A_90 : i32
    }
    %scan3A_14 = arith.constant 125 : i32
    %mul3A = arith.constant 10000 : i32
    %mul3A_15 = arith.muli %arg1, %mul3A : i32
    %add3A = arith.constant 9920 : i32
    %add3A_16 = arith.addi %mul3A_15, %add3A : i32
    %eq3A = arith.constant 0 : i32
    %eq3A_17 = arith.cmpi eq, %arg0, %eq3A : i32
    %convert_element_type3A = arith.extui %eq3A_17 : i1 to i32
    %cond3A = arith.constant 0 : i32
    %cond3A_18 = arith.cmpi ne, %convert_element_type3A, %cond3A : i32
    scf.if %cond3A_18 {
      %dma_wait3A_51 = arith.constant 0 : i32
      %dma_wait3A_52 = tpu.memref_slice %arg2[%add3A_16, %dma_wait3A_51] : memref<160000x128xf32, #tpu.memory_space<hbm>> -> memref<80x128xf32, #tpu.memory_space<hbm>>
      %dma_wait3A_53 = arith.constant 0 : i32
      %dma_wait3A_54 = tpu.memref_slice %arg2[%add3A_16, %dma_wait3A_53] : memref<160000x128xf32, #tpu.memory_space<hbm>> -> memref<80x128xf32, #tpu.memory_space<hbm>>
      tpu.wait_dma2 semaphore(%arg12 : memref<!tpu.dma_semaphore, #tpu.memory_space<semaphore_mem>>) src(%dma_wait3A_54 : memref<80x128xf32, #tpu.memory_space<hbm>>) dst(%arg8 : memref<80x128xf32, #tpu.memory_space<vmem>>)
    } else {
    }
    %eq3A_19 = arith.constant 1 : i32
    %eq3A_20 = arith.cmpi eq, %arg0, %eq3A_19 : i32
    %convert_element_type3A_21 = arith.extui %eq3A_20 : i1 to i32
    %cond3A_22 = arith.constant 0 : i32
    %cond3A_23 = arith.cmpi ne, %convert_element_type3A_21, %cond3A_22 : i32
    scf.if %cond3A_23 {
      %mul3A_51 = arith.constant 8 : i32
      %mul3A_52 = arith.muli %add3A_16, %mul3A_51 : i32
      %dma_wait3A_53 = arith.constant 0 : i32
      %dma_wait3A_54 = tpu.memref_slice %arg9[%dma_wait3A_53] : memref<656xf32, #tpu.memory_space<vmem>> -> memref<640xf32, #tpu.memory_space<vmem>>
      %dma_wait3A_55 = tpu.memref_slice %arg3[%mul3A_52] : memref<1280000xf32, #tpu.memory_space<hbm>> -> memref<640xf32, #tpu.memory_space<hbm>>
      %dma_wait3A_56 = arith.constant 0 : i32
      %dma_wait3A_57 = tpu.memref_slice %arg9[%dma_wait3A_56] : memref<656xf32, #tpu.memory_space<vmem>> -> memref<640xf32, #tpu.memory_space<vmem>>
      %dma_wait3A_58 = tpu.memref_slice %arg3[%mul3A_52] : memref<1280000xf32, #tpu.memory_space<hbm>> -> memref<640xf32, #tpu.memory_space<hbm>>
      tpu.wait_dma2 semaphore(%arg12 : memref<!tpu.dma_semaphore, #tpu.memory_space<semaphore_mem>>) src(%dma_wait3A_58 : memref<640xf32, #tpu.memory_space<hbm>>) dst(%dma_wait3A_57 : memref<640xf32, #tpu.memory_space<vmem>>)
      %scan3A_59 = arith.constant 0 : i32
      %scan3A_60 = arith.constant 0 : i32
      %scan3A_61 = arith.constant 80 : i32
      %scan3A_62 = arith.addi %scan3A_60, %scan3A_61 : i32
      %scan3A_63 = arith.constant 1 : i32
      %scan3A_64 = scf.for %scan3A_66 = %scan3A_60 to %scan3A_62 step %scan3A_63 iter_args(%scan3A_67 = %scan3A_59) -> (i32)  : i32 {
        %mul3A_68 = arith.constant 8 : i32
        %mul3A_69 = arith.muli %scan3A_66, %mul3A_68 : i32
        %get3A = arith.index_cast %mul3A_69 : i32 to index
        %get3A_70 = tpu.vector_load %arg9[%get3A] {strides = array<i32>} : memref<656xf32, #tpu.memory_space<vmem>>, vector<16xf32>,
        %get3A_71 = vector.shape_cast %get3A_70 : vector<16xf32> to vector<16xf32>
        %jit3A = arith.constant 0.000000e+00 : f32
        %broadcast_in_dim3A = vector.broadcast %jit3A : f32 to vector<16xf32>
        %select_n3A = arith.select %lt3A_7, %get3A_71, %broadcast_in_dim3A : vector<16xi1>, vector<16xf32>
        %swap3A = arith.index_cast %scan3A_66 : i32 to index
        %swap3A_72 = arith.constant 0 : index
        %swap3A_73 = tpu.vector_load %arg8[%swap3A, %swap3A_72] {strides = array<i32>} : memref<80x128xf32, #tpu.memory_space<vmem>>, vector<1x16xf32>,
        %swap3A_74 = vector.shape_cast %swap3A_73 : vector<1x16xf32> to vector<16xf32>
        %swap3A_75 = vector.shape_cast %select_n3A : vector<16xf32> to vector<1x16xf32>
        tpu.vector_store %arg8[%swap3A, %swap3A_72], %swap3A_75 {strides = array<i32>} : memref<80x128xf32, #tpu.memory_space<vmem>>, vector<1x16xf32>,
        %scan3A_76 = arith.constant 0 : i32
        scf.yield %scan3A_76 : i32
      }
      %scan3A_65 = arith.constant 80 : i32
    } else {
    }
    %dma_start3A = arith.constant 124 : i32
    %dma_start3A_24 = arith.constant 0 : i32
    %dma_start3A_25 = tpu.memref_slice %arg7[%dma_start3A, %dma_start3A_24] : memref<125x80xi32, #tpu.memory_space<vmem>> -> memref<1x80xi32, #tpu.memory_space<vmem>>
    %dma_start3A_26 = tpu.memref_squeeze %dma_start3A_25 : memref<1x80xi32, #tpu.memory_space<vmem>> -> memref<80xi32, #tpu.memory_space<vmem>>
    %dma_start3A_27 = arith.constant 0 : i32
    %dma_start3A_28 = arith.constant 0 : i32
    %dma_start3A_29 = tpu.memref_slice %arg16[%dma_start3A_27, %dma_start3A_28] : memref<10000x128xf32, #tpu.memory_space<vmem_shared>> -> memref<10000x128xf32, #tpu.memory_space<vmem_shared>>
    tpu.enqueue_indirect_dma source(%arg8 : memref<80x128xf32, #tpu.memory_space<vmem>>) target(%dma_start3A_29 : memref<10000x128xf32, #tpu.memory_space<vmem_shared>>) offsets(%dma_start3A_26 : memref<80xi32, #tpu.memory_space<vmem>>) semaphore(%arg14 : memref<!tpu.dma_semaphore, #tpu.memory_space<semaphore_mem>>) {add = true}
    %dma_wait3A = arith.constant 123 : i32
    %dma_wait3A_30 = arith.constant 0 : i32
    %dma_wait3A_31 = tpu.memref_slice %arg7[%dma_wait3A, %dma_wait3A_30] : memref<125x80xi32, #tpu.memory_space<vmem>> -> memref<1x80xi32, #tpu.memory_space<vmem>>
    %dma_wait3A_32 = tpu.memref_squeeze %dma_wait3A_31 : memref<1x80xi32, #tpu.memory_space<vmem>> -> memref<80xi32, #tpu.memory_space<vmem>>
    %dma_wait3A_33 = arith.constant 0 : i32
    %dma_wait3A_34 = arith.constant 0 : i32
    %dma_wait3A_35 = tpu.memref_slice %arg16[%dma_wait3A_33, %dma_wait3A_34] : memref<10000x128xf32, #tpu.memory_space<vmem_shared>> -> memref<10000x128xf32, #tpu.memory_space<vmem_shared>>
    tpu.wait_indirect_dma semaphore(%arg15 : memref<!tpu.dma_semaphore, #tpu.memory_space<semaphore_mem>>) src(%arg10 : memref<80x128xf32, #tpu.memory_space<vmem>>) dst(%dma_wait3A_35 : memref<10000x128xf32, #tpu.memory_space<vmem_shared>>)
    %dma_wait3A_36 = arith.constant 124 : i32
    %dma_wait3A_37 = arith.constant 0 : i32
    %dma_wait3A_38 = tpu.memref_slice %arg7[%dma_wait3A_36, %dma_wait3A_37] : memref<125x80xi32, #tpu.memory_space<vmem>> -> memref<1x80xi32, #tpu.memory_space<vmem>>
    %dma_wait3A_39 = tpu.memref_squeeze %dma_wait3A_38 : memref<1x80xi32, #tpu.memory_space<vmem>> -> memref<80xi32, #tpu.memory_space<vmem>>
    %dma_wait3A_40 = arith.constant 0 : i32
    %dma_wait3A_41 = arith.constant 0 : i32
    %dma_wait3A_42 = tpu.memref_slice %arg16[%dma_wait3A_40, %dma_wait3A_41] : memref<10000x128xf32, #tpu.memory_space<vmem_shared>> -> memref<10000x128xf32, #tpu.memory_space<vmem_shared>>
    tpu.wait_indirect_dma semaphore(%arg14 : memref<!tpu.dma_semaphore, #tpu.memory_space<semaphore_mem>>) src(%arg8 : memref<80x128xf32, #tpu.memory_space<vmem>>) dst(%dma_wait3A_42 : memref<10000x128xf32, #tpu.memory_space<vmem_shared>>)
    %barrier3A_43 = arith.constant 0 : index
    tpu.barrier barrier_id(%barrier3A_43)
    %scan3A_44 = arith.constant 0 : i32
    %scan3A_45 = arith.constant 0 : i32
    %scan3A_46 = arith.constant 125 : i32
    %scan3A_47 = arith.addi %scan3A_45, %scan3A_46 : i32
    %scan3A_48 = arith.constant 1 : i32
    %scan3A_49 = scf.for %scan3A_51 = %scan3A_45 to %scan3A_47 step %scan3A_48 iter_args(%scan3A_52 = %scan3A_44) -> (i32)  : i32 {
      %jit3A = arith.constant 16 : i32
      %eq3A_53 = arith.constant 0 : i32
      %eq3A_54 = arith.cmpi eq, %jit3A, %eq3A_53 : i32
      %jit3A_55 = arith.constant 1 : i32
      %select_n3A = arith.select %eq3A_54, %jit3A_55, %jit3A : i32
      %rem3A = arith.remsi %scan3A_51, %select_n3A : i32
      %ne3A = arith.constant 0 : i32
      %ne3A_56 = arith.cmpi ne, %rem3A, %ne3A : i32
      %lt3A_57 = arith.constant 0 : i32
      %lt3A_58 = arith.cmpi slt, %rem3A, %lt3A_57 : i32
      %lt3A_59 = arith.constant 0 : i32
      %lt3A_60 = arith.cmpi slt, %select_n3A, %lt3A_59 : i32
      %ne3A_61 = arith.xori %lt3A_58, %lt3A_60 : i1
      %and3A = arith.andi %ne3A_61, %ne3A_56 : i1
      %add3A_62 = arith.addi %rem3A, %select_n3A : i32
      %select_n3A_63 = arith.select %and3A, %add3A_62, %rem3A : i32
      %eq3A_64 = arith.cmpi eq, %select_n3A_63, %arg1 : i32
      %convert_element_type3A_65 = arith.extui %eq3A_64 : i1 to i32
      %cond3A_66 = arith.constant 0 : i32
      %cond3A_67 = arith.cmpi ne, %convert_element_type3A_65, %cond3A_66 : i32
      scf.if %cond3A_67 {
        %mul3A_69 = arith.constant 80 : i32
        %mul3A_70 = arith.muli %scan3A_51, %mul3A_69 : i32
        "tpu.region"() ({
          %run_scoped3A = tpu.sem_alloc : memref<!tpu.dma_semaphore, #tpu.memory_space<semaphore_mem>>
          %dma_start3A_74 = arith.constant 0 : i32
          %dma_start3A_75 = tpu.memref_slice %arg16[%mul3A_70, %dma_start3A_74] : memref<10000x128xf32, #tpu.memory_space<vmem_shared>> -> memref<80x128xf32, #tpu.memory_space<vmem_shared>>
          %dma_start3A_76 = arith.constant 0 : i32
          %dma_start3A_77 = tpu.memref_slice %arg16[%mul3A_70, %dma_start3A_76] : memref<10000x128xf32, #tpu.memory_space<vmem_shared>> -> memref<80x128xf32, #tpu.memory_space<vmem_shared>>
          tpu.enqueue_dma source(%dma_start3A_77 : memref<80x128xf32, #tpu.memory_space<vmem_shared>>) target(%arg8 : memref<80x128xf32, #tpu.memory_space<vmem>>) target_semaphore(%run_scoped3A : memref<!tpu.dma_semaphore, #tpu.memory_space<semaphore_mem>>)
          %dma_wait3A_78 = arith.constant 0 : i32
          %dma_wait3A_79 = tpu.memref_slice %arg16[%mul3A_70, %dma_wait3A_78] : memref<10000x128xf32, #tpu.memory_space<vmem_shared>> -> memref<80x128xf32, #tpu.memory_space<vmem_shared>>
          %dma_wait3A_80 = arith.constant 0 : i32
          %dma_wait3A_81 = tpu.memref_slice %arg16[%mul3A_70, %dma_wait3A_80] : memref<10000x128xf32, #tpu.memory_space<vmem_shared>> -> memref<80x128xf32, #tpu.memory_space<vmem_shared>>
          tpu.wait_dma2 semaphore(%run_scoped3A : memref<!tpu.dma_semaphore, #tpu.memory_space<semaphore_mem>>) src(%dma_wait3A_81 : memref<80x128xf32, #tpu.memory_space<vmem_shared>>) dst(%arg8 : memref<80x128xf32, #tpu.memory_space<vmem>>)
          tpu.yield
        }) : () -> ()
        %mul3A_71 = arith.constant 10000 : i32
        %mul3A_72 = arith.muli %arg0, %mul3A_71 : i32
        %add3A_73 = arith.addi %mul3A_72, %mul3A_70 : i32
        "tpu.region"() ({
          %run_scoped3A = tpu.sem_alloc : memref<!tpu.dma_semaphore, #tpu.memory_space<semaphore_mem>>
          %dma_start3A_74 = arith.constant 0 : i32
          %dma_start3A_75 = tpu.memref_slice %arg6[%add3A_73, %dma_start3A_74] : memref<20000x128xf32, #tpu.memory_space<hbm>> -> memref<80x128xf32, #tpu.memory_space<hbm>>
          %dma_start3A_76 = arith.constant 0 : i32
          %dma_start3A_77 = tpu.memref_slice %arg6[%add3A_73, %dma_start3A_76] : memref<20000x128xf32, #tpu.memory_space<hbm>> -> memref<80x128xf32, #tpu.memory_space<hbm>>
          tpu.enqueue_dma source(%arg8 : memref<80x128xf32, #tpu.memory_space<vmem>>) target(%dma_start3A_77 : memref<80x128xf32, #tpu.memory_space<hbm>>) target_semaphore(%run_scoped3A : memref<!tpu.dma_semaphore, #tpu.memory_space<semaphore_mem>>)
          %dma_wait3A_78 = arith.constant 0 : i32
          %dma_wait3A_79 = tpu.memref_slice %arg6[%add3A_73, %dma_wait3A_78] : memref<20000x128xf32, #tpu.memory_space<hbm>> -> memref<80x128xf32, #tpu.memory_space<hbm>>
          %dma_wait3A_80 = arith.constant 0 : i32
          %dma_wait3A_81 = tpu.memref_slice %arg6[%add3A_73, %dma_wait3A_80] : memref<20000x128xf32, #tpu.memory_space<hbm>> -> memref<80x128xf32, #tpu.memory_space<hbm>>
          tpu.wait_dma2 semaphore(%run_scoped3A : memref<!tpu.dma_semaphore, #tpu.memory_space<semaphore_mem>>) src(%arg8 : memref<80x128xf32, #tpu.memory_space<vmem>>) dst(%dma_wait3A_81 : memref<80x128xf32, #tpu.memory_space<hbm>>)
          tpu.yield
        }) : () -> ()
      } else {
      }
      %scan3A_68 = arith.constant 0 : i32
      scf.yield %scan3A_68 : i32
    }
    %scan3A_50 = arith.constant 125 : i32
    return
  }
}

module attributes {stable_mosaic.version = 14 : i64} {
  func.func @_tables_body(%arg0: i32, %arg1: memref<2000x128xf32, #tpu.memory_space<vmem>>, %arg2: memref<2000x128xf32, #tpu.memory_space<vmem>>, %arg3: memref<128x128xf32, #tpu.memory_space<vmem>>, %arg4: memref<128x128xf32, #tpu.memory_space<vmem>>, %arg5: memref<128x128xf32, #tpu.memory_space<vmem>>, %arg6: memref<128x128xf32, #tpu.memory_space<vmem>>, %arg7: memref<1x128xf32, #tpu.memory_space<vmem>>, %arg8: memref<1x128xf32, #tpu.memory_space<vmem>>, %arg9: memref<2000x128xf32, #tpu.memory_space<vmem>>, %arg10: memref<2000x128xf32, #tpu.memory_space<vmem>>) attributes {dimension_semantics = [#tpu.dimension_semantics<arbitrary>], iteration_bounds = array<i64: 5>, scalar_prefetch = 0 : i64, scratch_operands = 0 : i64, tpu.core_type = #tpu.core_type<tc>, window_params = [{transform_indices = @transform_0, window_bounds = array<i64: 2000, 128>}, {transform_indices = @transform_1, window_bounds = array<i64: 2000, 128>}, {pipeline_mode = #tpu.pipeline_mode<synchronous>, transform_indices = @transform_2, window_bounds = array<i64: 128, 128>}, {pipeline_mode = #tpu.pipeline_mode<synchronous>, transform_indices = @transform_3, window_bounds = array<i64: 128, 128>}, {pipeline_mode = #tpu.pipeline_mode<synchronous>, transform_indices = @transform_4, window_bounds = array<i64: 128, 128>}, {pipeline_mode = #tpu.pipeline_mode<synchronous>, transform_indices = @transform_5, window_bounds = array<i64: 128, 128>}, {pipeline_mode = #tpu.pipeline_mode<synchronous>, transform_indices = @transform_6, window_bounds = array<i64: 1, 128>}, {pipeline_mode = #tpu.pipeline_mode<synchronous>, transform_indices = @transform_7, window_bounds = array<i64: 1, 128>}, {transform_indices = @transform_8, window_bounds = array<i64: 2000, 128>}, {transform_indices = @transform_9, window_bounds = array<i64: 2000, 128>}]} {
    %get3A = arith.constant 0 : index
    %get3A_0 = arith.constant 0 : index
    %get3A_1 = vector.load %arg1[%get3A, %get3A_0] : memref<2000x128xf32, #tpu.memory_space<vmem>>, vector<2000x128xf32>
    %get3A_2 = arith.constant 0 : index
    %get3A_3 = arith.constant 0 : index
    %get3A_4 = vector.load %arg2[%get3A_2, %get3A_3] : memref<2000x128xf32, #tpu.memory_space<vmem>>, vector<2000x128xf32>
    %get3A_5 = arith.constant 0 : index
    %get3A_6 = arith.constant 0 : index
    %get3A_7 = vector.load %arg3[%get3A_5, %get3A_6] : memref<128x128xf32, #tpu.memory_space<vmem>>, vector<128x128xf32>
    %dot_general3A = arith.constant dense<0.000000e+00> : vector<2000x128xf32>
    %dot_general3A_8 = tpu.matmul %get3A_1, %get3A_7, %dot_general3A {dimension_numbers = #tpu.dot_dimension_numbers<[1], [0], [0], [1], [0, 0, 1, 1], [], []>, transpose_lhs_hint = false} : vector<2000x128xf32>, vector<128x128xf32>, vector<2000x128xf32> -> vector<2000x128xf32>
    %get3A_9 = arith.constant 0 : index
    %get3A_10 = arith.constant 0 : index
    %get3A_11 = vector.load %arg4[%get3A_9, %get3A_10] : memref<128x128xf32, #tpu.memory_space<vmem>>, vector<128x128xf32>
    %dot_general3A_12 = arith.constant dense<0.000000e+00> : vector<2000x128xf32>
    %dot_general3A_13 = tpu.matmul %get3A_1, %get3A_11, %dot_general3A_12 {dimension_numbers = #tpu.dot_dimension_numbers<[1], [0], [0], [1], [0, 0, 1, 1], [], []>, transpose_lhs_hint = false} : vector<2000x128xf32>, vector<128x128xf32>, vector<2000x128xf32> -> vector<2000x128xf32>
    %convert_element_type3A = arith.truncf %dot_general3A_8 : vector<2000x128xf32> to vector<2000x128xbf16>
    %bitcast_convert_type3A = tpu.bitcast %convert_element_type3A : vector<2000x128xbf16> -> vector<2000x128xi16>
    %convert_element_type3A_14 = arith.truncf %dot_general3A_13 : vector<2000x128xf32> to vector<2000x128xbf16>
    %bitcast_convert_type3A_15 = tpu.bitcast %convert_element_type3A_14 : vector<2000x128xbf16> -> vector<2000x128xi16>
    %convert_element_type3A_16 = arith.extui %bitcast_convert_type3A : vector<2000x128xi16> to vector<2000x128xi32>
    %convert_element_type3A_17 = arith.extui %bitcast_convert_type3A_15 : vector<2000x128xi16> to vector<2000x128xi32>
    %shift_left3A = arith.constant 16 : i32
    %shift_left3A_18 = vector.broadcast %shift_left3A : i32 to vector<2000x128xi32>
    %shift_left3A_19 = arith.shli %convert_element_type3A_17, %shift_left3A_18 : vector<2000x128xi32>
    %or3A = arith.ori %convert_element_type3A_16, %shift_left3A_19 : vector<2000x128xi32>
    %bitcast_convert_type3A_20 = tpu.bitcast %or3A : vector<2000x128xi32> -> vector<2000x128xf32>
    %swap3A = arith.constant 0 : index
    %swap3A_21 = arith.constant 0 : index
    %swap3A_22 = vector.load %arg9[%swap3A, %swap3A_21] : memref<2000x128xf32, #tpu.memory_space<vmem>>, vector<2000x128xf32>
    tpu.vector_store %arg9[%swap3A, %swap3A_21], %bitcast_convert_type3A_20 {strides = array<i32>} : memref<2000x128xf32, #tpu.memory_space<vmem>>, vector<2000x128xf32>,
    %get3A_23 = arith.constant 0 : index
    %get3A_24 = arith.constant 0 : index
    %get3A_25 = vector.load %arg5[%get3A_23, %get3A_24] : memref<128x128xf32, #tpu.memory_space<vmem>>, vector<128x128xf32>
    %dot_general3A_26 = arith.constant dense<0.000000e+00> : vector<2000x128xf32>
    %dot_general3A_27 = tpu.matmul %get3A_4, %get3A_25, %dot_general3A_26 {dimension_numbers = #tpu.dot_dimension_numbers<[1], [0], [0], [1], [0, 0, 1, 1], [], []>, transpose_lhs_hint = false} : vector<2000x128xf32>, vector<128x128xf32>, vector<2000x128xf32> -> vector<2000x128xf32>
    %get3A_28 = arith.constant 0 : index
    %get3A_29 = arith.constant 0 : index
    %get3A_30 = vector.load %arg7[%get3A_28, %get3A_29] : memref<1x128xf32, #tpu.memory_space<vmem>>, vector<1x128xf32>
    %add3A = vector.broadcast %get3A_30 : vector<1x128xf32> to vector<2000x128xf32>
    %add3A_31 = arith.addf %dot_general3A_27, %add3A : vector<2000x128xf32>
    %get3A_32 = arith.constant 0 : index
    %get3A_33 = arith.constant 0 : index
    %get3A_34 = vector.load %arg6[%get3A_32, %get3A_33] : memref<128x128xf32, #tpu.memory_space<vmem>>, vector<128x128xf32>
    %dot_general3A_35 = arith.constant dense<0.000000e+00> : vector<2000x128xf32>
    %dot_general3A_36 = tpu.matmul %get3A_4, %get3A_34, %dot_general3A_35 {dimension_numbers = #tpu.dot_dimension_numbers<[1], [0], [0], [1], [0, 0, 1, 1], [], []>, transpose_lhs_hint = false} : vector<2000x128xf32>, vector<128x128xf32>, vector<2000x128xf32> -> vector<2000x128xf32>
    %get3A_37 = arith.constant 0 : index
    %get3A_38 = arith.constant 0 : index
    %get3A_39 = vector.load %arg8[%get3A_37, %get3A_38] : memref<1x128xf32, #tpu.memory_space<vmem>>, vector<1x128xf32>
    %add3A_40 = vector.broadcast %get3A_39 : vector<1x128xf32> to vector<2000x128xf32>
    %add3A_41 = arith.addf %dot_general3A_36, %add3A_40 : vector<2000x128xf32>
    %convert_element_type3A_42 = arith.truncf %add3A_31 : vector<2000x128xf32> to vector<2000x128xbf16>
    %bitcast_convert_type3A_43 = tpu.bitcast %convert_element_type3A_42 : vector<2000x128xbf16> -> vector<2000x128xi16>
    %convert_element_type3A_44 = arith.truncf %add3A_41 : vector<2000x128xf32> to vector<2000x128xbf16>
    %bitcast_convert_type3A_45 = tpu.bitcast %convert_element_type3A_44 : vector<2000x128xbf16> -> vector<2000x128xi16>
    %convert_element_type3A_46 = arith.extui %bitcast_convert_type3A_43 : vector<2000x128xi16> to vector<2000x128xi32>
    %convert_element_type3A_47 = arith.extui %bitcast_convert_type3A_45 : vector<2000x128xi16> to vector<2000x128xi32>
    %shift_left3A_48 = arith.constant 16 : i32
    %shift_left3A_49 = vector.broadcast %shift_left3A_48 : i32 to vector<2000x128xi32>
    %shift_left3A_50 = arith.shli %convert_element_type3A_47, %shift_left3A_49 : vector<2000x128xi32>
    %or3A_51 = arith.ori %convert_element_type3A_46, %shift_left3A_50 : vector<2000x128xi32>
    %bitcast_convert_type3A_52 = tpu.bitcast %or3A_51 : vector<2000x128xi32> -> vector<2000x128xf32>
    %swap3A_53 = arith.constant 0 : index
    %swap3A_54 = arith.constant 0 : index
    %swap3A_55 = vector.load %arg10[%swap3A_53, %swap3A_54] : memref<2000x128xf32, #tpu.memory_space<vmem>>, vector<2000x128xf32>
    tpu.vector_store %arg10[%swap3A_53, %swap3A_54], %bitcast_convert_type3A_52 {strides = array<i32>} : memref<2000x128xf32, #tpu.memory_space<vmem>>, vector<2000x128xf32>,
    return
  }
  func.func @transform_0(%arg0: i32) -> (i32, i32) {
    %c0_i32 = arith.constant 0 : i32
    %c0_i32_0 = arith.constant 0 : i32
    return %arg0, %c0_i32 : i32, i32
  }
  func.func @transform_1(%arg0: i32) -> (i32, i32) {
    %c0_i32 = arith.constant 0 : i32
    %c0_i32_0 = arith.constant 0 : i32
    return %arg0, %c0_i32 : i32, i32
  }
  func.func @transform_2(%arg0: i32) -> (i32, i32) {
    %c0_i32 = arith.constant 0 : i32
    %c0_i32_0 = arith.constant 0 : i32
    %c0_i32_1 = arith.constant 0 : i32
    return %c0_i32, %c0_i32_0 : i32, i32
  }
  func.func @transform_3(%arg0: i32) -> (i32, i32) {
    %c0_i32 = arith.constant 0 : i32
    %c0_i32_0 = arith.constant 0 : i32
    %c0_i32_1 = arith.constant 0 : i32
    return %c0_i32, %c0_i32_0 : i32, i32
  }
  func.func @transform_4(%arg0: i32) -> (i32, i32) {
    %c0_i32 = arith.constant 0 : i32
    %c0_i32_0 = arith.constant 0 : i32
    %c0_i32_1 = arith.constant 0 : i32
    return %c0_i32, %c0_i32_0 : i32, i32
  }
  func.func @transform_5(%arg0: i32) -> (i32, i32) {
    %c0_i32 = arith.constant 0 : i32
    %c0_i32_0 = arith.constant 0 : i32
    %c0_i32_1 = arith.constant 0 : i32
    return %c0_i32, %c0_i32_0 : i32, i32
  }
  func.func @transform_6(%arg0: i32) -> (i32, i32) {
    %c0_i32 = arith.constant 0 : i32
    %c0_i32_0 = arith.constant 0 : i32
    %c0_i32_1 = arith.constant 0 : i32
    return %c0_i32, %c0_i32_0 : i32, i32
  }
  func.func @transform_7(%arg0: i32) -> (i32, i32) {
    %c0_i32 = arith.constant 0 : i32
    %c0_i32_0 = arith.constant 0 : i32
    %c0_i32_1 = arith.constant 0 : i32
    return %c0_i32, %c0_i32_0 : i32, i32
  }
  func.func @transform_8(%arg0: i32) -> (i32, i32) {
    %c0_i32 = arith.constant 0 : i32
    %c0_i32_0 = arith.constant 0 : i32
    return %arg0, %c0_i32 : i32, i32
  }
  func.func @transform_9(%arg0: i32) -> (i32, i32) {
    %c0_i32 = arith.constant 0 : i32
    %c0_i32_0 = arith.constant 0 : i32
    return %arg0, %c0_i32 : i32, i32
  }
}

module attributes {stable_mosaic.version = 14 : i64} {
  func.func @_edge_body(%arg0: i32, %arg1: memref<4000x128xf32, #tpu.memory_space<vmem>>, %arg2: memref<4000x128xf32, #tpu.memory_space<vmem>>, %arg3: memref<4000x16xf32, #tpu.memory_space<vmem>>, %arg4: memref<16x128xf32, #tpu.memory_space<vmem>>, %arg5: memref<16x128xf32, #tpu.memory_space<vmem>>, %arg6: memref<128x8xf32, #tpu.memory_space<vmem>>, %arg7: memref<1x8xf32, #tpu.memory_space<vmem>>, %arg8: memref<128x128xf32, #tpu.memory_space<vmem>>, %arg9: memref<1x128xf32, #tpu.memory_space<vmem>>, %arg10: memref<8x128xf32, #tpu.memory_space<vmem>>, %arg11: memref<4000x128xf32, #tpu.memory_space<vmem>>, %arg12: memref<4000x8xf32, #tpu.memory_space<vmem>>) attributes {dimension_semantics = [#tpu.dimension_semantics<arbitrary>], iteration_bounds = array<i64: 40>, scalar_prefetch = 0 : i64, scratch_operands = 0 : i64, tpu.core_type = #tpu.core_type<tc>, window_params = [{transform_indices = @transform_0, window_bounds = array<i64: 4000, 128>}, {transform_indices = @transform_1, window_bounds = array<i64: 4000, 128>}, {transform_indices = @transform_2, window_bounds = array<i64: 4000, 16>}, {pipeline_mode = #tpu.pipeline_mode<synchronous>, transform_indices = @transform_3, window_bounds = array<i64: 16, 128>}, {pipeline_mode = #tpu.pipeline_mode<synchronous>, transform_indices = @transform_4, window_bounds = array<i64: 16, 128>}, {pipeline_mode = #tpu.pipeline_mode<synchronous>, transform_indices = @transform_5, window_bounds = array<i64: 128, 8>}, {pipeline_mode = #tpu.pipeline_mode<synchronous>, transform_indices = @transform_6, window_bounds = array<i64: 1, 8>}, {pipeline_mode = #tpu.pipeline_mode<synchronous>, transform_indices = @transform_7, window_bounds = array<i64: 128, 128>}, {pipeline_mode = #tpu.pipeline_mode<synchronous>, transform_indices = @transform_8, window_bounds = array<i64: 1, 128>}, {pipeline_mode = #tpu.pipeline_mode<synchronous>, transform_indices = @transform_9, window_bounds = array<i64: 8, 128>}, {transform_indices = @transform_10, window_bounds = array<i64: 4000, 128>}, {transform_indices = @transform_11, window_bounds = array<i64: 4000, 8>}]} {
    %get3A = arith.constant 0 : index
    %get3A_0 = arith.constant 0 : index
    %get3A_1 = vector.load %arg3[%get3A, %get3A_0] : memref<4000x16xf32, #tpu.memory_space<vmem>>, vector<4000x16xf32>
    %get3A_2 = arith.constant 0 : index
    %get3A_3 = arith.constant 0 : index
    %get3A_4 = vector.load %arg1[%get3A_2, %get3A_3] : memref<4000x128xf32, #tpu.memory_space<vmem>>, vector<4000x128xf32>
    %bitcast_convert_type3A = tpu.bitcast %get3A_4 : vector<4000x128xf32> -> vector<4000x128xi32>
    %and3A = arith.constant 65535 : i32
    %and3A_5 = vector.broadcast %and3A : i32 to vector<4000x128xi32>
    %and3A_6 = arith.andi %bitcast_convert_type3A, %and3A_5 : vector<4000x128xi32>
    %convert_element_type3A = arith.trunci %and3A_6 : vector<4000x128xi32> to vector<4000x128xi16>
    %bitcast_convert_type3A_7 = tpu.bitcast %convert_element_type3A : vector<4000x128xi16> -> vector<4000x128xbf16>
    %shift_right_logical3A = arith.constant 16 : i32
    %shift_right_logical3A_8 = vector.broadcast %shift_right_logical3A : i32 to vector<4000x128xi32>
    %shift_right_logical3A_9 = arith.shrui %bitcast_convert_type3A, %shift_right_logical3A_8 : vector<4000x128xi32>
    %convert_element_type3A_10 = arith.trunci %shift_right_logical3A_9 : vector<4000x128xi32> to vector<4000x128xi16>
    %bitcast_convert_type3A_11 = tpu.bitcast %convert_element_type3A_10 : vector<4000x128xi16> -> vector<4000x128xbf16>
    %convert_element_type3A_12 = arith.extf %bitcast_convert_type3A_7 : vector<4000x128xbf16> to vector<4000x128xf32>
    %convert_element_type3A_13 = arith.extf %bitcast_convert_type3A_11 : vector<4000x128xbf16> to vector<4000x128xf32>
    %get3A_14 = arith.constant 0 : index
    %get3A_15 = arith.constant 0 : index
    %get3A_16 = vector.load %arg2[%get3A_14, %get3A_15] : memref<4000x128xf32, #tpu.memory_space<vmem>>, vector<4000x128xf32>
    %bitcast_convert_type3A_17 = tpu.bitcast %get3A_16 : vector<4000x128xf32> -> vector<4000x128xi32>
    %and3A_18 = arith.constant 65535 : i32
    %and3A_19 = vector.broadcast %and3A_18 : i32 to vector<4000x128xi32>
    %and3A_20 = arith.andi %bitcast_convert_type3A_17, %and3A_19 : vector<4000x128xi32>
    %convert_element_type3A_21 = arith.trunci %and3A_20 : vector<4000x128xi32> to vector<4000x128xi16>
    %bitcast_convert_type3A_22 = tpu.bitcast %convert_element_type3A_21 : vector<4000x128xi16> -> vector<4000x128xbf16>
    %shift_right_logical3A_23 = arith.constant 16 : i32
    %shift_right_logical3A_24 = vector.broadcast %shift_right_logical3A_23 : i32 to vector<4000x128xi32>
    %shift_right_logical3A_25 = arith.shrui %bitcast_convert_type3A_17, %shift_right_logical3A_24 : vector<4000x128xi32>
    %convert_element_type3A_26 = arith.trunci %shift_right_logical3A_25 : vector<4000x128xi32> to vector<4000x128xi16>
    %bitcast_convert_type3A_27 = tpu.bitcast %convert_element_type3A_26 : vector<4000x128xi16> -> vector<4000x128xbf16>
    %convert_element_type3A_28 = arith.extf %bitcast_convert_type3A_22 : vector<4000x128xbf16> to vector<4000x128xf32>
    %convert_element_type3A_29 = arith.extf %bitcast_convert_type3A_27 : vector<4000x128xbf16> to vector<4000x128xf32>
    %add3A = arith.addf %convert_element_type3A_12, %convert_element_type3A_28 : vector<4000x128xf32>
    %get3A_30 = arith.constant 0 : index
    %get3A_31 = arith.constant 0 : index
    %get3A_32 = vector.load %arg4[%get3A_30, %get3A_31] : memref<16x128xf32, #tpu.memory_space<vmem>>, vector<16x128xf32>
    %dot_general3A = arith.constant dense<0.000000e+00> : vector<4000x128xf32>
    %dot_general3A_33 = tpu.matmul %get3A_1, %get3A_32, %dot_general3A {dimension_numbers = #tpu.dot_dimension_numbers<[1], [0], [0], [1], [0, 0, 1, 1], [], []>, transpose_lhs_hint = false} : vector<4000x16xf32>, vector<16x128xf32>, vector<4000x128xf32> -> vector<4000x128xf32>
    %add3A_34 = arith.addf %add3A, %dot_general3A_33 : vector<4000x128xf32>
    %max3A = arith.constant 0.000000e+00 : f32
    %max3A_35 = vector.broadcast %max3A : f32 to vector<4000x128xf32>
    %max3A_36 = arith.maximumf %add3A_34, %max3A_35 : vector<4000x128xf32>
    %get3A_37 = arith.constant 0 : index
    %get3A_38 = arith.constant 0 : index
    %get3A_39 = vector.load %arg6[%get3A_37, %get3A_38] : memref<128x8xf32, #tpu.memory_space<vmem>>, vector<128x8xf32>
    %dot_general3A_40 = arith.constant dense<0.000000e+00> : vector<4000x8xf32>
    %dot_general3A_41 = tpu.matmul %max3A_36, %get3A_39, %dot_general3A_40 {dimension_numbers = #tpu.dot_dimension_numbers<[1], [0], [0], [1], [0, 0, 1, 1], [], []>, transpose_lhs_hint = false} : vector<4000x128xf32>, vector<128x8xf32>, vector<4000x8xf32> -> vector<4000x8xf32>
    %get3A_42 = arith.constant 0 : index
    %get3A_43 = arith.constant 0 : index
    %get3A_44 = vector.load %arg7[%get3A_42, %get3A_43] : memref<1x8xf32, #tpu.memory_space<vmem>>, vector<1x8xf32>
    %add3A_45 = vector.broadcast %get3A_44 : vector<1x8xf32> to vector<4000x8xf32>
    %add3A_46 = arith.addf %dot_general3A_41, %add3A_45 : vector<4000x8xf32>
    %exp3A = math.exp %add3A_46 : vector<4000x8xf32>
    %add3A_47 = arith.addf %convert_element_type3A_13, %convert_element_type3A_29 : vector<4000x128xf32>
    %get3A_48 = arith.constant 0 : index
    %get3A_49 = arith.constant 0 : index
    %get3A_50 = vector.load %arg5[%get3A_48, %get3A_49] : memref<16x128xf32, #tpu.memory_space<vmem>>, vector<16x128xf32>
    %dot_general3A_51 = arith.constant dense<0.000000e+00> : vector<4000x128xf32>
    %dot_general3A_52 = tpu.matmul %get3A_1, %get3A_50, %dot_general3A_51 {dimension_numbers = #tpu.dot_dimension_numbers<[1], [0], [0], [1], [0, 0, 1, 1], [], []>, transpose_lhs_hint = false} : vector<4000x16xf32>, vector<16x128xf32>, vector<4000x128xf32> -> vector<4000x128xf32>
    %add3A_53 = arith.addf %add3A_47, %dot_general3A_52 : vector<4000x128xf32>
    %max3A_54 = arith.constant 0.000000e+00 : f32
    %max3A_55 = vector.broadcast %max3A_54 : f32 to vector<4000x128xf32>
    %max3A_56 = arith.maximumf %add3A_53, %max3A_55 : vector<4000x128xf32>
    %get3A_57 = arith.constant 0 : index
    %get3A_58 = arith.constant 0 : index
    %get3A_59 = vector.load %arg8[%get3A_57, %get3A_58] : memref<128x128xf32, #tpu.memory_space<vmem>>, vector<128x128xf32>
    %dot_general3A_60 = arith.constant dense<0.000000e+00> : vector<4000x128xf32>
    %dot_general3A_61 = tpu.matmul %max3A_56, %get3A_59, %dot_general3A_60 {dimension_numbers = #tpu.dot_dimension_numbers<[1], [0], [0], [1], [0, 0, 1, 1], [], []>, transpose_lhs_hint = false} : vector<4000x128xf32>, vector<128x128xf32>, vector<4000x128xf32> -> vector<4000x128xf32>
    %get3A_62 = arith.constant 0 : index
    %get3A_63 = arith.constant 0 : index
    %get3A_64 = vector.load %arg9[%get3A_62, %get3A_63] : memref<1x128xf32, #tpu.memory_space<vmem>>, vector<1x128xf32>
    %add3A_65 = vector.broadcast %get3A_64 : vector<1x128xf32> to vector<4000x128xf32>
    %add3A_66 = arith.addf %dot_general3A_61, %add3A_65 : vector<4000x128xf32>
    %add3A_67 = arith.addf %add3A_66, %max3A_56 : vector<4000x128xf32>
    %get3A_68 = arith.constant 0 : index
    %get3A_69 = arith.constant 0 : index
    %get3A_70 = vector.load %arg10[%get3A_68, %get3A_69] : memref<8x128xf32, #tpu.memory_space<vmem>>, vector<8x128xf32>
    %dot_general3A_71 = arith.constant dense<0.000000e+00> : vector<4000x128xf32>
    %dot_general3A_72 = tpu.matmul %exp3A, %get3A_70, %dot_general3A_71 {dimension_numbers = #tpu.dot_dimension_numbers<[1], [0], [0], [1], [0, 0, 1, 1], [], []>, transpose_lhs_hint = false} : vector<4000x8xf32>, vector<8x128xf32>, vector<4000x128xf32> -> vector<4000x128xf32>
    %mul3A = arith.mulf %dot_general3A_72, %add3A_67 : vector<4000x128xf32>
    %swap3A = arith.constant 0 : index
    %swap3A_73 = arith.constant 0 : index
    %swap3A_74 = vector.load %arg11[%swap3A, %swap3A_73] : memref<4000x128xf32, #tpu.memory_space<vmem>>, vector<4000x128xf32>
    tpu.vector_store %arg11[%swap3A, %swap3A_73], %mul3A {strides = array<i32>} : memref<4000x128xf32, #tpu.memory_space<vmem>>, vector<4000x128xf32>,
    %swap3A_75 = arith.constant 0 : index
    %swap3A_76 = arith.constant 0 : index
    %swap3A_77 = vector.load %arg12[%swap3A_75, %swap3A_76] : memref<4000x8xf32, #tpu.memory_space<vmem>>, vector<4000x8xf32>
    tpu.vector_store %arg12[%swap3A_75, %swap3A_76], %exp3A {strides = array<i32>} : memref<4000x8xf32, #tpu.memory_space<vmem>>, vector<4000x8xf32>,
    return
  }
  func.func @transform_0(%arg0: i32) -> (i32, i32) {
    %c0_i32 = arith.constant 0 : i32
    %c0_i32_0 = arith.constant 0 : i32
    return %arg0, %c0_i32 : i32, i32
  }
  func.func @transform_1(%arg0: i32) -> (i32, i32) {
    %c0_i32 = arith.constant 0 : i32
    %c0_i32_0 = arith.constant 0 : i32
    return %arg0, %c0_i32 : i32, i32
  }
  func.func @transform_2(%arg0: i32) -> (i32, i32) {
    %c0_i32 = arith.constant 0 : i32
    %c0_i32_0 = arith.constant 0 : i32
    return %arg0, %c0_i32 : i32, i32
  }
  func.func @transform_3(%arg0: i32) -> (i32, i32) {
    %c0_i32 = arith.constant 0 : i32
    %c0_i32_0 = arith.constant 0 : i32
    %c0_i32_1 = arith.constant 0 : i32
    return %c0_i32, %c0_i32_0 : i32, i32
  }
  func.func @transform_4(%arg0: i32) -> (i32, i32) {
    %c0_i32 = arith.constant 0 : i32
    %c0_i32_0 = arith.constant 0 : i32
    %c0_i32_1 = arith.constant 0 : i32
    return %c0_i32, %c0_i32_0 : i32, i32
  }
  func.func @transform_5(%arg0: i32) -> (i32, i32) {
    %c0_i32 = arith.constant 0 : i32
    %c0_i32_0 = arith.constant 0 : i32
    %c0_i32_1 = arith.constant 0 : i32
    return %c0_i32, %c0_i32_0 : i32, i32
  }
  func.func @transform_6(%arg0: i32) -> (i32, i32) {
    %c0_i32 = arith.constant 0 : i32
    %c0_i32_0 = arith.constant 0 : i32
    %c0_i32_1 = arith.constant 0 : i32
    return %c0_i32, %c0_i32_0 : i32, i32
  }
  func.func @transform_7(%arg0: i32) -> (i32, i32) {
    %c0_i32 = arith.constant 0 : i32
    %c0_i32_0 = arith.constant 0 : i32
    %c0_i32_1 = arith.constant 0 : i32
    return %c0_i32, %c0_i32_0 : i32, i32
  }
  func.func @transform_8(%arg0: i32) -> (i32, i32) {
    %c0_i32 = arith.constant 0 : i32
    %c0_i32_0 = arith.constant 0 : i32
    %c0_i32_1 = arith.constant 0 : i32
    return %c0_i32, %c0_i32_0 : i32, i32
  }
  func.func @transform_9(%arg0: i32) -> (i32, i32) {
    %c0_i32 = arith.constant 0 : i32
    %c0_i32_0 = arith.constant 0 : i32
    %c0_i32_1 = arith.constant 0 : i32
    return %c0_i32, %c0_i32_0 : i32, i32
  }
  func.func @transform_10(%arg0: i32) -> (i32, i32) {
    %c0_i32 = arith.constant 0 : i32
    %c0_i32_0 = arith.constant 0 : i32
    return %arg0, %c0_i32 : i32, i32
  }
  func.func @transform_11(%arg0: i32) -> (i32, i32) {
    %c0_i32 = arith.constant 0 : i32
    %c0_i32_0 = arith.constant 0 : i32
    return %arg0, %c0_i32 : i32, i32
  }
}

module attributes {stable_mosaic.version = 14 : i64} {
  func.func @_update_body(%arg0: i32, %arg1: memref<2000x128xf32, #tpu.memory_space<vmem>>, %arg2: memref<2000x128xf32, #tpu.memory_space<vmem>>, %arg3: memref<2000x128xf32, #tpu.memory_space<vmem>>, %arg4: memref<2000x128xf32, #tpu.memory_space<vmem>>, %arg5: memref<128x128xf32, #tpu.memory_space<vmem>>, %arg6: memref<1x128xf32, #tpu.memory_space<vmem>>, %arg7: memref<128x128xf32, #tpu.memory_space<vmem>>, %arg8: memref<1x128xf32, #tpu.memory_space<vmem>>, %arg9: memref<8x128xf32, #tpu.memory_space<vmem>>, %arg10: memref<2000x128xf32, #tpu.memory_space<vmem>>) attributes {dimension_semantics = [#tpu.dimension_semantics<arbitrary>], iteration_bounds = array<i64: 5>, scalar_prefetch = 0 : i64, scratch_operands = 0 : i64, tpu.core_type = #tpu.core_type<tc>, window_params = [{transform_indices = @transform_0, window_bounds = array<i64: 2000, 128>}, {transform_indices = @transform_1, window_bounds = array<i64: 2000, 128>}, {transform_indices = @transform_2, window_bounds = array<i64: 2000, 128>}, {transform_indices = @transform_3, window_bounds = array<i64: 2000, 128>}, {pipeline_mode = #tpu.pipeline_mode<synchronous>, transform_indices = @transform_4, window_bounds = array<i64: 128, 128>}, {pipeline_mode = #tpu.pipeline_mode<synchronous>, transform_indices = @transform_5, window_bounds = array<i64: 1, 128>}, {pipeline_mode = #tpu.pipeline_mode<synchronous>, transform_indices = @transform_6, window_bounds = array<i64: 128, 128>}, {pipeline_mode = #tpu.pipeline_mode<synchronous>, transform_indices = @transform_7, window_bounds = array<i64: 1, 128>}, {pipeline_mode = #tpu.pipeline_mode<synchronous>, transform_indices = @transform_8, window_bounds = array<i64: 8, 128>}, {transform_indices = @transform_9, window_bounds = array<i64: 2000, 128>}]} {
    %get3A = arith.constant 0 : index
    %get3A_0 = arith.constant 0 : index
    %get3A_1 = vector.load %arg1[%get3A, %get3A_0] : memref<2000x128xf32, #tpu.memory_space<vmem>>, vector<2000x128xf32>
    %get3A_2 = arith.constant 0 : index
    %get3A_3 = arith.constant 0 : index
    %get3A_4 = vector.load %arg3[%get3A_2, %get3A_3] : memref<2000x128xf32, #tpu.memory_space<vmem>>, vector<2000x128xf32>
    %add3A = arith.addf %get3A_1, %get3A_4 : vector<2000x128xf32>
    %get3A_5 = arith.constant 0 : index
    %get3A_6 = arith.constant 0 : index
    %get3A_7 = vector.load %arg2[%get3A_5, %get3A_6] : memref<2000x128xf32, #tpu.memory_space<vmem>>, vector<2000x8xf32>
    %get3A_8 = arith.constant 0 : index
    %get3A_9 = arith.constant 0 : index
    %get3A_10 = vector.load %arg4[%get3A_8, %get3A_9] : memref<2000x128xf32, #tpu.memory_space<vmem>>, vector<2000x8xf32>
    %add3A_11 = arith.addf %get3A_7, %get3A_10 : vector<2000x8xf32>
    %get3A_12 = arith.constant 0 : index
    %get3A_13 = arith.constant 0 : index
    %get3A_14 = vector.load %arg9[%get3A_12, %get3A_13] : memref<8x128xf32, #tpu.memory_space<vmem>>, vector<8x128xf32>
    %dot_general3A = arith.constant dense<0.000000e+00> : vector<2000x128xf32>
    %dot_general3A_15 = tpu.matmul %add3A_11, %get3A_14, %dot_general3A {dimension_numbers = #tpu.dot_dimension_numbers<[1], [0], [0], [1], [0, 0, 1, 1], [], []>, transpose_lhs_hint = false} : vector<2000x8xf32>, vector<8x128xf32>, vector<2000x128xf32> -> vector<2000x128xf32>
    %add3A_16 = arith.constant 1.000000e-16 : f32
    %add3A_17 = vector.broadcast %add3A_16 : f32 to vector<2000x128xf32>
    %add3A_18 = arith.addf %dot_general3A_15, %add3A_17 : vector<2000x128xf32>
    %div3A = arith.divf %add3A, %add3A_18 : vector<2000x128xf32>
    %max3A = arith.constant 0.000000e+00 : f32
    %max3A_19 = vector.broadcast %max3A : f32 to vector<2000x128xf32>
    %max3A_20 = arith.maximumf %div3A, %max3A_19 : vector<2000x128xf32>
    %get3A_21 = arith.constant 0 : index
    %get3A_22 = arith.constant 0 : index
    %get3A_23 = vector.load %arg5[%get3A_21, %get3A_22] : memref<128x128xf32, #tpu.memory_space<vmem>>, vector<128x128xf32>
    %dot_general3A_24 = arith.constant dense<0.000000e+00> : vector<2000x128xf32>
    %dot_general3A_25 = tpu.matmul %max3A_20, %get3A_23, %dot_general3A_24 {dimension_numbers = #tpu.dot_dimension_numbers<[1], [0], [0], [1], [0, 0, 1, 1], [], []>, transpose_lhs_hint = false} : vector<2000x128xf32>, vector<128x128xf32>, vector<2000x128xf32> -> vector<2000x128xf32>
    %get3A_26 = arith.constant 0 : index
    %get3A_27 = arith.constant 0 : index
    %get3A_28 = vector.load %arg6[%get3A_26, %get3A_27] : memref<1x128xf32, #tpu.memory_space<vmem>>, vector<1x128xf32>
    %add3A_29 = vector.broadcast %get3A_28 : vector<1x128xf32> to vector<2000x128xf32>
    %add3A_30 = arith.addf %dot_general3A_25, %add3A_29 : vector<2000x128xf32>
    %add3A_31 = arith.addf %add3A_30, %max3A_20 : vector<2000x128xf32>
    %max3A_32 = arith.constant 0.000000e+00 : f32
    %max3A_33 = vector.broadcast %max3A_32 : f32 to vector<2000x128xf32>
    %max3A_34 = arith.maximumf %add3A_31, %max3A_33 : vector<2000x128xf32>
    %get3A_35 = arith.constant 0 : index
    %get3A_36 = arith.constant 0 : index
    %get3A_37 = vector.load %arg7[%get3A_35, %get3A_36] : memref<128x128xf32, #tpu.memory_space<vmem>>, vector<128x128xf32>
    %dot_general3A_38 = arith.constant dense<0.000000e+00> : vector<2000x128xf32>
    %dot_general3A_39 = tpu.matmul %max3A_34, %get3A_37, %dot_general3A_38 {dimension_numbers = #tpu.dot_dimension_numbers<[1], [0], [0], [1], [0, 0, 1, 1], [], []>, transpose_lhs_hint = false} : vector<2000x128xf32>, vector<128x128xf32>, vector<2000x128xf32> -> vector<2000x128xf32>
    %get3A_40 = arith.constant 0 : index
    %get3A_41 = arith.constant 0 : index
    %get3A_42 = vector.load %arg8[%get3A_40, %get3A_41] : memref<1x128xf32, #tpu.memory_space<vmem>>, vector<1x128xf32>
    %add3A_43 = vector.broadcast %get3A_42 : vector<1x128xf32> to vector<2000x128xf32>
    %add3A_44 = arith.addf %dot_general3A_39, %add3A_43 : vector<2000x128xf32>
    %add3A_45 = arith.addf %add3A_44, %max3A_34 : vector<2000x128xf32>
    %max3A_46 = arith.constant 0.000000e+00 : f32
    %max3A_47 = vector.broadcast %max3A_46 : f32 to vector<2000x128xf32>
    %max3A_48 = arith.maximumf %add3A_45, %max3A_47 : vector<2000x128xf32>
    %swap3A = arith.constant 0 : index
    %swap3A_49 = arith.constant 0 : index
    %swap3A_50 = vector.load %arg10[%swap3A, %swap3A_49] : memref<2000x128xf32, #tpu.memory_space<vmem>>, vector<2000x128xf32>
    tpu.vector_store %arg10[%swap3A, %swap3A_49], %max3A_48 {strides = array<i32>} : memref<2000x128xf32, #tpu.memory_space<vmem>>, vector<2000x128xf32>,
    return
  }
  func.func @transform_0(%arg0: i32) -> (i32, i32) {
    %c0_i32 = arith.constant 0 : i32
    %c0_i32_0 = arith.constant 0 : i32
    return %arg0, %c0_i32 : i32, i32
  }
  func.func @transform_1(%arg0: i32) -> (i32, i32) {
    %add3A = arith.constant 5 : i32
    %add3A_0 = arith.addi %arg0, %add3A : i32
    %c0_i32 = arith.constant 0 : i32
    %c0_i32_1 = arith.constant 0 : i32
    return %add3A_0, %c0_i32 : i32, i32
  }
  func.func @transform_2(%arg0: i32) -> (i32, i32) {
    %c0_i32 = arith.constant 0 : i32
    %c0_i32_0 = arith.constant 0 : i32
    return %arg0, %c0_i32 : i32, i32
  }
  func.func @transform_3(%arg0: i32) -> (i32, i32) {
    %add3A = arith.constant 5 : i32
    %add3A_0 = arith.addi %arg0, %add3A : i32
    %c0_i32 = arith.constant 0 : i32
    %c0_i32_1 = arith.constant 0 : i32
    return %add3A_0, %c0_i32 : i32, i32
  }
  func.func @transform_4(%arg0: i32) -> (i32, i32) {
    %c0_i32 = arith.constant 0 : i32
    %c0_i32_0 = arith.constant 0 : i32
    %c0_i32_1 = arith.constant 0 : i32
    return %c0_i32, %c0_i32_0 : i32, i32
  }
  func.func @transform_5(%arg0: i32) -> (i32, i32) {
    %c0_i32 = arith.constant 0 : i32
    %c0_i32_0 = arith.constant 0 : i32
    %c0_i32_1 = arith.constant 0 : i32
    return %c0_i32, %c0_i32_0 : i32, i32
  }
  func.func @transform_6(%arg0: i32) -> (i32, i32) {
    %c0_i32 = arith.constant 0 : i32
    %c0_i32_0 = arith.constant 0 : i32
    %c0_i32_1 = arith.constant 0 : i32
    return %c0_i32, %c0_i32_0 : i32, i32
  }
  func.func @transform_7(%arg0: i32) -> (i32, i32) {
    %c0_i32 = arith.constant 0 : i32
    %c0_i32_0 = arith.constant 0 : i32
    %c0_i32_1 = arith.constant 0 : i32
    return %c0_i32, %c0_i32_0 : i32, i32
  }
  func.func @transform_8(%arg0: i32) -> (i32, i32) {
    %c0_i32 = arith.constant 0 : i32
    %c0_i32_0 = arith.constant 0 : i32
    %c0_i32_1 = arith.constant 0 : i32
    return %c0_i32, %c0_i32_0 : i32, i32
  }
  func.func @transform_9(%arg0: i32) -> (i32, i32) {
    %c0_i32 = arith.constant 0 : i32
    %c0_i32_0 = arith.constant 0 : i32
    return %arg0, %c0_i32 : i32, i32
  }
}

</mosaic_0001>

<sc_bundles>
// kernel: kernel.10.cloned.1.call-start
scs
__scs_entry_jumppad:
0x0: {  	(pc) =	sbr.rel $0x88, $3  }
0x1: {  	(tag) =	ssettag $0x0;
	lr =	simm.s32 $0x1  }
0x2: {  	[smem:$0x3F90] =	sst lr;
	_ =	strace $0xD0000000  }
0x3: {  	_ = 	snop  }
0x4: {  	_ = 	snop  }
0x5: {  	_ = 	snop  }
0x6: {  	_ = 	snop  }
0x7: {  	_ = 	snop  }
__scs_overlays_trampoline_lowered:
0x8: {  	[smem:$0x3F9F] =	sst s0  }
0x9: {  	[smem:$0x3FA0] =	sst s1  }
0xa: {  	[smem:$0x3FA1] =	sst s2  }
0xb: {  	[smem:$0x3FA2] =	sst s3  }
0xc: {  	[smem:$0x3FA3] =	sst s4  }
0xd: {  	[smem:$0x3FA4] =	sst s5  }
0xe: {  	[smem:$0x3FA5] =	sst s6  }
0xf: {  	[smem:$0x3FA6] =	sst s7  }
0x10: {  	[smem:$0x3FA7] =	sst s8  }
0x11: {  	[smem:$0x3FA8] =	sst s9;
	s0 =	simm.s32 @!p0 $0x0  }
0x12: {  	s1 =	sld [smem:$0x3F8E];
	s0 =	simm.s32 @p0 $0x1  }
0x13: {  	[smem:$0x3FA9] =	sst s0;
	s0 =	simm.s32 @!p1 $0x0  }
0x14: {  	s2 =	sld [smem:$0x3F8D];
	s0 =	simm.s32 @p1 $0x1  }
0x15: {  	[smem:$0x3FAA] =	sst s0;
	s0 =	simm.s32 @!p2 $0x0  }
0x16: {  	s3 =	sld [smem:$0x3FDB];
	s0 =	simm.s32 @p2 $0x1  }
0x17: {  	s4 =	simm.s32 $0x1BF5;
	[smem:$0x3FAC] =	sst s0  }
0x18: {  	s0 =	sld [smem:$0x3F8F];
	_ =	swait.ge [sflag:s4], $0x0  }
0x19: {  	s7 =	sld [smem:$0x3F90]  }
0x1a: {  	s8 =	sadd.s32 $0xFFFFE003, lr  }
0x1b: {  	s9 =	sadd.s32 $0xFFFFFEF7, lr;
	s5 =	simm.s32 $0xFFFFFFFF;
	p2 =	slt.u32 s8, $0xFFFFF086  }
0x1c: {  	p1 =	slt.u32 s9, $0xF7A;
	s5 =	simm.s32 @!p2 $0x0  }
0x1d: {  	s5 =	simm.s32 @p1 $0x1;
	p0 =	seq.s32 s7, s2  }
0x1e: {  	s7 =	smul.u32 @!p0 $0xF7A, s2;
	p2 =	seq.s32 @!p0 s5, $0x0  }
0x1f: {  	s9 =	smul.u32 $0xF7A, s1;
	s8 =	simm.s32 @!p0 $0x1BF5;
	p2 =	por !p2, p0  }
0x20: {  	[sflag:s8] =	ssyncset.s32 @!p0 $0xFFFFF086;
	s6 =	sadd.s32 @!p0 s3, s7;
	s7 =	simm.s32 @!p0 $0x108  }
0x21: {  	s3 =	sadd.s32 s3, s9;
	s6 =	sadd.s32 @!p0 $0x88, s6;
	s7 =	simm.s32 @p2 $0x1082  }
0x22: {  	[simem:s7], [sflag:s8] =	dma.local @!p0 [hbm:s6], $0xF7A  }
0x23: {  	s9 =	sor.u32 $0xD0000000, s2;
	s6 =	simm.s32 $0x108;
	_ =	swait.ge @!p0 [sflag:s8], $0x0  }
0x24: {  	s3 =	sadd.s32 $0x88, s3;
	s6 =	simm.s32 @!p1 $0x1082;
	[sflag:s4] =	ssyncset.s32 $0xFFFFF086  }
0x25: {  	[simem:s6], [sflag:s4] =	dma.local [hbm:s3], $0xF7A  }
0x26: {  	[smem:$0x3F90] =	sst s1;
	(tag) =	ssettag s2;
	_ =	strace s9  }
0x27: {  	s1 =	sld [smem:$0x3FA0]  }
0x28: {  	s2 =	sld [smem:$0x3FA1]  }
0x29: {  	s4 =	sld [smem:$0x3FA3]  }
0x2a: {  	p0 =	seq.s32 s5, $0x0;
	s5 =	sld [smem:$0x3FA4]  }
0x2b: {  	s6 =	sld [smem:$0x3FA5]  }
0x2c: {  	s7 =	sld [smem:$0x3FA6]  }
0x2d: {  	s3 =	simm.s32 $0x108;
	s8 =	sld [smem:$0x3FA7]  }
0x2e: {  	s3 =	simm.s32 @!p0 $0x1082;
	s9 =	sld [smem:$0x3FA8]  }
0x2f: {  	lr =	sadd.s32 s0, s3;
	s0 =	sld [smem:$0x3F9F]  }
0x30: {  	s3 =	sld [smem:$0x3FA2]  }
0x31: {  	[smem:$0x3FAB] =	sst s10  }
0x32: {  	s10 =	sld [smem:$0x3FA9];
	_ =	sdelay $0x3  }
0x33: {  	p0 =	seq.s32 s10, $0x1;
	s10 =	sld [smem:$0x3FAB];
	_ =	sdelay $0x3  }
0x34: {  	[smem:$0x3FAB] =	sst s10  }
0x35: {  	s10 =	sld [smem:$0x3FAA];
	_ =	sdelay $0x3  }
0x36: {  	p1 =	seq.s32 s10, $0x1;
	s10 =	sld [smem:$0x3FAB];
	_ =	sdelay $0x3  }
0x37: {  	[smem:$0x3FAB] =	sst s10  }
0x38: {  	s10 =	sld [smem:$0x3FAC]  }
0x39: {  	_ = 	snop;
	(pc) =	sbr.ind lr, $3  }
0x3a: {  	_ = 	snop  }
0x3b: {  	_ = 	snop  }
0x3c: {  	p2 =	seq.s32 s10, $0x1;
	s10 =	sld [smem:$0x3FAB]  }
0x3d: {  	_ =	shalt  }
0x3e: {  	_ =	shalt  }
0x3f: {  	_ =	shalt  }
0x40: {  	_ =	shalt  }
0x41: {  	_ =	shalt  }
0x42: {  	_ =	shalt  }
0x43: {  	_ =	shalt  }
0x44: {  	_ =	shalt  }
0x45: {  	_ =	shalt  }
0x46: {  	_ =	shalt  }
0x47: {  	_ =	shalt  }
0x48: {  	_ =	shalt  }
0x49: {  	_ =	shalt  }
0x4a: {  	_ =	shalt  }
0x4b: {  	_ =	shalt  }
0x4c: {  	_ =	shalt  }
0x4d: {  	_ =	shalt  }
0x4e: {  	_ =	shalt  }
0x4f: {  	_ =	shalt  }
0x50: {  	_ =	shalt  }
0x51: {  	_ =	shalt  }
0x52: {  	_ =	shalt  }
0x53: {  	_ =	shalt  }
0x54: {  	_ =	shalt  }
0x55: {  	_ =	shalt  }
0x56: {  	_ =	shalt  }
0x57: {  	_ =	shalt  }
0x58: {  	_ =	shalt  }
0x59: {  	_ =	shalt  }
0x5a: {  	_ =	shalt  }
0x5b: {  	_ =	shalt  }
0x5c: {  	_ =	shalt  }
0x5d: {  	_ =	shalt  }
0x5e: {  	_ =	shalt  }
0x5f: {  	_ =	shalt  }
0x60: {  	_ =	shalt  }
0x61: {  	_ =	shalt  }
0x62: {  	_ =	shalt  }
0x63: {  	_ =	shalt  }
0x64: {  	_ =	shalt  }
0x65: {  	_ =	shalt  }
0x66: {  	_ =	shalt  }
0x67: {  	_ =	shalt  }
0x68: {  	_ =	shalt  }
0x69: {  	_ =	shalt  }
0x6a: {  	_ =	shalt  }
0x6b: {  	_ =	shalt  }
0x6c: {  	_ =	shalt  }
0x6d: {  	_ =	shalt  }
0x6e: {  	_ =	shalt  }
0x6f: {  	_ =	shalt  }
0x70: {  	_ =	shalt  }
0x71: {  	_ =	shalt  }
0x72: {  	_ =	shalt  }
0x73: {  	_ =	shalt  }
0x74: {  	_ =	shalt  }
0x75: {  	_ =	shalt  }
0x76: {  	_ =	shalt  }
0x77: {  	_ =	shalt  }
0x78: {  	_ =	shalt  }
0x79: {  	_ =	shalt  }
0x7a: {  	_ =	shalt  }
0x7b: {  	_ =	shalt  }
0x7c: {  	_ =	shalt  }
0x7d: {  	_ =	shalt  }
0x7e: {  	_ =	shalt  }
0x7f: {  	_ =	shalt  }
0x80: {  	_ =	shalt  }
0x81: {  	_ =	shalt  }
0x82: {  	_ =	shalt  }
0x83: {  	_ =	shalt  }
0x84: {  	_ =	shalt  }
0x85: {  	_ =	shalt  }
0x86: {  	_ =	shalt  }
0x87: {  	_ =	shalt  }
.Lfunc_end0:
.L_simem_size_0:
called_computation_lowered:
.L_overlay_start_0:
0x88: {  	s2 =	sld [smem:$0x3FD9]  }
0x89: {  	s3 =	sld [smem:$0x3FFE];
	_ =	sdelay $0x1  }
0x8a: {  	s1 =	srdreg.scid  }
0x8b: {  	s0 =	sand.u32 $0x1, s1  }
0x8c: {  	s17 =	sshll.u32 s0, $0xA;
	s2 =	sadd.s32 s3, s2  }
0x8d: {  	s2 =	sadd.s32 s2, s17  }
0x8e: {  	[smem:$0x3FB7] =	sst s2  }
0x8f: {  	_ = 	snop  }
0x90: {  	s2 =	sld [smem:$0x3FD0];
	(tm) =	ssettm $0x1  }
0x91: {  	s18 =	sld [smem:$0x3FFB];
	_ =	sdelay $0x3  }
0x92: {  	_ =	strace s18  }
0x93: {  	s3 =	sld [smem:$0x3FFC];
	_ =	sdelay $0x3  }
0x94: {  	_ =	strace s3  }
0x95: {  	s3 =	sld [smem:$0x3FFD];
	_ =	sdelay $0x3  }
0x96: {  	_ =	strace s3  }
0x97: {  	_ =	strace $0x8FFFFFFF  }
0x98: {  	s19 =	sld [smem:$0x3FDB];
	_ =	sdelay $0x1  }
0x99: {  	s4 =	simm.s32 $_scs_section_size  }
0x9a: {  	s5 =	simm.s32 $_size__tile_overlayer_lowered;
	s6 =	simm.s32 $_tile_overlayer_lowered  }
0x9b: {  	s22 =	simm.s32 $0x1BFF;
	s21 =	sshll.u32 s6, $0x1;
	s3 =	sadd.s32 s4, s19  }
0x9c: {  	s7 =	simm.s32 $0x0;
	s20 =	sshll.u32 s5, $0x1;
	s5 =	sadd.s32 s21, s3  }
0x9d: {  	[timem:s7], [sflag:s22] =	dma.local [hbm:s5], s20  }
0x9e: {  	_ =	swait.ge [sflag:s22], s20  }
0x9f: {  	s4 =	ssub.s32 $0x0, s20;
	[sflag:s22] =	ssyncset.done $0x0  }
0xa0: {  	[sflag:s22] =	ssyncadd.s32 s4;
	_ =	sdelay $0x1  }
0xa1: {  	s23 =	simm.s32 $0x1B8B  }
0xa2: {  	_ =	swait.ge [sflag:s23], $0x1  }
0xa3: {  	[sflag:s23] =	ssyncset.done $0x0  }
0xa4: {  	s25 =	simm.s32 $0x1B8E;
	s24 =	sld [smem:$0x3FFE];
	[sflag:s23] =	ssyncadd.s32 $0xFFFFFFFF  }
0xa5: {  	s26 =	simm.s32 $execute0_lowered;
	[smem:$0x3FD2] =	sst s25  }
0xa6: {  	s5 =	sshll.u32 s26, $0x1;
	_ =	strace $0x80000046;
	[dreg:$0x1] =	wrdreg $0xFFFFFFFF  }
0xa7: {  	s28 =	simm.s32 $_size_execute0_lowered;
	s3 =	sadd.s32 s3, s5;
	[dreg:$0x0] =	wrdreg $0x0  }
0xa8: {  	s5 =	sshll.u32 s28, $0x1;
	[dreg:$0x2] =	wrdreg s3  }
0xa9: {  	[dreg:$0x3] =	wrdreg s5  }
0xaa: {  	[dreg:$0x4] =	wrdreg $0xC0  }
0xab: {  	_ =	task [dreg:s7], $0x5FFFF  }
0xac: {  	[dreg:$0x1] =	wrdreg $0xFFFFFFFF  }
0xad: {  	[dreg:$0x0] =	wrdreg $0x60  }
0xae: {  	[dreg:$0x2] =	wrdreg s2  }
0xaf: {  	[dreg:$0x3] =	wrdreg s24  }
0xb0: {  	[dreg:$0x4] =	wrdreg $0x9  }
0xb1: {  	_ =	task.clear_ibuf [dreg:s7], $0x5FFFF;
	_ =	strace $0x90000046  }
0xb2: {  	s29 =	simm.s32 $0x9;
	_ =	strace $0x80000048  }
0xb3: {  	_ =	swait.ge [sflag:s29], $0x1  }
0xb4: {  	[sflag:s29] =	ssyncadd.s32 $0xFFFFFFFF  }
0xb5: {  	_ =	strace $0x90000048  }
0xb6: {  	_ =	sfence  }
0xb7: {  	s30 =	sld [smem:$0x0];
	_ =	sdelay $0x2  }
0xb8: {  	s31 =	sshll.u32 s1, $0xD;
	s1 =	sshrl.u32 s1, $0x2  }
0xb9: {  	s3 =	sand.u32 $0x4000, s31;
	s1 =	sadd.s32 s1, s30  }
0xba: {  	s0 =	sor.u32 s3, s0;
	s1 =	sshll.u32 s1, $0x11  }
0xbb: {  	s0 =	sor.u32 s1, s0  }
0xbc: {  	s0 =	sadd.s32 $0x8F2B, s0  }
0xbd: {  	[sflag:s0] =	ssyncadd.remote.s32 $0x1  }
0xbe: {  	_ =	sfence.sel $0xFFFF  }
0xbf: {  	[dreg:$0x0] =	wrdreg $0xFFFFFFFF;
	(pc) =	sbr.abs _section_cstart, $3  }
0xc0: {  	[dreg:$0x1] =	wrdreg $0xFFFFFFFF  }
0xc1: {  	_ =	task.clear_ibuf [dreg:s7], $0x2FFFF;
	_ =	strace $0x9FFFFFFF  }
0xc2: {  	(tm) =	ssettm $0x7FFFFFFF  }
0xc3: {  	_ =	shalt  }
tec
execute0_lowered:
.L_overlay_start_1:
0x0: {  	(tag) =	ssettag $0x1  }
0x1: {  	s2 =	rddreg [dreg:$0x0]  }
0x2: {  	s0 =	srdreg.scid;
	s12 =	stileid.u32  }
0x3: {  	s1 =	rddreg [dreg:$0x1];
	s3 =	simm.s32 $0x0;
	s17 =	simm.s32 $0x1400  }
0x4: {  	s18 =	simm.s32 $0x50;
	s19 =	simm.s32 $0x2800;
	s20 =	simm.s32 $0x5000  }
0x5: {  	s21 =	simm.s32 $0x7800;
	s28 =	simm.s32 $0x4;
	s29 =	simm.s32 $0x28  }
0x6: {  	s0 =	sand.u32 $0x1, s0;
	s4 =	sshll.u32 s12, $0x1;
	s15 =	smul.u32 $0x27100, s12  }
0x7: {  	s8 =	sor.u32 s0, s4;
	s6 =	ssub.s32 $0x2, s0;
	s0 =	smul.u32 $0x13880, s0  }
0x8: {  	[smem:$0x7FF] =	sst s3;
	s13 =	sadd.s32 $0x36600, s1;
	s5 =	smul.u32 $0x1388, s8  }
0x9: {  	_ =	strace $0x80000047;
	s4 =	sadd.s32 $0xF400, s1;
	s7 =	smul.u32 $0x9C400, s8  }
0xa: {  	s23 =	sshrl.u32 s6, $0x1;
	s14 =	smul.u32 $0x13880, s8;
	s16 =	sadd.s32 s15, s13  }
0xb: {  	s11 =	ssub.s32 s6, s23;
	s31 =	sadd.s32 s0, s16;
	s16 =	simm.s32 $0x5  }
0xc: {  	s23 =	simm.s32 $0xA000;
	s5 =	sshrl.u32 s5, $0x3;
	s10 =	sshrl.u32 s7, $0x3  }
0xd: {  	s11 =	smax.u32 s11, $0x1;
	s12 =	sadd.s32 s13, s14;
	s9 =	sadd.s32 s5, s1  }
0xe: {  	s1 =	sadd.s32 $0x2A7600, s1;
	s26 =	sadd.s32 $0x13100, s10;
	s10 =	sadd.s32 $0x13600, s10  }
0xf: {  	s24 =	sadd.s32 $0xA400, s9;
	s25 =	sadd.s32 $0x5400, s9;
	s30 =	sadd.s32 s13, s26  }
0x10: {  	s8 =	sadd.s32 s1, s26;
	s9 =	sadd.s32 s13, s10;
	s10 =	sadd.s32 s1, s10  }
0x11: {  	s15 =	sadd.s32 s15, s1;
	s13 =	sadd.s32 s1, s14;
	[dreg:$0x3] =	wrdreg s24  }
0x12: {  	s14 =	sadd.s32 $0x500, s31;
	s26 =	simm.s32 $0x3;
	[dreg:$0x4] =	wrdreg s25  }
0x13: {  	s1 =	simm.s32 $0x0;
	[dreg:$0x5] =	wrdreg s30;
	s0 =	sadd.s32 s0, s15  }
0x14: {  	s24 =	simm.s32 $0x1;
	s25 =	simm.s32 $0x2;
	s15 =	sadd.s32 $0x500, s0  }
.LBB2_1:
0x15: {  	s0 =	rddreg [dreg:$0x3]  }
0x16: {  	[tilespmem:s3], [sflag:$0x5] =	stream.linear.gather [hbm4b:s0+s3], $0x1388, $0x38;
	[tilespmem:$0xC800] =	vst v63  }
0x17: {  	_ =	swait.ge [sflag:s16], $0x1388  }
0x18: {  	[sflag:s16] =	ssyncset.done $0x0  }
0x19: {  	s7 =	rddreg [dreg:$0x4];
	[sflag:s16] =	ssyncadd.s32 $0xFFFFEC78  }
0x1a: {  	[tilespmem:s17], [sflag:$0x5] =	stream.linear.gather [hbm4b:s7+s3], $0x1388, $0x38;
	[tilespmem:$0xC800] =	vst v63  }
0x1b: {  	_ =	swait.ge [sflag:s16], $0x1388  }
0x1c: {  	[sflag:s16] =	ssyncset.done $0x0  }
0x1d: {  	[sflag:s16] =	ssyncadd.s32 $0xFFFFEC78  }
0x1e: {  	[tilespmem:s19], [sflag:$0x1] =	stream.indirect.gather [hbm4b:s2+s18], $0x80, s3, s18, $0xb8;
	[tilespmem:$0xC800] =	vst v63  }
0x1f: {  	_ = 	snop  }
0x20: {  	[tilespmem:s20], [sflag:$0x1] =	stream.indirect.gather [hbm4b:s4+s18], $0x80, s17, s18, $0xb8;
	[tilespmem:$0xC800] =	vst v63  }
0x21: {  	_ = 	snop  }
0x22: {  	[tilespmem:s21], [sflag:$0x2] =	stream.indirect.gather [hbm4b:s2+s18], $0x80, s18, s18, $0xb8;
	[tilespmem:$0xC800] =	vst v63  }
0x23: {  	s22 =	simm.s32 $0x1450  }
0x24: {  	[tilespmem:s23], [sflag:$0x2] =	stream.indirect.gather [hbm4b:s4+s18], $0x80, s22, s18, $0xb8;
	[tilespmem:$0xC800] =	vst v63  }
0x25: {  	_ =	swait.ge [sflag:s24], $0x2800  }
0x26: {  	[sflag:s24] =	ssyncset.done $0x0  }
0x27: {  	[sflag:s24] =	ssyncadd.s32 $0xFFFFD800  }
0x28: {  	_ =	swait.ge [sflag:s24], $0x2800  }
0x29: {  	[sflag:s24] =	ssyncset.done $0x0  }
0x2a: {  	s30 =	simm.s32 $0x0;
	[sflag:s24] =	ssyncadd.s32 $0xFFFFD800  }
0x2b: {  	[hbm4b:s12+s3] =	stream.linear.scatter [tilespmem:s19], [sflag:$0x3], $0x2800, $0x38;
	[tilespmem:$0xC800] =	vst v63  }
0x2c: {  	s31 =	simm.s32 $0x2;
	s0 =	simm.s32 $0x14A0;
	s22 =	simm.s32 $0xA0  }
0x2d: {  	[hbm4b:s13+s3] =	stream.linear.scatter [tilespmem:s20], [sflag:$0x3], $0x2800, $0x38;
	[tilespmem:$0xC800] =	vst v63  }
.LBB2_2:
0x2e: {  	s5 =	sand.u32 $0x1, s31  }
0x2f: {  	p0 =	seq.s32 s5, $0x1  }
0x30: {  	s5 =	simm.s32 @!p0 $0x3  }
0x31: {  	_ =	swait.ge @!p0 [sflag:s5], $0x2800  }
0x32: {  	[sflag:s5] =	ssyncset.done @!p0 $0x0  }
0x33: {  	[sflag:s5] =	ssyncadd.s32 @!p0 $0xFFFFD800  }
0x34: {  	_ =	swait.ge @!p0 [sflag:s5], $0x2800  }
0x35: {  	[sflag:s5] =	ssyncset.done @!p0 $0x0  }
0x36: {  	s6 =	simm.s32 @!p0 $0x2800;
	[sflag:s5] =	ssyncadd.s32 @!p0 $0xFFFFD800;
	s5 =	simm.s32 @!p0 $0x50  }
0x37: {  	[tilespmem:s6], [sflag:$0x1] =	stream.indirect.gather @!p0 [hbm4b:s2+s5], $0x80, s22, s5, $0xb8;
	[tilespmem:$0xC800] =	vst v63  }
0x38: {  	s6 =	simm.s32 @!p0 $0x5000  }
0x39: {  	[tilespmem:s6], [sflag:$0x1] =	stream.indirect.gather @!p0 [hbm4b:s4+s5], $0x80, s0, s5, $0xb8;
	[tilespmem:$0xC800] =	vst v63  }
0x3a: {  	s5 =	simm.s32 @!p0 $0x2  }
0x3b: {  	_ =	swait.ge @!p0 [sflag:s5], $0x2800  }
0x3c: {  	[sflag:s5] =	ssyncset.done @!p0 $0x0  }
0x3d: {  	[sflag:s5] =	ssyncadd.s32 @!p0 $0xFFFFD800  }
0x3e: {  	_ =	swait.ge @!p0 [sflag:s5], $0x2800  }
0x3f: {  	s7 =	simm.s32 @!p0 $0x7800;
	[sflag:s5] =	ssyncset.done @!p0 $0x0  }
0x40: {  	s6 =	simm.s32 @!p0 $0x0;
	[sflag:s5] =	ssyncadd.s32 @!p0 $0xFFFFD800;
	s5 =	sadd.s32 @!p0 s30, s14  }
0x41: {  	[hbm4b:s5+s6] =	stream.linear.scatter @!p0 [tilespmem:s7], [sflag:$0x4], $0x2800, $0x38;
	[tilespmem:$0xC800] =	vst v63  }
0x42: {  	s5 =	sadd.s32 @!p0 s30, s15;
	s7 =	simm.s32 @!p0 $0xA000  }
0x43: {  	[hbm4b:s5+s6] =	stream.linear.scatter @!p0 [tilespmem:s7], [sflag:$0x4], $0x2800, $0x38;
	[tilespmem:$0xC800] =	vst v63  }
0x44: {  	s5 =	sand.u32 @!p0 $0x1, s31  }
0x45: {  	p1 =	seq.s32 @!p0 s5, $0x0  }
0x46: {  	p0 =	por p0, !p1  }
0x47: {  	_ =	swait.ge @p0 [sflag:s28], $0x2800  }
0x48: {  	[sflag:s28] =	ssyncset.done @p0 $0x0  }
0x49: {  	[sflag:s28] =	ssyncadd.s32 @p0 $0xFFFFD800  }
0x4a: {  	_ =	swait.ge @p0 [sflag:s28], $0x2800  }
0x4b: {  	[sflag:s28] =	ssyncset.done @p0 $0x0  }
0x4c: {  	[sflag:s28] =	ssyncadd.s32 @p0 $0xFFFFD800  }
0x4d: {  	[tilespmem:s21], [sflag:$0x2] =	stream.indirect.gather @p0 [hbm4b:s2+s18], $0x80, s22, s18, $0xb8;
	[tilespmem:$0xC800] =	vst v63  }
0x4e: {  	_ = 	snop  }
0x4f: {  	[tilespmem:s23], [sflag:$0x2] =	stream.indirect.gather @p0 [hbm4b:s4+s18], $0x80, s0, s18, $0xb8;
	[tilespmem:$0xC800] =	vst v63  }
0x50: {  	_ =	swait.ge @p0 [sflag:s24], $0x2800  }
0x51: {  	[sflag:s24] =	ssyncset.done @p0 $0x0  }
0x52: {  	[sflag:s24] =	ssyncadd.s32 @p0 $0xFFFFD800  }
0x53: {  	_ =	swait.ge @p0 [sflag:s24], $0x2800  }
0x54: {  	[sflag:s24] =	ssyncset.done @p0 $0x0  }
0x55: {  	s5 =	sadd.s32 @p0 s30, s14;
	[sflag:s24] =	ssyncadd.s32 @p0 $0xFFFFD800  }
0x56: {  	[hbm4b:s5+s3] =	stream.linear.scatter @p0 [tilespmem:s19], [sflag:$0x3], $0x2800, $0x38;
	[tilespmem:$0xC800] =	vst v63  }
0x57: {  	s5 =	sadd.s32 @p0 s30, s15;
	s30 =	sadd.s32 $0x500, s30  }
0x58: {  	[hbm4b:s5+s3] =	stream.linear.scatter @p0 [tilespmem:s20], [sflag:$0x3], $0x2800, $0x38;
	[tilespmem:$0xC800] =	vst v63  }
0x59: {  	p0 =	sne.s32 s30, $0x12C00  }
.Ltmp0:
0x5a: {  	_ = 	snop;
	(pc) =	sbr.rel @p0 .LBB2_2-.Ltmp0, $2  }
0x5b: {  	_ =	sdelay $0x2  }
0x5c: {  	s31 =	sadd.s32 $0x1, s31;
	s22 =	sadd.s32 $0x50, s22;
	s0 =	sadd.s32 $0x50, s0  }
0x5d: {  	_ =	swait.ge [sflag:s25], $0x2800  }
0x5e: {  	[sflag:s25] =	ssyncset.done $0x0  }
0x5f: {  	[sflag:s25] =	ssyncadd.s32 $0xFFFFD800  }
0x60: {  	_ =	swait.ge [sflag:s25], $0x2800  }
0x61: {  	[sflag:s25] =	ssyncset.done $0x0  }
0x62: {  	s0 =	rddreg [dreg:$0x5];
	[sflag:s25] =	ssyncadd.s32 $0xFFFFD800  }
0x63: {  	[hbm4b:s0+s3] =	stream.linear.scatter [tilespmem:s21], [sflag:$0x4], $0x2800, $0x38;
	[tilespmem:$0xC800] =	vst v63  }
0x64: {  	_ = 	snop  }
0x65: {  	[hbm4b:s8+s3] =	stream.linear.scatter [tilespmem:s23], [sflag:$0x4], $0x2800, $0x38;
	[tilespmem:$0xC800] =	vst v63  }
0x66: {  	_ =	swait.ge [sflag:s26], $0x2800  }
0x67: {  	[sflag:s26] =	ssyncset.done $0x0  }
0x68: {  	[sflag:s26] =	ssyncadd.s32 $0xFFFFD800  }
0x69: {  	_ =	swait.ge [sflag:s26], $0x2800  }
0x6a: {  	[sflag:s26] =	ssyncset.done $0x0  }
0x6b: {  	[sflag:s26] =	ssyncadd.s32 $0xFFFFD800  }
0x6c: {  	_ =	swait.ge [sflag:s28], $0x2800  }
0x6d: {  	[sflag:s28] =	ssyncset.done $0x0  }
0x6e: {  	[sflag:s28] =	ssyncadd.s32 $0xFFFFD800  }
0x6f: {  	_ =	swait.ge [sflag:s28], $0x2800  }
0x70: {  	[sflag:s28] =	ssyncset.done $0x0  }
0x71: {  	s30 =	simm.s32 $0x1360;
	[sflag:s28] =	ssyncadd.s32 $0xFFFFD800  }
0x72: {  	[tilespmem:s19], [sflag:$0x1] =	stream.indirect.gather [hbm4b:s2+s29], $0x80, s30, s29, $0xb8;
	[tilespmem:$0xC800] =	vst v63  }
0x73: {  	_ =	swait.ge [sflag:s24], $0x1400  }
0x74: {  	[sflag:s24] =	ssyncset.done $0x0  }
0x75: {  	s31 =	simm.s32 $0x2760;
	[sflag:s24] =	ssyncadd.s32 $0xFFFFEC00  }
0x76: {  	[tilespmem:s20], [sflag:$0x1] =	stream.indirect.gather [hbm4b:s4+s29], $0x80, s31, s29, $0xb8;
	[tilespmem:$0xC800] =	vst v63  }
0x77: {  	_ =	swait.ge [sflag:s24], $0x1400  }
0x78: {  	[sflag:s24] =	ssyncset.done $0x0  }
0x79: {  	[sflag:s24] =	ssyncadd.s32 $0xFFFFEC00  }
0x7a: {  	[hbm4b:s9+s3] =	stream.linear.scatter [tilespmem:s19], [sflag:$0x5], $0x1400, $0x38;
	[tilespmem:$0xC800] =	vst v63  }
0x7b: {  	s1 =	sadd.s32 $0x1, s1;
	_ =	swait.ge [sflag:s16], $0x1400  }
0x7c: {  	p0 =	sne.s32 s1, s11;
	[sflag:s16] =	ssyncset.done $0x0  }
.Ltmp1:
0x7d: {  	[sflag:s16] =	ssyncadd.s32 $0xFFFFEC00;
	(pc) =	sbr.rel @p0 .LBB2_1-.Ltmp1, $4  }
0x7e: {  	[hbm4b:s10+s3] =	stream.linear.scatter [tilespmem:s20], [sflag:$0x5], $0x1400, $0x38;
	[tilespmem:$0xC800] =	vst v63  }
0x7f: {  	_ =	swait.ge [sflag:s16], $0x1400  }
0x80: {  	[sflag:s16] =	ssyncset.done $0x0  }
0x81: {  	[sflag:s16] =	ssyncadd.s32 $0xFFFFEC00  }
0x82: {  	_ =	sfence.sel $0x180000  }
0x83: {  	[bflag:$0x0] =	sbarrier.arrive $0xFFFF  }
0x84: {  	_ =	strace $0x90000047  }
0x85: {  	s0 =	stileid.u32;
	[bflag:$0x2] =	sbarrier.arrive $0xFFFF  }
0x86: {  	p0 =	sne.s32 s0, $0x0;
	s0 =	rddreg [dreg:$0x2]  }
0x87: {  	s0 =	sadd.s32 @!p0 $0x100000, s0  }
0x88: {  	[sflag:s0] =	ssyncadd.tile.s32 @!p0 $0x1;
	_ =	shalt  }
.Lfunc_end2:
_tile_overlayer_lowered:
.L_overlay_start_2:
0x89: {  	(tag) =	ssettag $0x2  }
0x8a: {  	s0 =	rddreg [dreg:$0x0];
	s2 =	stileid.u32  }
0x8b: {  	s1 =	rddreg [dreg:$0x1];
	p0 =	sne.s32 s2, $0x0  }
0x8c: {  	s3 =	rddreg [dreg:$0x2];
	[bflag:$0x3] =	sbarrier.arrive $0xFFFF;
	s2 =	simm.s32 @!p0 $0x1C05  }
0x8d: {  	[timem:s3], [sflag:s2] =	dma.local @!p0 [hbm:s0], s1  }
0x8e: {  	s0 =	simm.s32 @!p0 $0x5  }
0x8f: {  	_ =	swait.ge @!p0 [sflag:s0], s1  }
0x90: {  	s1 =	ssub.s32 @!p0 $0x0, s1;
	[sflag:s0] =	ssyncset.done @!p0 $0x0  }
0x91: {  	[sflag:s0] =	ssyncadd.s32 @!p0 s1  }
0x92: {  	[bflag:$0x3] =	sbarrier.arrive $0xFFFF  }
0x93: {  	_ =	shalt  }

// kernel: kernel.13.cloned.1.call-start
scs
__scs_entry_jumppad:
0x0: {  	(pc) =	sbr.rel $0x88, $3  }
0x1: {  	(tag) =	ssettag $0x0;
	lr =	simm.s32 $0x1  }
0x2: {  	[smem:$0x3F90] =	sst lr;
	_ =	strace $0xD0000000  }
0x3: {  	_ = 	snop  }
0x4: {  	_ = 	snop  }
0x5: {  	_ = 	snop  }
0x6: {  	_ = 	snop  }
0x7: {  	_ = 	snop  }
__scs_overlays_trampoline_lowered:
0x8: {  	[smem:$0x3F9F] =	sst s0  }
0x9: {  	[smem:$0x3FA0] =	sst s1  }
0xa: {  	[smem:$0x3FA1] =	sst s2  }
0xb: {  	[smem:$0x3FA2] =	sst s3  }
0xc: {  	[smem:$0x3FA3] =	sst s4  }
0xd: {  	[smem:$0x3FA4] =	sst s5  }
0xe: {  	[smem:$0x3FA5] =	sst s6  }
0xf: {  	[smem:$0x3FA6] =	sst s7  }
0x10: {  	[smem:$0x3FA7] =	sst s8  }
0x11: {  	[smem:$0x3FA8] =	sst s9;
	s0 =	simm.s32 @!p0 $0x0  }
0x12: {  	s1 =	sld [smem:$0x3F8E];
	s0 =	simm.s32 @p0 $0x1  }
0x13: {  	[smem:$0x3FA9] =	sst s0;
	s0 =	simm.s32 @!p1 $0x0  }
0x14: {  	s2 =	sld [smem:$0x3F8D];
	s0 =	simm.s32 @p1 $0x1  }
0x15: {  	[smem:$0x3FAA] =	sst s0;
	s0 =	simm.s32 @!p2 $0x0  }
0x16: {  	s3 =	sld [smem:$0x3FDB];
	s0 =	simm.s32 @p2 $0x1  }
0x17: {  	s4 =	simm.s32 $0x1BF5;
	[smem:$0x3FAC] =	sst s0  }
0x18: {  	s0 =	sld [smem:$0x3F8F];
	_ =	swait.ge [sflag:s4], $0x0  }
0x19: {  	s7 =	sld [smem:$0x3F90]  }
0x1a: {  	s8 =	sadd.s32 $0xFFFFE003, lr  }
0x1b: {  	s9 =	sadd.s32 $0xFFFFFEF7, lr;
	s5 =	simm.s32 $0xFFFFFFFF;
	p2 =	slt.u32 s8, $0xFFFFF086  }
0x1c: {  	p1 =	slt.u32 s9, $0xF7A;
	s5 =	simm.s32 @!p2 $0x0  }
0x1d: {  	s5 =	simm.s32 @p1 $0x1;
	p0 =	seq.s32 s7, s2  }
0x1e: {  	s7 =	smul.u32 @!p0 $0xF7A, s2;
	p2 =	seq.s32 @!p0 s5, $0x0  }
0x1f: {  	s9 =	smul.u32 $0xF7A, s1;
	s8 =	simm.s32 @!p0 $0x1BF5;
	p2 =	por !p2, p0  }
0x20: {  	[sflag:s8] =	ssyncset.s32 @!p0 $0xFFFFF086;
	s6 =	sadd.s32 @!p0 s3, s7;
	s7 =	simm.s32 @!p0 $0x108  }
0x21: {  	s3 =	sadd.s32 s3, s9;
	s6 =	sadd.s32 @!p0 $0x88, s6;
	s7 =	simm.s32 @p2 $0x1082  }
0x22: {  	[simem:s7], [sflag:s8] =	dma.local @!p0 [hbm:s6], $0xF7A  }
0x23: {  	s9 =	sor.u32 $0xD0000000, s2;
	s6 =	simm.s32 $0x108;
	_ =	swait.ge @!p0 [sflag:s8], $0x0  }
0x24: {  	s3 =	sadd.s32 $0x88, s3;
	s6 =	simm.s32 @!p1 $0x1082;
	[sflag:s4] =	ssyncset.s32 $0xFFFFF086  }
0x25: {  	[simem:s6], [sflag:s4] =	dma.local [hbm:s3], $0xF7A  }
0x26: {  	[smem:$0x3F90] =	sst s1;
	(tag) =	ssettag s2;
	_ =	strace s9  }
0x27: {  	s1 =	sld [smem:$0x3FA0]  }
0x28: {  	s2 =	sld [smem:$0x3FA1]  }
0x29: {  	s4 =	sld [smem:$0x3FA3]  }
0x2a: {  	p0 =	seq.s32 s5, $0x0;
	s5 =	sld [smem:$0x3FA4]  }
0x2b: {  	s6 =	sld [smem:$0x3FA5]  }
0x2c: {  	s7 =	sld [smem:$0x3FA6]  }
0x2d: {  	s3 =	simm.s32 $0x108;
	s8 =	sld [smem:$0x3FA7]  }
0x2e: {  	s3 =	simm.s32 @!p0 $0x1082;
	s9 =	sld [smem:$0x3FA8]  }
0x2f: {  	lr =	sadd.s32 s0, s3;
	s0 =	sld [smem:$0x3F9F]  }
0x30: {  	s3 =	sld [smem:$0x3FA2]  }
0x31: {  	[smem:$0x3FAB] =	sst s10  }
0x32: {  	s10 =	sld [smem:$0x3FA9];
	_ =	sdelay $0x3  }
0x33: {  	p0 =	seq.s32 s10, $0x1;
	s10 =	sld [smem:$0x3FAB];
	_ =	sdelay $0x3  }
0x34: {  	[smem:$0x3FAB] =	sst s10  }
0x35: {  	s10 =	sld [smem:$0x3FAA];
	_ =	sdelay $0x3  }
0x36: {  	p1 =	seq.s32 s10, $0x1;
	s10 =	sld [smem:$0x3FAB];
	_ =	sdelay $0x3  }
0x37: {  	[smem:$0x3FAB] =	sst s10  }
0x38: {  	s10 =	sld [smem:$0x3FAC]  }
0x39: {  	_ = 	snop;
	(pc) =	sbr.ind lr, $3  }
0x3a: {  	_ = 	snop  }
0x3b: {  	_ = 	snop  }
0x3c: {  	p2 =	seq.s32 s10, $0x1;
	s10 =	sld [smem:$0x3FAB]  }
0x3d: {  	_ =	shalt  }
0x3e: {  	_ =	shalt  }
0x3f: {  	_ =	shalt  }
0x40: {  	_ =	shalt  }
0x41: {  	_ =	shalt  }
0x42: {  	_ =	shalt  }
0x43: {  	_ =	shalt  }
0x44: {  	_ =	shalt  }
0x45: {  	_ =	shalt  }
0x46: {  	_ =	shalt  }
0x47: {  	_ =	shalt  }
0x48: {  	_ =	shalt  }
0x49: {  	_ =	shalt  }
0x4a: {  	_ =	shalt  }
0x4b: {  	_ =	shalt  }
0x4c: {  	_ =	shalt  }
0x4d: {  	_ =	shalt  }
0x4e: {  	_ =	shalt  }
0x4f: {  	_ =	shalt  }
0x50: {  	_ =	shalt  }
0x51: {  	_ =	shalt  }
0x52: {  	_ =	shalt  }
0x53: {  	_ =	shalt  }
0x54: {  	_ =	shalt  }
0x55: {  	_ =	shalt  }
0x56: {  	_ =	shalt  }
0x57: {  	_ =	shalt  }
0x58: {  	_ =	shalt  }
0x59: {  	_ =	shalt  }
0x5a: {  	_ =	shalt  }
0x5b: {  	_ =	shalt  }
0x5c: {  	_ =	shalt  }
0x5d: {  	_ =	shalt  }
0x5e: {  	_ =	shalt  }
0x5f: {  	_ =	shalt  }
0x60: {  	_ =	shalt  }
0x61: {  	_ =	shalt  }
0x62: {  	_ =	shalt  }
0x63: {  	_ =	shalt  }
0x64: {  	_ =	shalt  }
0x65: {  	_ =	shalt  }
0x66: {  	_ =	shalt  }
0x67: {  	_ =	shalt  }
0x68: {  	_ =	shalt  }
0x69: {  	_ =	shalt  }
0x6a: {  	_ =	shalt  }
0x6b: {  	_ =	shalt  }
0x6c: {  	_ =	shalt  }
0x6d: {  	_ =	shalt  }
0x6e: {  	_ =	shalt  }
0x6f: {  	_ =	shalt  }
0x70: {  	_ =	shalt  }
0x71: {  	_ =	shalt  }
0x72: {  	_ =	shalt  }
0x73: {  	_ =	shalt  }
0x74: {  	_ =	shalt  }
0x75: {  	_ =	shalt  }
0x76: {  	_ =	shalt  }
0x77: {  	_ =	shalt  }
0x78: {  	_ =	shalt  }
0x79: {  	_ =	shalt  }
0x7a: {  	_ =	shalt  }
0x7b: {  	_ =	shalt  }
0x7c: {  	_ =	shalt  }
0x7d: {  	_ =	shalt  }
0x7e: {  	_ =	shalt  }
0x7f: {  	_ =	shalt  }
0x80: {  	_ =	shalt  }
0x81: {  	_ =	shalt  }
0x82: {  	_ =	shalt  }
0x83: {  	_ =	shalt  }
0x84: {  	_ =	shalt  }
0x85: {  	_ =	shalt  }
0x86: {  	_ =	shalt  }
0x87: {  	_ =	shalt  }
.Lfunc_end0:
.L_simem_size_0:
called_computation.1_lowered:
.L_overlay_start_0:
0x88: {  	s2 =	sld [smem:$0x3FD9]  }
0x89: {  	s3 =	sld [smem:$0x3FFE];
	_ =	sdelay $0x1  }
0x8a: {  	s1 =	srdreg.scid  }
0x8b: {  	s0 =	sand.u32 $0x1, s1  }
0x8c: {  	s17 =	sshll.u32 s0, $0xA;
	s2 =	sadd.s32 s3, s2  }
0x8d: {  	s2 =	sadd.s32 s2, s17  }
0x8e: {  	[smem:$0x3FB7] =	sst s2  }
0x8f: {  	_ = 	snop  }
0x90: {  	(tm) =	ssettm $0x1  }
0x91: {  	s18 =	sld [smem:$0x3FFB];
	_ =	sdelay $0x3  }
0x92: {  	_ =	strace s18  }
0x93: {  	s2 =	sld [smem:$0x3FFC];
	_ =	sdelay $0x3  }
0x94: {  	_ =	strace s2  }
0x95: {  	s2 =	sld [smem:$0x3FFD];
	_ =	sdelay $0x3  }
0x96: {  	_ =	strace s2  }
0x97: {  	_ =	strace $0x8FFFFFFF  }
0x98: {  	s19 =	sld [smem:$0x3FDB];
	_ =	sdelay $0x1  }
0x99: {  	s20 =	simm.s32 $_scs_section_size  }
0x9a: {  	s4 =	simm.s32 $_size__tile_overlayer_lowered;
	s5 =	simm.s32 $_tile_overlayer_lowered  }
0x9b: {  	s6 =	simm.s32 $0x1BFF;
	s21 =	sshll.u32 s5, $0x1;
	s3 =	sadd.s32 s20, s19  }
0x9c: {  	s22 =	simm.s32 $0x0;
	s4 =	sshll.u32 s4, $0x1;
	s5 =	sadd.s32 s21, s3  }
0x9d: {  	[timem:s22], [sflag:s6] =	dma.local [hbm:s5], s4  }
0x9e: {  	_ =	swait.ge [sflag:s6], s4  }
0x9f: {  	s4 =	ssub.s32 $0x0, s4;
	[sflag:s6] =	ssyncset.done $0x0  }
0xa0: {  	[sflag:s6] =	ssyncadd.s32 s4;
	_ =	sdelay $0x1  }
0xa1: {  	s23 =	simm.s32 $0x1B8B  }
0xa2: {  	_ =	swait.ge [sflag:s23], $0x1  }
0xa3: {  	[sflag:s23] =	ssyncset.done $0x0  }
0xa4: {  	[sflag:s23] =	ssyncadd.s32 $0xFFFFFFFF  }
0xa5: {  	s4 =	sld [smem:$0x0]  }
0xa6: {  	s5 =	sand.u32 $0xFFFFFFFE, s1  }
0xa7: {  	p0 =	sne.s32 s1, s5  }
0xa8: {  	s5 =	sshll.u32 @p0 s5, $0xE  }
0xa9: {  	s5 =	sadd.s32 @p0 $0x11B8D, s5;
	s6 =	sshll.u32 @p0 s4, $0x11  }
0xaa: {  	s5 =	sor.u32 @p0 s6, s5  }
0xab: {  	[sflag:s5] =	ssyncadd.remote.s32 @p0 $0x1;
	_ =	sdelay $0x1  }
0xac: {  	s5 =	simm.s32 @p0 $0x1B8D  }
0xad: {  	_ =	swait.eq @p0 [sflag:s5], $0x1  }
0xae: {  	[sflag:s5] =	ssyncadd.s32 @p0 $0xFFFFFFFF  }
0xaf: {  	s6 =	sshll.u32 @!p0 s1, $0xE  }
0xb0: {  	s6 =	sor.u32 @!p0 $0x4000, s6;
	s5 =	simm.s32 @!p0 $0x1B8D  }
0xb1: {  	s4 =	sshll.u32 @!p0 s4, $0x11;
	s6 =	sadd.s32 @!p0 $0x11B8D, s6;
	_ =	swait.eq @!p0 [sflag:s5], $0x1  }
0xb2: {  	s4 =	sor.u32 @!p0 s4, s6;
	[sflag:s5] =	ssyncadd.s32 @!p0 $0xFFFFFFFF  }
0xb3: {  	s25 =	simm.s32 $0x1B8E;
	s24 =	sld [smem:$0x3FFE];
	[sflag:s4] =	ssyncadd.remote.s32 @!p0 $0x1  }
0xb4: {  	s26 =	simm.s32 $execute0_lowered;
	[smem:$0x3FD2] =	sst s25  }
0xb5: {  	s5 =	sshll.u32 s26, $0x1;
	_ =	strace $0x8000004C;
	[dreg:$0x1] =	wrdreg $0xFFFFFFFF  }
0xb6: {  	s28 =	simm.s32 $_size_execute0_lowered;
	s3 =	sadd.s32 s3, s5;
	[dreg:$0x0] =	wrdreg $0x0  }
0xb7: {  	s5 =	sshll.u32 s28, $0x1;
	[dreg:$0x2] =	wrdreg s3  }
0xb8: {  	[dreg:$0x3] =	wrdreg s5  }
0xb9: {  	[dreg:$0x4] =	wrdreg $0xC0  }
0xba: {  	_ =	task [dreg:s22], $0x5FFFF  }
0xbb: {  	[dreg:$0x1] =	wrdreg $0xFFFFFFFF  }
0xbc: {  	[dreg:$0x0] =	wrdreg $0x60  }
0xbd: {  	[dreg:$0x2] =	wrdreg s24  }
0xbe: {  	[dreg:$0x3] =	wrdreg $0x96000  }
0xbf: {  	[dreg:$0x4] =	wrdreg $0x9  }
0xc0: {  	_ =	task.clear_ibuf [dreg:s22], $0x5FFFF;
	_ =	strace $0x9000004C  }
0xc1: {  	s29 =	simm.s32 $0x9;
	_ =	strace $0x8000004E  }
0xc2: {  	_ =	swait.ge [sflag:s29], $0x1  }
0xc3: {  	[sflag:s29] =	ssyncadd.s32 $0xFFFFFFFF  }
0xc4: {  	_ =	strace $0x9000004E  }
0xc5: {  	_ =	sfence  }
0xc6: {  	s30 =	sld [smem:$0x0];
	_ =	sdelay $0x2  }
0xc7: {  	s31 =	sshll.u32 s1, $0xD;
	s1 =	sshrl.u32 s1, $0x2  }
0xc8: {  	s4 =	sand.u32 $0x4000, s31;
	s1 =	sadd.s32 s1, s30  }
0xc9: {  	s0 =	sor.u32 s4, s0;
	s1 =	sshll.u32 s1, $0x11  }
0xca: {  	s0 =	sor.u32 s1, s0  }
0xcb: {  	s0 =	sadd.s32 $0x8F2B, s0  }
0xcc: {  	[sflag:s0] =	ssyncadd.remote.s32 $0x1  }
0xcd: {  	_ =	sfence.sel $0xFFFF  }
0xce: {  	[dreg:$0x0] =	wrdreg $0xFFFFFFFF;
	(pc) =	sbr.abs _section_cstart, $3  }
0xcf: {  	[dreg:$0x1] =	wrdreg $0xFFFFFFFF  }
0xd0: {  	_ =	task.clear_ibuf [dreg:s22], $0x2FFFF;
	_ =	strace $0x9FFFFFFF  }
0xd1: {  	(tm) =	ssettm $0x7FFFFFFF  }
tec
execute0_lowered:
.L_overlay_start_1:
0x0: {  	(tag) =	ssettag $0x1  }
0x1: {  	s7 =	rddreg [dreg:$0x0]  }
0x2: {  	s1 =	rddreg [dreg:$0x1]  }
0x3: {  	s0 =	rddreg [dreg:$0x2];
	s2 =	simm.s32 $0x0  }
0x4: {  	s5 =	srdreg.scid;
	s3 =	stileid.u32;
	s13 =	simm.s32 $0x6B00  }
0x5: {  	s15 =	simm.s32 $0x50;
	s16 =	simm.s32 $0x9300;
	s17 =	simm.s32 $0x3E00  }
0x6: {  	s18 =	simm.s32 $0x4;
	s19 =	simm.s32 $0x3;
	s20 =	simm.s32 $0x2  }
0x7: {  	s21 =	simm.s32 $0x6800;
	s22 =	simm.s32 $0x0;
	[smem:$0x7FF] =	sst s2  }
0x8: {  	s4 =	sadd.s32 $0xF46600, s7;
	s14 =	sand.u32 $0x1, s5;
	s5 =	sadd.s32 $0xA64600, s7  }
0x9: {  	s6 =	sshll.u32 s3, $0xB;
	_ =	strace $0x8000004D;
	s8 =	smul.u32 $0x27100, s14  }
0xa: {  	s9 =	ssub.s32 $0x2, s14;
	s10 =	sadd.s32 s6, s7;
	s6 =	sadd.s32 $0x5400, s7  }
0xb: {  	p0 =	seq.s32 s14, $0x1;
	p1 =	sne.s32 s14, $0x0;
	s14 =	simm.s32 $0x1  }
0xc: {  	s11 =	sshrl.u32 s9, $0x1;
	s12 =	sadd.s32 s8, s7;
	s7 =	sadd.s32 $0xA0E400, s10  }
0xd: {  	s11 =	ssub.s32 s9, s11;
	s8 =	smul.u32 $0x2710, s3;
	s9 =	sadd.s32 $0xA8B800, s12  }
0xe: {  	vm0 =	vmmov $0xff;
	s10 =	smax.u32 s11, $0x1;
	s11 =	simm.s32 $0x5;
	s12 =	simm.s32 $0x4000  }
.LBB2_1:
0xf: {  	[tilespmem:s2], [sflag:$0x5] =	stream.linear.gather [hbm4b:s7+s2], $0x3E80, $0x38;
	[tilespmem:$0x1CE80] =	vst v63  }
0x10: {  	_ =	swait.ge [sflag:s11], $0x3E80  }
0x11: {  	[sflag:s11] =	ssyncset.done $0x0  }
0x12: {  	[sflag:s11] =	ssyncadd.s32 $0xFFFFC180  }
0x13: {  	[tilespmem:s12], [sflag:$0x5] =	stream.linear.gather [hbm4b:s6+s2], $0x2800, $0x38;
	[tilespmem:$0x1CE80] =	vst v63  }
0x14: {  	_ =	swait.ge [sflag:s11], $0x2800  }
0x15: {  	[sflag:s11] =	ssyncset.done $0x0  }
0x16: {  	[sflag:s11] =	ssyncadd.s32 $0xFFFFD800  }
0x17: {  	[tilespmem:s13], [sflag:$0x5] =	stream.linear.gather [hbm4b:s6+s2], $0x2800, $0x38;
	[tilespmem:$0x1CE80] =	vst v63  }
0x18: {  	s23 =	sand.u32 $0xF, s2;
	_ =	swait.ge [sflag:s11], $0x2800  }
0x19: {  	p2 =	sne.s32 s23, s3;
	[sflag:s11] =	ssyncset.done $0x0  }
0x1a: {  	s23 =	simm.s32 @!p2 $0x4000;
	s26 =	simm.s32 @!p2 $0x5;
	[sflag:s11] =	ssyncadd.s32 $0xFFFFD800  }
0x1b: {  	[spmem:s1] =	stream.linear.scatter @!p2 [tilespmem:s23], [sflag:$0x5], $0x2800, $0x38;
	[tilespmem:$0x1CE80] =	vst v63  }
0x1c: {  	s24 =	simm.s32 $0x1;
	_ =	swait.ge @!p2 [sflag:s26], $0x2800  }
0x1d: {  	s25 =	simm.s32 $0x2;
	s23 =	sadd.s32 $0x2800, s1;
	[sflag:s26] =	ssyncset.done @!p2 $0x0  }
.LBB2_2:
0x1e: {  	s28 =	sand.u32 $0xF, s24;
	s24 =	smov.u32 s25;
	s25 =	sadd.s32 $0x1, s25  }
0x1f: {  	[sflag:s26] =	ssyncadd.s32 @!p2 $0xFFFFD800;
	p3 =	sne.s32 s25, $0x7D  }
.Ltmp0:
0x20: {  	p2 =	sne.s32 s28, s3;
	(pc) =	sbr.rel @p3 .LBB2_2-.Ltmp0, $4  }
0x21: {  	s28 =	simm.s32 @!p2 $0x4000;
	s26 =	simm.s32 @!p2 $0x5  }
0x22: {  	[spmem:s23] =	stream.linear.scatter @!p2 [tilespmem:s28], [sflag:$0x5], $0x2800, $0x38;
	[tilespmem:$0x1CE80] =	vst v63  }
0x23: {  	_ =	swait.ge @!p2 [sflag:s26], $0x2800  }
0x24: {  	s23 =	sadd.s32 $0x2800, s23;
	[sflag:s26] =	ssyncset.done @!p2 $0x0  }
0x25: {  	s24 =	sand.u32 $0xF, s24  }
0x26: {  	p3 =	sne.s32 s24, s3  }
0x27: {  	[sflag:s26] =	ssyncadd.s32 @!p2 $0xFFFFD800;
	s24 =	simm.s32 @!p3 $0x4000;
	s25 =	simm.s32 @!p3 $0x5  }
0x28: {  	[spmem:s23] =	stream.linear.scatter @!p3 [tilespmem:s24], [sflag:$0x5], $0x2800, $0x38;
	[tilespmem:$0x1CE80] =	vst v63  }
.Ltmp1:
0x29: {  	_ =	swait.ge @!p3 [sflag:s25], $0x2800;
	(pc) =	sbr.rel .LBB2_4-.Ltmp1, $4  }
0x2a: {  	[sflag:s25] =	ssyncset.done @!p3 $0x0  }
0x2b: {  	[sflag:s25] =	ssyncadd.s32 @!p3 $0xFFFFD800  }
0x2c: {  	[bflag:$0x0] =	sbarrier.arrive $0xFFFF  }
0x2d: {  	s23 =	simm.s32 $0x0  }
.LBB2_14:
0x2e: {  	s24 =	sshll.u32 s24, $0x4  }
0x2f: {  	s24 =	sadd.s32 s4, s24  }
0x30: {  	[tilespmem:s13], [sflag:$0x2] =	stream.linear.gather [hbm4b:s24+s2], $0x2800, $0x38;
	[tilespmem:$0x1CE80] =	vst v63  }
0x31: {  	_ =	swait.ge [sflag:s14], $0x2800  }
0x32: {  	[sflag:s14] =	ssyncset.done $0x0  }
0x33: {  	[sflag:s14] =	ssyncadd.s32 $0xFFFFD800  }
.LBB2_18:
0x34: {  	s24 =	sshll.u32 s23, $0x7  }
0x35: {  	s24 =	sand.u32 $0x3FFFFF80, s24  }
0x36: {  	s24 =	sadd.s32 $0xFFFFFF80, s24  }
0x37: {  	[spmem:s1] =	stream.indirect.scatter.add.f32 [tilespmem:s12], [sflag:$0x3], $0x80, s24, s15, $0xb8;
	[tilespmem:$0x1CE80] =	vst v63  }
.LBB2_19:
0x38: {  	s23 =	sadd.s32 $0x1, s23  }
0x39: {  	p2 =	sne.s32 s23, $0x7D  }
.Ltmp2:
0x3a: {  	_ = 	snop;
	(pc) =	sbr.rel @!p2 .LBB2_20-.Ltmp2, $1  }
0x3b: {  	_ =	sdelay $0x3  }
.LBB2_4:
0x3c: {  	s24 =	sand.u32 $0x1, s23  }
0x3d: {  	p2 =	seq.s32 s24, $0x1  }
.Ltmp3:
0x3e: {  	_ = 	snop;
	(pc) =	sbr.rel @p2 .LBB2_13-.Ltmp3, $1  }
0x3f: {  	_ =	sdelay $0x3  }
.Ltmp4:
0x40: {  	p2 =	slt.u32 s23, $0x2;
	(pc) =	sbr.rel @p1 .LBB2_8-.Ltmp4, $4  }
0x41: {  	s25 =	simm.s32 @!p2 $0x3  }
0x42: {  	s26 =	smul.u32 $0x50, s23;
	_ =	swait.ge @!p2 [sflag:s25], $0x2800  }
0x43: {  	[sflag:s25] =	ssyncset.done @!p2 $0x0  }
0x44: {  	[sflag:s25] =	ssyncadd.s32 @!p2 $0xFFFFD800;
	s25 =	sadd.s32 s8, s26;
	p2 =	seq.s32 s23, $0x0  }
.Ltmp5:
0x45: {  	(pc) =	sbr.rel @p2 .LBB2_19-.Ltmp5, $4  }
0x46: {  	_ = 	snop  }
0x47: {  	s25 =	sshll.u32 s25, $0x4  }
0x48: {  	s25 =	sadd.s32 s4, s25  }
0x49: {  	[tilespmem:s12], [sflag:$0x1] =	stream.linear.gather [hbm4b:s25+s2], $0x2800, $0x38;
	[tilespmem:$0x1CE80] =	vst v63  }
.Ltmp6:
0x4a: {  	(pc) =	sbr.rel .LBB2_12-.Ltmp6, $4  }
0x4b: {  	_ = 	snop  }
0x4c: {  	_ =	swait.ge [sflag:s20], $0x2800  }
0x4d: {  	[sflag:s20] =	ssyncset.done $0x0  }
0x4e: {  	[sflag:s20] =	ssyncadd.s32 $0xFFFFD800  }
.LBB2_8:
.Ltmp7:
0x4f: {  	(pc) =	sbr.rel @p2 .LBB2_19-.Ltmp7, $3  }
0x50: {  	_ =	sdelay $0x1  }
0x51: {  	s25 =	sadd.s32 s5, s25  }
0x52: {  	[tilespmem:s21], [sflag:$0x1] =	stream.linear.gather [hbm4b:s25+s2], $0x280, $0x38;
	[tilespmem:$0x1CE80] =	vst v63  }
0x53: {  	_ =	swait.ge [sflag:s20], $0x280  }
0x54: {  	[sflag:s20] =	ssyncset.done $0x0  }
0x55: {  	s25 =	simm.s32 $0x0;
	[sflag:s20] =	ssyncadd.s32 $0xFFFFFD80  }
0x56: {  	v0 =	vld [tilespmem:s25+$0x9300];
	_ =	sdelay $0x4  }
0x57: {  	s25 =	simm.s32 $0x6B00;
	v0 =	vnsel vm0, $0x0, v0  }
0x58: {  	s28 =	simm.s32 $0x8;
	s26 =	simm.s32 $0x40;
	[tilespmem:s25+$0x0] =	vst v0  }
.LBB2_10:
0x59: {  	p2 =	sne.s32 s26, $0x9E0;
	v0 =	vld [tilespmem:s28+$0x9300];
	_ =	sdelay $0x1  }
.Ltmp8:
0x5a: {  	(pc) =	sbr.rel @p2 .LBB2_10-.Ltmp8, $3  }
0x5b: {  	_ =	sdelay $0x1  }
0x5c: {  	s25 =	sadd.s32 $0x80, s25;
	v0 =	vnsel vm0, $0x0, v0  }
0x5d: {  	s28 =	sshra.s32 s26, $0x2;
	s26 =	sadd.s32 $0x20, s26;
	[tilespmem:s25+$0x0] =	vst v0  }
0x5e: {  	v0 =	vld [tilespmem:s28+$0x9300];
	_ =	sdelay $0x4  }
0x5f: {  	s25 =	sadd.s32 $0x80, s25;
	v0 =	vnsel vm0, $0x0, v0  }
0x60: {  	[tilespmem:s25+$0x0] =	vst v0  }
.LBB2_12:
0x61: {  	p2 =	seq.s32 s24, $0x0  }
.Ltmp9:
0x62: {  	_ = 	snop;
	(pc) =	sbr.rel @p2 .LBB2_19-.Ltmp9, $4  }
0x63: {  	s25 =	sshll.u32 s23, $0x7  }
0x64: {  	s25 =	sand.u32 $0x3FFFFF80, s25  }
0x65: {  	s25 =	sadd.s32 $0xFFFFFF80, s25  }
0x66: {  	[spmem:s1] =	stream.indirect.scatter.add.f32 [tilespmem:s13], [sflag:$0x4], $0x80, s25, s15, $0xb8;
	[tilespmem:$0x1CE80] =	vst v63  }
.LBB2_13:
.Ltmp10:
0x67: {  	p2 =	slt.u32 s23, $0x2;
	(pc) =	sbr.rel @!p1 .LBB2_14-.Ltmp10, $4  }
0x68: {  	s24 =	simm.s32 @!p2 $0x4  }
0x69: {  	s25 =	smul.u32 $0x50, s23;
	_ =	swait.ge @!p2 [sflag:s24], $0x2800  }
0x6a: {  	[sflag:s24] =	ssyncset.done @!p2 $0x0  }
0x6b: {  	[sflag:s24] =	ssyncadd.s32 @!p2 $0xFFFFD800;
	s24 =	sadd.s32 s8, s25  }
0x6c: {  	s24 =	sadd.s32 s5, s24;
	s25 =	simm.s32 $0x0  }
0x6d: {  	[tilespmem:s16], [sflag:$0x2] =	stream.linear.gather [hbm4b:s24+s25], $0x280, $0x38;
	[tilespmem:$0x1CE80] =	vst v63  }
0x6e: {  	_ =	swait.ge [sflag:s14], $0x280  }
0x6f: {  	[sflag:s14] =	ssyncset.done $0x0  }
0x70: {  	s31 =	simm.s32 $0x0;
	[sflag:s14] =	ssyncadd.s32 $0xFFFFFD80  }
0x71: {  	v0 =	vld [tilespmem:s31+$0x6800];
	_ =	sdelay $0x4  }
0x72: {  	s24 =	simm.s32 $0x4000;
	v0 =	vnsel vm0, $0x0, v0  }
0x73: {  	s26 =	simm.s32 $0x8;
	s25 =	simm.s32 $0x40;
	[tilespmem:s24+$0x0] =	vst v0  }
.LBB2_16:
0x74: {  	p2 =	sne.s32 s25, $0x9E0;
	v0 =	vld [tilespmem:s26+$0x6800];
	_ =	sdelay $0x1  }
.Ltmp11:
0x75: {  	(pc) =	sbr.rel @p2 .LBB2_16-.Ltmp11, $3  }
0x76: {  	_ =	sdelay $0x1  }
0x77: {  	s24 =	sadd.s32 $0x80, s24;
	v0 =	vnsel vm0, $0x0, v0  }
0x78: {  	s26 =	sshra.s32 s25, $0x2;
	s25 =	sadd.s32 $0x20, s25;
	[tilespmem:s24+$0x0] =	vst v0  }
0x79: {  	v0 =	vld [tilespmem:s26+$0x6800];
	_ =	sdelay $0x1  }
.Ltmp12:
0x7a: {  	_ = 	snop;
	(pc) =	sbr.rel .LBB2_18-.Ltmp12, $3  }
0x7b: {  	_ =	sdelay $0x1  }
0x7c: {  	s24 =	sadd.s32 $0x80, s24;
	v0 =	vnsel vm0, $0x0, v0  }
0x7d: {  	[tilespmem:s24+$0x0] =	vst v0  }
.LBB2_20:
.Ltmp13:
0x7e: {  	(pc) =	sbr.rel @!p0 .LBB2_21-.Ltmp13, $1  }
0x7f: {  	_ =	sdelay $0x3  }
0x80: {  	_ =	swait.ge [sflag:s14], $0x280  }
0x81: {  	[sflag:s14] =	ssyncset.done $0x0  }
0x82: {  	s23 =	simm.s32 $0x0;
	[sflag:s14] =	ssyncadd.s32 $0xFFFFFD80  }
0x83: {  	v0 =	vld [tilespmem:s23+$0x6800];
	_ =	sdelay $0x4  }
0x84: {  	s23 =	simm.s32 $0x4000;
	v0 =	vnsel vm0, $0x0, v0  }
0x85: {  	s25 =	simm.s32 $0x8;
	s24 =	simm.s32 $0x40;
	[tilespmem:s23+$0x0] =	vst v0  }
.LBB2_23:
0x86: {  	p2 =	sne.s32 s24, $0x9E0;
	v0 =	vld [tilespmem:s25+$0x6800];
	_ =	sdelay $0x1  }
.Ltmp14:
0x87: {  	(pc) =	sbr.rel @p2 .LBB2_23-.Ltmp14, $3  }
0x88: {  	_ =	sdelay $0x1  }
0x89: {  	s23 =	sadd.s32 $0x80, s23;
	v0 =	vnsel vm0, $0x0, v0  }
0x8a: {  	s25 =	sshra.s32 s24, $0x2;
	s24 =	sadd.s32 $0x20, s24;
	[tilespmem:s23+$0x0] =	vst v0  }
0x8b: {  	v0 =	vld [tilespmem:s25+$0x6800];
	_ =	sdelay $0x1  }
.Ltmp15:
0x8c: {  	_ = 	snop;
	(pc) =	sbr.rel .LBB2_25-.Ltmp15, $3  }
0x8d: {  	_ =	sdelay $0x1  }
0x8e: {  	s23 =	sadd.s32 $0x80, s23;
	v0 =	vnsel vm0, $0x0, v0  }
0x8f: {  	[tilespmem:s23+$0x0] =	vst v0  }
.LBB2_21:
0x90: {  	_ =	swait.ge [sflag:s14], $0x2800  }
0x91: {  	[sflag:s14] =	ssyncset.done $0x0  }
0x92: {  	[sflag:s14] =	ssyncadd.s32 $0xFFFFD800  }
.LBB2_25:
0x93: {  	[spmem:s1] =	stream.indirect.scatter.add.f32 [tilespmem:s12], [sflag:$0x3], $0x80, s17, s15, $0xb8;
	[tilespmem:$0x1CE80] =	vst v63  }
0x94: {  	_ =	swait.ge [sflag:s18], $0x2800  }
0x95: {  	[sflag:s18] =	ssyncset.done $0x0  }
0x96: {  	s23 =	simm.s32 $0x0;
	[sflag:s18] =	ssyncadd.s32 $0xFFFFD800  }
0x97: {  	s23 =	sand.u32 $0xF, s23;
	_ =	swait.ge [sflag:s19], $0x2800  }
0x98: {  	p2 =	sne.s32 s23, s3;
	[sflag:s19] =	ssyncset.done $0x0  }
0x99: {  	s23 =	simm.s32 @!p2 $0x4000;
	[sflag:s19] =	ssyncadd.s32 $0xFFFFD800  }
0x9a: {  	s25 =	simm.s32 @!p2 $0x6;
	p2 =	por p2, p2;
	[bflag:$0x0] =	sbarrier.arrive $0xFFFF  }
0x9b: {  	[tilespmem:s23], [sflag:$0x6] =	stream.linear.gather @!p2 [spmem:s1], $0x2800, $0x38;
	[tilespmem:$0x1CE80] =	vst v63  }
0x9c: {  	s28 =	simm.s32 $0x1;
	_ =	swait.ge @!p2 [sflag:s25], $0x2800  }
0x9d: {  	s31 =	sand.u32 $0xF, s28;
	[sflag:s25] =	ssyncset.done @!p2 $0x0  }
0x9e: {  	s26 =	simm.s32 @!p2 $0x5;
	[sflag:s25] =	ssyncadd.s32 @!p2 $0xFFFFD800;
	s25 =	simm.s32 @!p2 $0x0  }
0x9f: {  	[hbm4b:s9+s25] =	stream.linear.scatter @!p2 [tilespmem:s23], [sflag:$0x5], $0x2800, $0x38;
	[tilespmem:$0x1CE80] =	vst v63  }
0xa0: {  	s24 =	simm.s32 $0x2;
	p3 =	sne.s32 s31, s3;
	_ =	swait.ge @!p2 [sflag:s26], $0x2800  }
0xa1: {  	s23 =	sadd.s32 $0x500, s9;
	s25 =	sadd.s32 $0x2800, s1;
	[sflag:s26] =	ssyncset.done @!p2 $0x0  }
.LBB2_26:
0xa2: {  	s28 =	simm.s32 @!p3 $0x4000;
	s29 =	simm.s32 @!p3 $0x6;
	[sflag:s26] =	ssyncadd.s32 @!p2 $0xFFFFD800  }
0xa3: {  	s30 =	smov.u32 s24;
	p2 =	por p3, p3;
	s24 =	sadd.s32 $0x1, s24  }
0xa4: {  	[tilespmem:s28], [sflag:$0x6] =	stream.linear.gather @!p2 [spmem:s25], $0x2800, $0x38;
	[tilespmem:$0x1CE80] =	vst v63  }
0xa5: {  	p4 =	sne.s32 s24, $0x7D;
	_ =	swait.ge @!p2 [sflag:s29], $0x2800  }
.Ltmp16:
0xa6: {  	[sflag:s29] =	ssyncset.done @!p2 $0x0;
	(pc) =	sbr.rel @p4 .LBB2_26-.Ltmp16, $4  }
0xa7: {  	s26 =	simm.s32 @!p2 $0x5;
	[sflag:s29] =	ssyncadd.s32 @!p2 $0xFFFFD800;
	s29 =	simm.s32 @!p2 $0x0  }
0xa8: {  	[hbm4b:s23+s29] =	stream.linear.scatter @!p2 [tilespmem:s28], [sflag:$0x5], $0x2800, $0x38;
	[tilespmem:$0x1CE80] =	vst v63  }
0xa9: {  	s28 =	sand.u32 $0xF, s30;
	s23 =	sadd.s32 $0x500, s23;
	_ =	swait.ge @!p2 [sflag:s26], $0x2800  }
0xaa: {  	s25 =	sadd.s32 $0x2800, s25;
	p3 =	sne.s32 s28, s3;
	[sflag:s26] =	ssyncset.done @!p2 $0x0  }
0xab: {  	s24 =	simm.s32 @!p3 $0x4000  }
0xac: {  	s28 =	simm.s32 @!p3 $0x6;
	[sflag:s26] =	ssyncadd.s32 @!p2 $0xFFFFD800;
	p2 =	por p3, p3  }
0xad: {  	[tilespmem:s24], [sflag:$0x6] =	stream.linear.gather @!p2 [spmem:s25], $0x2800, $0x38;
	[tilespmem:$0x1CE80] =	vst v63  }
0xae: {  	s22 =	sadd.s32 $0x1, s22;
	_ =	swait.ge @!p2 [sflag:s28], $0x2800  }
0xaf: {  	s25 =	simm.s32 @!p2 $0x0;
	p3 =	sne.s32 s22, s10;
	[sflag:s28] =	ssyncset.done @!p2 $0x0  }
.Ltmp17:
0xb0: {  	s26 =	simm.s32 @!p2 $0x5;
	[sflag:s28] =	ssyncadd.s32 @!p2 $0xFFFFD800;
	(pc) =	sbr.rel @p3 .LBB2_1-.Ltmp17, $4  }
0xb1: {  	[hbm4b:s23+s25] =	stream.linear.scatter @!p2 [tilespmem:s24], [sflag:$0x5], $0x2800, $0x38;
	[tilespmem:$0x1CE80] =	vst v63  }
0xb2: {  	_ =	swait.ge @!p2 [sflag:s26], $0x2800  }
0xb3: {  	[sflag:s26] =	ssyncset.done @!p2 $0x0  }
0xb4: {  	[sflag:s26] =	ssyncadd.s32 @!p2 $0xFFFFD800  }
0xb5: {  	_ =	sfence.sel $0x180000  }
0xb6: {  	[bflag:$0x0] =	sbarrier.arrive $0xFFFF  }
0xb7: {  	p0 =	sne.s32 s3, $0x0;
	_ =	strace $0x9000004D  }
0xb8: {  	s0 =	sadd.s32 @!p0 $0x100000, s0;
	[bflag:$0x2] =	sbarrier.arrive $0xFFFF  }
0xb9: {  	[sflag:s0] =	ssyncadd.tile.s32 @!p0 $0x1;
	_ =	shalt  }
.Lfunc_end2:
_tile_overlayer_lowered:
.L_overlay_start_2:
0xba: {  	(tag) =	ssettag $0x2  }
0xbb: {  	s0 =	rddreg [dreg:$0x0];
	s2 =	stileid.u32  }
0xbc: {  	s1 =	rddreg [dreg:$0x1];
	p0 =	sne.s32 s2, $0x0  }
0xbd: {  	s3 =	rddreg [dreg:$0x2];
	[bflag:$0x3] =	sbarrier.arrive $0xFFFF;
	s2 =	simm.s32 @!p0 $0x1C05  }
0xbe: {  	[timem:s3], [sflag:s2] =	dma.local @!p0 [hbm:s0], s1  }
0xbf: {  	s0 =	simm.s32 @!p0 $0x5  }
0xc0: {  	_ =	swait.ge @!p0 [sflag:s0], s1  }
0xc1: {  	s1 =	ssub.s32 @!p0 $0x0, s1;
	[sflag:s0] =	ssyncset.done @!p0 $0x0  }
0xc2: {  	[sflag:s0] =	ssyncadd.s32 @!p0 s1  }
0xc3: {  	[bflag:$0x3] =	sbarrier.arrive $0xFFFF  }
0xc4: {  	_ =	shalt  }

// kernel: kernel.16.cloned.1.call-start
scs
__scs_entry_jumppad:
0x0: {  	(pc) =	sbr.rel $0x88, $3  }
0x1: {  	(tag) =	ssettag $0x0;
	lr =	simm.s32 $0x1  }
0x2: {  	[smem:$0x3F90] =	sst lr;
	_ =	strace $0xD0000000  }
0x3: {  	_ = 	snop  }
0x4: {  	_ = 	snop  }
0x5: {  	_ = 	snop  }
0x6: {  	_ = 	snop  }
0x7: {  	_ = 	snop  }
__scs_overlays_trampoline_lowered:
0x8: {  	[smem:$0x3F9F] =	sst s0  }
0x9: {  	[smem:$0x3FA0] =	sst s1  }
0xa: {  	[smem:$0x3FA1] =	sst s2  }
0xb: {  	[smem:$0x3FA2] =	sst s3  }
0xc: {  	[smem:$0x3FA3] =	sst s4  }
0xd: {  	[smem:$0x3FA4] =	sst s5  }
0xe: {  	[smem:$0x3FA5] =	sst s6  }
0xf: {  	[smem:$0x3FA6] =	sst s7  }
0x10: {  	[smem:$0x3FA7] =	sst s8  }
0x11: {  	[smem:$0x3FA8] =	sst s9;
	s0 =	simm.s32 @!p0 $0x0  }
0x12: {  	s1 =	sld [smem:$0x3F8E];
	s0 =	simm.s32 @p0 $0x1  }
0x13: {  	[smem:$0x3FA9] =	sst s0;
	s0 =	simm.s32 @!p1 $0x0  }
0x14: {  	s2 =	sld [smem:$0x3F8D];
	s0 =	simm.s32 @p1 $0x1  }
0x15: {  	[smem:$0x3FAA] =	sst s0;
	s0 =	simm.s32 @!p2 $0x0  }
0x16: {  	s3 =	sld [smem:$0x3FDB];
	s0 =	simm.s32 @p2 $0x1  }
0x17: {  	s4 =	simm.s32 $0x1BF5;
	[smem:$0x3FAC] =	sst s0  }
0x18: {  	s0 =	sld [smem:$0x3F8F];
	_ =	swait.ge [sflag:s4], $0x0  }
0x19: {  	s7 =	sld [smem:$0x3F90]  }
0x1a: {  	s8 =	sadd.s32 $0xFFFFE003, lr  }
0x1b: {  	s9 =	sadd.s32 $0xFFFFFEF7, lr;
	s5 =	simm.s32 $0xFFFFFFFF;
	p2 =	slt.u32 s8, $0xFFFFF086  }
0x1c: {  	p1 =	slt.u32 s9, $0xF7A;
	s5 =	simm.s32 @!p2 $0x0  }
0x1d: {  	s5 =	simm.s32 @p1 $0x1;
	p0 =	seq.s32 s7, s2  }
0x1e: {  	s7 =	smul.u32 @!p0 $0xF7A, s2;
	p2 =	seq.s32 @!p0 s5, $0x0  }
0x1f: {  	s9 =	smul.u32 $0xF7A, s1;
	s8 =	simm.s32 @!p0 $0x1BF5;
	p2 =	por !p2, p0  }
0x20: {  	[sflag:s8] =	ssyncset.s32 @!p0 $0xFFFFF086;
	s6 =	sadd.s32 @!p0 s3, s7;
	s7 =	simm.s32 @!p0 $0x108  }
0x21: {  	s3 =	sadd.s32 s3, s9;
	s6 =	sadd.s32 @!p0 $0x88, s6;
	s7 =	simm.s32 @p2 $0x1082  }
0x22: {  	[simem:s7], [sflag:s8] =	dma.local @!p0 [hbm:s6], $0xF7A  }
0x23: {  	s9 =	sor.u32 $0xD0000000, s2;
	s6 =	simm.s32 $0x108;
	_ =	swait.ge @!p0 [sflag:s8], $0x0  }
0x24: {  	s3 =	sadd.s32 $0x88, s3;
	s6 =	simm.s32 @!p1 $0x1082;
	[sflag:s4] =	ssyncset.s32 $0xFFFFF086  }
0x25: {  	[simem:s6], [sflag:s4] =	dma.local [hbm:s3], $0xF7A  }
0x26: {  	[smem:$0x3F90] =	sst s1;
	(tag) =	ssettag s2;
	_ =	strace s9  }
0x27: {  	s1 =	sld [smem:$0x3FA0]  }
0x28: {  	s2 =	sld [smem:$0x3FA1]  }
0x29: {  	s4 =	sld [smem:$0x3FA3]  }
0x2a: {  	p0 =	seq.s32 s5, $0x0;
	s5 =	sld [smem:$0x3FA4]  }
0x2b: {  	s6 =	sld [smem:$0x3FA5]  }
0x2c: {  	s7 =	sld [smem:$0x3FA6]  }
0x2d: {  	s3 =	simm.s32 $0x108;
	s8 =	sld [smem:$0x3FA7]  }
0x2e: {  	s3 =	simm.s32 @!p0 $0x1082;
	s9 =	sld [smem:$0x3FA8]  }
0x2f: {  	lr =	sadd.s32 s0, s3;
	s0 =	sld [smem:$0x3F9F]  }
0x30: {  	s3 =	sld [smem:$0x3FA2]  }
0x31: {  	[smem:$0x3FAB] =	sst s10  }
0x32: {  	s10 =	sld [smem:$0x3FA9];
	_ =	sdelay $0x3  }
0x33: {  	p0 =	seq.s32 s10, $0x1;
	s10 =	sld [smem:$0x3FAB];
	_ =	sdelay $0x3  }
0x34: {  	[smem:$0x3FAB] =	sst s10  }
0x35: {  	s10 =	sld [smem:$0x3FAA];
	_ =	sdelay $0x3  }
0x36: {  	p1 =	seq.s32 s10, $0x1;
	s10 =	sld [smem:$0x3FAB];
	_ =	sdelay $0x3  }
0x37: {  	[smem:$0x3FAB] =	sst s10  }
0x38: {  	s10 =	sld [smem:$0x3FAC]  }
0x39: {  	_ = 	snop;
	(pc) =	sbr.ind lr, $3  }
0x3a: {  	_ = 	snop  }
0x3b: {  	_ = 	snop  }
0x3c: {  	p2 =	seq.s32 s10, $0x1;
	s10 =	sld [smem:$0x3FAB]  }
0x3d: {  	_ =	shalt  }
0x3e: {  	_ =	shalt  }
0x3f: {  	_ =	shalt  }
0x40: {  	_ =	shalt  }
0x41: {  	_ =	shalt  }
0x42: {  	_ =	shalt  }
0x43: {  	_ =	shalt  }
0x44: {  	_ =	shalt  }
0x45: {  	_ =	shalt  }
0x46: {  	_ =	shalt  }
0x47: {  	_ =	shalt  }
0x48: {  	_ =	shalt  }
0x49: {  	_ =	shalt  }
0x4a: {  	_ =	shalt  }
0x4b: {  	_ =	shalt  }
0x4c: {  	_ =	shalt  }
0x4d: {  	_ =	shalt  }
0x4e: {  	_ =	shalt  }
0x4f: {  	_ =	shalt  }
0x50: {  	_ =	shalt  }
0x51: {  	_ =	shalt  }
0x52: {  	_ =	shalt  }
0x53: {  	_ =	shalt  }
0x54: {  	_ =	shalt  }
0x55: {  	_ =	shalt  }
0x56: {  	_ =	shalt  }
0x57: {  	_ =	shalt  }
0x58: {  	_ =	shalt  }
0x59: {  	_ =	shalt  }
0x5a: {  	_ =	shalt  }
0x5b: {  	_ =	shalt  }
0x5c: {  	_ =	shalt  }
0x5d: {  	_ =	shalt  }
0x5e: {  	_ =	shalt  }
0x5f: {  	_ =	shalt  }
0x60: {  	_ =	shalt  }
0x61: {  	_ =	shalt  }
0x62: {  	_ =	shalt  }
0x63: {  	_ =	shalt  }
0x64: {  	_ =	shalt  }
0x65: {  	_ =	shalt  }
0x66: {  	_ =	shalt  }
0x67: {  	_ =	shalt  }
0x68: {  	_ =	shalt  }
0x69: {  	_ =	shalt  }
0x6a: {  	_ =	shalt  }
0x6b: {  	_ =	shalt  }
0x6c: {  	_ =	shalt  }
0x6d: {  	_ =	shalt  }
0x6e: {  	_ =	shalt  }
0x6f: {  	_ =	shalt  }
0x70: {  	_ =	shalt  }
0x71: {  	_ =	shalt  }
0x72: {  	_ =	shalt  }
0x73: {  	_ =	shalt  }
0x74: {  	_ =	shalt  }
0x75: {  	_ =	shalt  }
0x76: {  	_ =	shalt  }
0x77: {  	_ =	shalt  }
0x78: {  	_ =	shalt  }
0x79: {  	_ =	shalt  }
0x7a: {  	_ =	shalt  }
0x7b: {  	_ =	shalt  }
0x7c: {  	_ =	shalt  }
0x7d: {  	_ =	shalt  }
0x7e: {  	_ =	shalt  }
0x7f: {  	_ =	shalt  }
0x80: {  	_ =	shalt  }
0x81: {  	_ =	shalt  }
0x82: {  	_ =	shalt  }
0x83: {  	_ =	shalt  }
0x84: {  	_ =	shalt  }
0x85: {  	_ =	shalt  }
0x86: {  	_ =	shalt  }
0x87: {  	_ =	shalt  }
.Lfunc_end0:
.L_simem_size_0:
called_computation.2_lowered:
.L_overlay_start_0:
0x88: {  	s2 =	sld [smem:$0x3FD9]  }
0x89: {  	s3 =	sld [smem:$0x3FFE];
	_ =	sdelay $0x1  }
0x8a: {  	s1 =	srdreg.scid  }
0x8b: {  	s0 =	sand.u32 $0x1, s1  }
0x8c: {  	s17 =	sshll.u32 s0, $0xA;
	s2 =	sadd.s32 s3, s2  }
0x8d: {  	s2 =	sadd.s32 s2, s17  }
0x8e: {  	[smem:$0x3FB7] =	sst s2  }
0x8f: {  	_ = 	snop  }
0x90: {  	s18 =	sld [smem:$0x3FD0];
	(tm) =	ssettm $0x1  }
0x91: {  	s19 =	sld [smem:$0x3FFB];
	_ =	sdelay $0x3  }
0x92: {  	_ =	strace s19  }
0x93: {  	s2 =	sld [smem:$0x3FFC];
	_ =	sdelay $0x3  }
0x94: {  	_ =	strace s2  }
0x95: {  	s2 =	sld [smem:$0x3FFD];
	_ =	sdelay $0x3  }
0x96: {  	_ =	strace s2  }
0x97: {  	_ =	strace $0x8FFFFFFF  }
0x98: {  	s20 =	sld [smem:$0x3FDB];
	_ =	sdelay $0x1  }
0x99: {  	s4 =	simm.s32 $_scs_section_size  }
0x9a: {  	s5 =	simm.s32 $_size__tile_overlayer_lowered;
	s6 =	simm.s32 $_tile_overlayer_lowered  }
0x9b: {  	s7 =	simm.s32 $0x1BFF;
	s21 =	sshll.u32 s6, $0x1;
	s4 =	sadd.s32 s4, s20  }
0x9c: {  	s22 =	simm.s32 $0x0;
	s5 =	sshll.u32 s5, $0x1;
	s6 =	sadd.s32 s21, s4  }
0x9d: {  	[timem:s22], [sflag:s7] =	dma.local [hbm:s6], s5  }
0x9e: {  	_ =	swait.ge [sflag:s7], s5  }
0x9f: {  	s5 =	ssub.s32 $0x0, s5;
	[sflag:s7] =	ssyncset.done $0x0  }
0xa0: {  	[sflag:s7] =	ssyncadd.s32 s5;
	_ =	sdelay $0x1  }
0xa1: {  	s23 =	simm.s32 $0x1B8B  }
0xa2: {  	_ =	swait.ge [sflag:s23], $0x1  }
0xa3: {  	[sflag:s23] =	ssyncset.done $0x0  }
0xa4: {  	[sflag:s23] =	ssyncadd.s32 $0xFFFFFFFF  }
0xa5: {  	s5 =	sld [smem:$0x0]  }
0xa6: {  	s6 =	sand.u32 $0xFFFFFFFE, s1  }
0xa7: {  	p0 =	sne.s32 s1, s6  }
0xa8: {  	s6 =	sshll.u32 @p0 s6, $0xE  }
0xa9: {  	s6 =	sadd.s32 @p0 $0x11B8D, s6;
	s7 =	sshll.u32 @p0 s5, $0x11  }
0xaa: {  	s6 =	sor.u32 @p0 s7, s6  }
0xab: {  	[sflag:s6] =	ssyncadd.remote.s32 @p0 $0x1;
	_ =	sdelay $0x1  }
0xac: {  	s6 =	simm.s32 @p0 $0x1B8D  }
0xad: {  	_ =	swait.eq @p0 [sflag:s6], $0x1  }
0xae: {  	[sflag:s6] =	ssyncadd.s32 @p0 $0xFFFFFFFF  }
0xaf: {  	s7 =	sshll.u32 @!p0 s1, $0xE  }
0xb0: {  	s7 =	sor.u32 @!p0 $0x4000, s7;
	s6 =	simm.s32 @!p0 $0x1B8D  }
0xb1: {  	s5 =	sshll.u32 @!p0 s5, $0x11;
	s7 =	sadd.s32 @!p0 $0x11B8D, s7;
	_ =	swait.eq @!p0 [sflag:s6], $0x1  }
0xb2: {  	s5 =	sor.u32 @!p0 s5, s7;
	[sflag:s6] =	ssyncadd.s32 @!p0 $0xFFFFFFFF  }
0xb3: {  	s25 =	simm.s32 $0x1B8E;
	s24 =	sld [smem:$0x3FFE];
	[sflag:s5] =	ssyncadd.remote.s32 @!p0 $0x1  }
0xb4: {  	s26 =	simm.s32 $execute0_lowered;
	[smem:$0x3FD2] =	sst s25  }
0xb5: {  	s6 =	sshll.u32 s26, $0x1;
	_ =	strace $0x80000049;
	[dreg:$0x1] =	wrdreg $0xFFFFFFFF  }
0xb6: {  	s28 =	simm.s32 $_size_execute0_lowered;
	s4 =	sadd.s32 s4, s6;
	[dreg:$0x0] =	wrdreg $0x0  }
0xb7: {  	s6 =	sshll.u32 s28, $0x1;
	[dreg:$0x2] =	wrdreg s4  }
0xb8: {  	[dreg:$0x3] =	wrdreg s6  }
0xb9: {  	[dreg:$0x4] =	wrdreg $0xC0  }
0xba: {  	_ =	task [dreg:s22], $0x5FFFF  }
0xbb: {  	[dreg:$0x1] =	wrdreg $0xFFFFFFFF  }
0xbc: {  	[dreg:$0x0] =	wrdreg $0x60  }
0xbd: {  	[dreg:$0x2] =	wrdreg s18  }
0xbe: {  	[dreg:$0x3] =	wrdreg s24  }
0xbf: {  	[dreg:$0x4] =	wrdreg $0xA  }
0xc0: {  	_ =	task.clear_ibuf [dreg:s22], $0x5FFFF;
	_ =	strace $0x90000049  }
0xc1: {  	s29 =	simm.s32 $0xA;
	_ =	strace $0x8000004B  }
0xc2: {  	_ =	swait.ge [sflag:s29], $0x1  }
0xc3: {  	[sflag:s29] =	ssyncadd.s32 $0xFFFFFFFF  }
0xc4: {  	_ =	strace $0x9000004B  }
0xc5: {  	_ =	sfence  }
0xc6: {  	s30 =	sld [smem:$0x0];
	_ =	sdelay $0x2  }
0xc7: {  	s31 =	sshll.u32 s1, $0xD;
	s1 =	sshrl.u32 s1, $0x2  }
0xc8: {  	s4 =	sand.u32 $0x4000, s31;
	s1 =	sadd.s32 s1, s30  }
0xc9: {  	s0 =	sor.u32 s4, s0;
	s1 =	sshll.u32 s1, $0x11  }
0xca: {  	s0 =	sor.u32 s1, s0  }
0xcb: {  	s0 =	sadd.s32 $0x8F2B, s0  }
0xcc: {  	[sflag:s0] =	ssyncadd.remote.s32 $0x1  }
0xcd: {  	_ =	sfence.sel $0xFFFF  }
0xce: {  	[dreg:$0x0] =	wrdreg $0xFFFFFFFF;
	(pc) =	sbr.abs _section_cstart, $3  }
0xcf: {  	[dreg:$0x1] =	wrdreg $0xFFFFFFFF  }
0xd0: {  	_ =	task.clear_ibuf [dreg:s22], $0x2FFFF;
	_ =	strace $0x9FFFFFFF  }
0xd1: {  	(tm) =	ssettm $0x7FFFFFFF  }
tec
execute0_lowered:
.L_overlay_start_1:
0x0: {  	(tag) =	ssettag $0x1  }
0x1: {  	s0 =	srdreg.scid  }
0x2: {  	s12 =	stileid.u32;
	s2 =	rddreg [dreg:$0x0]  }
0x3: {  	s5 =	rddreg [dreg:$0x1];
	s3 =	simm.s32 $0x0;
	s17 =	simm.s32 $0x1400  }
0x4: {  	s18 =	simm.s32 $0x50;
	s19 =	simm.s32 $0x2800;
	s20 =	simm.s32 $0x5000  }
0x5: {  	s21 =	simm.s32 $0x7800;
	s23 =	simm.s32 $0xA000;
	s28 =	simm.s32 $0x4  }
0x6: {  	s0 =	sand.u32 $0x1, s0;
	s1 =	sshll.u32 s12, $0x1;
	s15 =	smul.u32 $0x27100, s12  }
0x7: {  	s1 =	sor.u32 s0, s1;
	s8 =	ssub.s32 $0x2, s0;
	s0 =	smul.u32 $0x13880, s0  }
0x8: {  	s29 =	simm.s32 $0x28;
	s13 =	sadd.s32 $0x52C400, s5;
	s4 =	smul.u32 $0x1388, s1  }
0x9: {  	[smem:$0x7FF] =	sst s3;
	s14 =	sadd.s32 $0x79D400, s5;
	s7 =	smul.u32 $0x9C400, s1  }
0xa: {  	_ =	strace $0x8000004A;
	s9 =	sshrl.u32 s8, $0x1;
	s1 =	smul.u32 $0x13880, s1  }
0xb: {  	s16 =	sadd.s32 s15, s13;
	s15 =	sadd.s32 s15, s14;
	s11 =	ssub.s32 s8, s9  }
0xc: {  	s31 =	sadd.s32 s0, s16;
	s0 =	sadd.s32 s0, s15;
	s16 =	simm.s32 $0x5  }
0xd: {  	s6 =	sshrl.u32 s4, $0x3;
	s4 =	sadd.s32 $0xF400, s5;
	s10 =	sshrl.u32 s7, $0x3  }
0xe: {  	s11 =	smax.u32 s11, $0x1;
	s12 =	sadd.s32 s13, s1;
	s15 =	sadd.s32 $0x500, s0  }
0xf: {  	s6 =	sadd.s32 s6, s5;
	s26 =	sadd.s32 $0x13100, s10;
	s10 =	sadd.s32 $0x13600, s10  }
0x10: {  	s24 =	sadd.s32 $0x522400, s6;
	s25 =	sadd.s32 $0x527400, s6;
	s30 =	sadd.s32 s13, s26  }
0x11: {  	s8 =	sadd.s32 s14, s26;
	s9 =	sadd.s32 s13, s10;
	s10 =	sadd.s32 s14, s10  }
0x12: {  	s13 =	sadd.s32 s14, s1;
	s14 =	sadd.s32 $0x500, s31;
	[dreg:$0x3] =	wrdreg s24  }
0x13: {  	s26 =	simm.s32 $0x3;
	s1 =	simm.s32 $0x0;
	[dreg:$0x4] =	wrdreg s25  }
0x14: {  	[dreg:$0x5] =	wrdreg s30;
	s24 =	simm.s32 $0x1;
	s25 =	simm.s32 $0x2  }
.LBB2_1:
0x15: {  	s0 =	rddreg [dreg:$0x3]  }
0x16: {  	[tilespmem:s3], [sflag:$0x5] =	stream.linear.gather [hbm4b:s0+s3], $0x1388, $0x38;
	[tilespmem:$0xC800] =	vst v63  }
0x17: {  	_ =	swait.ge [sflag:s16], $0x1388  }
0x18: {  	[sflag:s16] =	ssyncset.done $0x0  }
0x19: {  	s7 =	rddreg [dreg:$0x4];
	[sflag:s16] =	ssyncadd.s32 $0xFFFFEC78  }
0x1a: {  	[tilespmem:s17], [sflag:$0x5] =	stream.linear.gather [hbm4b:s7+s3], $0x1388, $0x38;
	[tilespmem:$0xC800] =	vst v63  }
0x1b: {  	_ =	swait.ge [sflag:s16], $0x1388  }
0x1c: {  	[sflag:s16] =	ssyncset.done $0x0  }
0x1d: {  	[sflag:s16] =	ssyncadd.s32 $0xFFFFEC78  }
0x1e: {  	[tilespmem:s19], [sflag:$0x1] =	stream.indirect.gather [hbm4b:s2+s18], $0x80, s3, s18, $0xb8;
	[tilespmem:$0xC800] =	vst v63  }
0x1f: {  	_ = 	snop  }
0x20: {  	[tilespmem:s20], [sflag:$0x1] =	stream.indirect.gather [hbm4b:s4+s18], $0x80, s17, s18, $0xb8;
	[tilespmem:$0xC800] =	vst v63  }
0x21: {  	_ = 	snop  }
0x22: {  	[tilespmem:s21], [sflag:$0x2] =	stream.indirect.gather [hbm4b:s2+s18], $0x80, s18, s18, $0xb8;
	[tilespmem:$0xC800] =	vst v63  }
0x23: {  	s22 =	simm.s32 $0x1450  }
0x24: {  	[tilespmem:s23], [sflag:$0x2] =	stream.indirect.gather [hbm4b:s4+s18], $0x80, s22, s18, $0xb8;
	[tilespmem:$0xC800] =	vst v63  }
0x25: {  	_ =	swait.ge [sflag:s24], $0x2800  }
0x26: {  	[sflag:s24] =	ssyncset.done $0x0  }
0x27: {  	[sflag:s24] =	ssyncadd.s32 $0xFFFFD800  }
0x28: {  	_ =	swait.ge [sflag:s24], $0x2800  }
0x29: {  	[sflag:s24] =	ssyncset.done $0x0  }
0x2a: {  	s30 =	simm.s32 $0x0;
	[sflag:s24] =	ssyncadd.s32 $0xFFFFD800  }
0x2b: {  	[hbm4b:s12+s3] =	stream.linear.scatter [tilespmem:s19], [sflag:$0x3], $0x2800, $0x38;
	[tilespmem:$0xC800] =	vst v63  }
0x2c: {  	s31 =	simm.s32 $0x2;
	s0 =	simm.s32 $0x14A0;
	s22 =	simm.s32 $0xA0  }
0x2d: {  	[hbm4b:s13+s3] =	stream.linear.scatter [tilespmem:s20], [sflag:$0x3], $0x2800, $0x38;
	[tilespmem:$0xC800] =	vst v63  }
.LBB2_2:
0x2e: {  	s5 =	sand.u32 $0x1, s31  }
0x2f: {  	p0 =	seq.s32 s5, $0x1  }
0x30: {  	s5 =	simm.s32 @!p0 $0x3  }
0x31: {  	_ =	swait.ge @!p0 [sflag:s5], $0x2800  }
0x32: {  	[sflag:s5] =	ssyncset.done @!p0 $0x0  }
0x33: {  	[sflag:s5] =	ssyncadd.s32 @!p0 $0xFFFFD800  }
0x34: {  	_ =	swait.ge @!p0 [sflag:s5], $0x2800  }
0x35: {  	[sflag:s5] =	ssyncset.done @!p0 $0x0  }
0x36: {  	s6 =	simm.s32 @!p0 $0x2800;
	[sflag:s5] =	ssyncadd.s32 @!p0 $0xFFFFD800;
	s5 =	simm.s32 @!p0 $0x50  }
0x37: {  	[tilespmem:s6], [sflag:$0x1] =	stream.indirect.gather @!p0 [hbm4b:s2+s5], $0x80, s22, s5, $0xb8;
	[tilespmem:$0xC800] =	vst v63  }
0x38: {  	s6 =	simm.s32 @!p0 $0x5000  }
0x39: {  	[tilespmem:s6], [sflag:$0x1] =	stream.indirect.gather @!p0 [hbm4b:s4+s5], $0x80, s0, s5, $0xb8;
	[tilespmem:$0xC800] =	vst v63  }
0x3a: {  	s5 =	simm.s32 @!p0 $0x2  }
0x3b: {  	_ =	swait.ge @!p0 [sflag:s5], $0x2800  }
0x3c: {  	[sflag:s5] =	ssyncset.done @!p0 $0x0  }
0x3d: {  	[sflag:s5] =	ssyncadd.s32 @!p0 $0xFFFFD800  }
0x3e: {  	_ =	swait.ge @!p0 [sflag:s5], $0x2800  }
0x3f: {  	s7 =	simm.s32 @!p0 $0x7800;
	[sflag:s5] =	ssyncset.done @!p0 $0x0  }
0x40: {  	s6 =	simm.s32 @!p0 $0x0;
	[sflag:s5] =	ssyncadd.s32 @!p0 $0xFFFFD800;
	s5 =	sadd.s32 @!p0 s30, s14  }
0x41: {  	[hbm4b:s5+s6] =	stream.linear.scatter @!p0 [tilespmem:s7], [sflag:$0x4], $0x2800, $0x38;
	[tilespmem:$0xC800] =	vst v63  }
0x42: {  	s5 =	sadd.s32 @!p0 s30, s15;
	s7 =	simm.s32 @!p0 $0xA000  }
0x43: {  	[hbm4b:s5+s6] =	stream.linear.scatter @!p0 [tilespmem:s7], [sflag:$0x4], $0x2800, $0x38;
	[tilespmem:$0xC800] =	vst v63  }
0x44: {  	s5 =	sand.u32 @!p0 $0x1, s31  }
0x45: {  	p1 =	seq.s32 @!p0 s5, $0x0  }
0x46: {  	p0 =	por p0, !p1  }
0x47: {  	_ =	swait.ge @p0 [sflag:s28], $0x2800  }
0x48: {  	[sflag:s28] =	ssyncset.done @p0 $0x0  }
0x49: {  	[sflag:s28] =	ssyncadd.s32 @p0 $0xFFFFD800  }
0x4a: {  	_ =	swait.ge @p0 [sflag:s28], $0x2800  }
0x4b: {  	[sflag:s28] =	ssyncset.done @p0 $0x0  }
0x4c: {  	[sflag:s28] =	ssyncadd.s32 @p0 $0xFFFFD800  }
0x4d: {  	[tilespmem:s21], [sflag:$0x2] =	stream.indirect.gather @p0 [hbm4b:s2+s18], $0x80, s22, s18, $0xb8;
	[tilespmem:$0xC800] =	vst v63  }
0x4e: {  	_ = 	snop  }
0x4f: {  	[tilespmem:s23], [sflag:$0x2] =	stream.indirect.gather @p0 [hbm4b:s4+s18], $0x80, s0, s18, $0xb8;
	[tilespmem:$0xC800] =	vst v63  }
0x50: {  	_ =	swait.ge @p0 [sflag:s24], $0x2800  }
0x51: {  	[sflag:s24] =	ssyncset.done @p0 $0x0  }
0x52: {  	[sflag:s24] =	ssyncadd.s32 @p0 $0xFFFFD800  }
0x53: {  	_ =	swait.ge @p0 [sflag:s24], $0x2800  }
0x54: {  	[sflag:s24] =	ssyncset.done @p0 $0x0  }
0x55: {  	s5 =	sadd.s32 @p0 s30, s14;
	[sflag:s24] =	ssyncadd.s32 @p0 $0xFFFFD800  }
0x56: {  	[hbm4b:s5+s3] =	stream.linear.scatter @p0 [tilespmem:s19], [sflag:$0x3], $0x2800, $0x38;
	[tilespmem:$0xC800] =	vst v63  }
0x57: {  	s5 =	sadd.s32 @p0 s30, s15;
	s30 =	sadd.s32 $0x500, s30  }
0x58: {  	[hbm4b:s5+s3] =	stream.linear.scatter @p0 [tilespmem:s20], [sflag:$0x3], $0x2800, $0x38;
	[tilespmem:$0xC800] =	vst v63  }
0x59: {  	p0 =	sne.s32 s30, $0x12C00  }
.Ltmp0:
0x5a: {  	_ = 	snop;
	(pc) =	sbr.rel @p0 .LBB2_2-.Ltmp0, $2  }
0x5b: {  	_ =	sdelay $0x2  }
0x5c: {  	s31 =	sadd.s32 $0x1, s31;
	s22 =	sadd.s32 $0x50, s22;
	s0 =	sadd.s32 $0x50, s0  }
0x5d: {  	_ =	swait.ge [sflag:s25], $0x2800  }
0x5e: {  	[sflag:s25] =	ssyncset.done $0x0  }
0x5f: {  	[sflag:s25] =	ssyncadd.s32 $0xFFFFD800  }
0x60: {  	_ =	swait.ge [sflag:s25], $0x2800  }
0x61: {  	[sflag:s25] =	ssyncset.done $0x0  }
0x62: {  	s0 =	rddreg [dreg:$0x5];
	[sflag:s25] =	ssyncadd.s32 $0xFFFFD800  }
0x63: {  	[hbm4b:s0+s3] =	stream.linear.scatter [tilespmem:s21], [sflag:$0x4], $0x2800, $0x38;
	[tilespmem:$0xC800] =	vst v63  }
0x64: {  	_ = 	snop  }
0x65: {  	[hbm4b:s8+s3] =	stream.linear.scatter [tilespmem:s23], [sflag:$0x4], $0x2800, $0x38;
	[tilespmem:$0xC800] =	vst v63  }
0x66: {  	_ =	swait.ge [sflag:s26], $0x2800  }
0x67: {  	[sflag:s26] =	ssyncset.done $0x0  }
0x68: {  	[sflag:s26] =	ssyncadd.s32 $0xFFFFD800  }
0x69: {  	_ =	swait.ge [sflag:s26], $0x2800  }
0x6a: {  	[sflag:s26] =	ssyncset.done $0x0  }
0x6b: {  	[sflag:s26] =	ssyncadd.s32 $0xFFFFD800  }
0x6c: {  	_ =	swait.ge [sflag:s28], $0x2800  }
0x6d: {  	[sflag:s28] =	ssyncset.done $0x0  }
0x6e: {  	[sflag:s28] =	ssyncadd.s32 $0xFFFFD800  }
0x6f: {  	_ =	swait.ge [sflag:s28], $0x2800  }
0x70: {  	[sflag:s28] =	ssyncset.done $0x0  }
0x71: {  	s30 =	simm.s32 $0x1360;
	[sflag:s28] =	ssyncadd.s32 $0xFFFFD800  }
0x72: {  	[tilespmem:s19], [sflag:$0x1] =	stream.indirect.gather [hbm4b:s2+s29], $0x80, s30, s29, $0xb8;
	[tilespmem:$0xC800] =	vst v63  }
0x73: {  	_ =	swait.ge [sflag:s24], $0x1400  }
0x74: {  	[sflag:s24] =	ssyncset.done $0x0  }
0x75: {  	s31 =	simm.s32 $0x2760;
	[sflag:s24] =	ssyncadd.s32 $0xFFFFEC00  }
0x76: {  	[tilespmem:s20], [sflag:$0x1] =	stream.indirect.gather [hbm4b:s4+s29], $0x80, s31, s29, $0xb8;
	[tilespmem:$0xC800] =	vst v63  }
0x77: {  	_ =	swait.ge [sflag:s24], $0x1400  }
0x78: {  	[sflag:s24] =	ssyncset.done $0x0  }
0x79: {  	[sflag:s24] =	ssyncadd.s32 $0xFFFFEC00  }
0x7a: {  	[hbm4b:s9+s3] =	stream.linear.scatter [tilespmem:s19], [sflag:$0x5], $0x1400, $0x38;
	[tilespmem:$0xC800] =	vst v63  }
0x7b: {  	s1 =	sadd.s32 $0x1, s1;
	_ =	swait.ge [sflag:s16], $0x1400  }
0x7c: {  	p0 =	sne.s32 s1, s11;
	[sflag:s16] =	ssyncset.done $0x0  }
.Ltmp1:
0x7d: {  	[sflag:s16] =	ssyncadd.s32 $0xFFFFEC00;
	(pc) =	sbr.rel @p0 .LBB2_1-.Ltmp1, $4  }
0x7e: {  	[hbm4b:s10+s3] =	stream.linear.scatter [tilespmem:s20], [sflag:$0x5], $0x1400, $0x38;
	[tilespmem:$0xC800] =	vst v63  }
0x7f: {  	_ =	swait.ge [sflag:s16], $0x1400  }
0x80: {  	[sflag:s16] =	ssyncset.done $0x0  }
0x81: {  	[sflag:s16] =	ssyncadd.s32 $0xFFFFEC00  }
0x82: {  	_ =	sfence.sel $0x180000  }
0x83: {  	[bflag:$0x0] =	sbarrier.arrive $0xFFFF  }
0x84: {  	_ =	strace $0x9000004A  }
0x85: {  	s0 =	stileid.u32;
	[bflag:$0x2] =	sbarrier.arrive $0xFFFF  }
0x86: {  	p0 =	sne.s32 s0, $0x0;
	s0 =	rddreg [dreg:$0x2]  }
0x87: {  	s0 =	sadd.s32 @!p0 $0x100000, s0  }
0x88: {  	[sflag:s0] =	ssyncadd.tile.s32 @!p0 $0x1;
	_ =	shalt  }
.Lfunc_end2:
_tile_overlayer_lowered:
.L_overlay_start_2:
0x89: {  	(tag) =	ssettag $0x2  }
0x8a: {  	s0 =	rddreg [dreg:$0x0];
	s2 =	stileid.u32  }
0x8b: {  	s1 =	rddreg [dreg:$0x1];
	p0 =	sne.s32 s2, $0x0  }
0x8c: {  	s3 =	rddreg [dreg:$0x2];
	[bflag:$0x3] =	sbarrier.arrive $0xFFFF;
	s2 =	simm.s32 @!p0 $0x1C05  }
0x8d: {  	[timem:s3], [sflag:s2] =	dma.local @!p0 [hbm:s0], s1  }
0x8e: {  	s0 =	simm.s32 @!p0 $0x5  }
0x8f: {  	_ =	swait.ge @!p0 [sflag:s0], s1  }
0x90: {  	s1 =	ssub.s32 @!p0 $0x0, s1;
	[sflag:s0] =	ssyncset.done @!p0 $0x0  }
0x91: {  	[sflag:s0] =	ssyncadd.s32 @!p0 s1  }
0x92: {  	[bflag:$0x3] =	sbarrier.arrive $0xFFFF  }
0x93: {  	_ =	shalt  }

// kernel: kernel.19.cloned.1.call-start
scs
__scs_entry_jumppad:
0x0: {  	(pc) =	sbr.rel $0x88, $3  }
0x1: {  	(tag) =	ssettag $0x0;
	lr =	simm.s32 $0x1  }
0x2: {  	[smem:$0x3F90] =	sst lr;
	_ =	strace $0xD0000000  }
0x3: {  	_ = 	snop  }
0x4: {  	_ = 	snop  }
0x5: {  	_ = 	snop  }
0x6: {  	_ = 	snop  }
0x7: {  	_ = 	snop  }
__scs_overlays_trampoline_lowered:
0x8: {  	[smem:$0x3F9F] =	sst s0  }
0x9: {  	[smem:$0x3FA0] =	sst s1  }
0xa: {  	[smem:$0x3FA1] =	sst s2  }
0xb: {  	[smem:$0x3FA2] =	sst s3  }
0xc: {  	[smem:$0x3FA3] =	sst s4  }
0xd: {  	[smem:$0x3FA4] =	sst s5  }
0xe: {  	[smem:$0x3FA5] =	sst s6  }
0xf: {  	[smem:$0x3FA6] =	sst s7  }
0x10: {  	[smem:$0x3FA7] =	sst s8  }
0x11: {  	[smem:$0x3FA8] =	sst s9;
	s0 =	simm.s32 @!p0 $0x0  }
0x12: {  	s1 =	sld [smem:$0x3F8E];
	s0 =	simm.s32 @p0 $0x1  }
0x13: {  	[smem:$0x3FA9] =	sst s0;
	s0 =	simm.s32 @!p1 $0x0  }
0x14: {  	s2 =	sld [smem:$0x3F8D];
	s0 =	simm.s32 @p1 $0x1  }
0x15: {  	[smem:$0x3FAA] =	sst s0;
	s0 =	simm.s32 @!p2 $0x0  }
0x16: {  	s3 =	sld [smem:$0x3FDB];
	s0 =	simm.s32 @p2 $0x1  }
0x17: {  	s4 =	simm.s32 $0x1BF5;
	[smem:$0x3FAC] =	sst s0  }
0x18: {  	s0 =	sld [smem:$0x3F8F];
	_ =	swait.ge [sflag:s4], $0x0  }
0x19: {  	s7 =	sld [smem:$0x3F90]  }
0x1a: {  	s8 =	sadd.s32 $0xFFFFE003, lr  }
0x1b: {  	s9 =	sadd.s32 $0xFFFFFEF7, lr;
	s5 =	simm.s32 $0xFFFFFFFF;
	p2 =	slt.u32 s8, $0xFFFFF086  }
0x1c: {  	p1 =	slt.u32 s9, $0xF7A;
	s5 =	simm.s32 @!p2 $0x0  }
0x1d: {  	s5 =	simm.s32 @p1 $0x1;
	p0 =	seq.s32 s7, s2  }
0x1e: {  	s7 =	smul.u32 @!p0 $0xF7A, s2;
	p2 =	seq.s32 @!p0 s5, $0x0  }
0x1f: {  	s9 =	smul.u32 $0xF7A, s1;
	s8 =	simm.s32 @!p0 $0x1BF5;
	p2 =	por !p2, p0  }
0x20: {  	[sflag:s8] =	ssyncset.s32 @!p0 $0xFFFFF086;
	s6 =	sadd.s32 @!p0 s3, s7;
	s7 =	simm.s32 @!p0 $0x108  }
0x21: {  	s3 =	sadd.s32 s3, s9;
	s6 =	sadd.s32 @!p0 $0x88, s6;
	s7 =	simm.s32 @p2 $0x1082  }
0x22: {  	[simem:s7], [sflag:s8] =	dma.local @!p0 [hbm:s6], $0xF7A  }
0x23: {  	s9 =	sor.u32 $0xD0000000, s2;
	s6 =	simm.s32 $0x108;
	_ =	swait.ge @!p0 [sflag:s8], $0x0  }
0x24: {  	s3 =	sadd.s32 $0x88, s3;
	s6 =	simm.s32 @!p1 $0x1082;
	[sflag:s4] =	ssyncset.s32 $0xFFFFF086  }
0x25: {  	[simem:s6], [sflag:s4] =	dma.local [hbm:s3], $0xF7A  }
0x26: {  	[smem:$0x3F90] =	sst s1;
	(tag) =	ssettag s2;
	_ =	strace s9  }
0x27: {  	s1 =	sld [smem:$0x3FA0]  }
0x28: {  	s2 =	sld [smem:$0x3FA1]  }
0x29: {  	s4 =	sld [smem:$0x3FA3]  }
0x2a: {  	p0 =	seq.s32 s5, $0x0;
	s5 =	sld [smem:$0x3FA4]  }
0x2b: {  	s6 =	sld [smem:$0x3FA5]  }
0x2c: {  	s7 =	sld [smem:$0x3FA6]  }
0x2d: {  	s3 =	simm.s32 $0x108;
	s8 =	sld [smem:$0x3FA7]  }
0x2e: {  	s3 =	simm.s32 @!p0 $0x1082;
	s9 =	sld [smem:$0x3FA8]  }
0x2f: {  	lr =	sadd.s32 s0, s3;
	s0 =	sld [smem:$0x3F9F]  }
0x30: {  	s3 =	sld [smem:$0x3FA2]  }
0x31: {  	[smem:$0x3FAB] =	sst s10  }
0x32: {  	s10 =	sld [smem:$0x3FA9];
	_ =	sdelay $0x3  }
0x33: {  	p0 =	seq.s32 s10, $0x1;
	s10 =	sld [smem:$0x3FAB];
	_ =	sdelay $0x3  }
0x34: {  	[smem:$0x3FAB] =	sst s10  }
0x35: {  	s10 =	sld [smem:$0x3FAA];
	_ =	sdelay $0x3  }
0x36: {  	p1 =	seq.s32 s10, $0x1;
	s10 =	sld [smem:$0x3FAB];
	_ =	sdelay $0x3  }
0x37: {  	[smem:$0x3FAB] =	sst s10  }
0x38: {  	s10 =	sld [smem:$0x3FAC]  }
0x39: {  	_ = 	snop;
	(pc) =	sbr.ind lr, $3  }
0x3a: {  	_ = 	snop  }
0x3b: {  	_ = 	snop  }
0x3c: {  	p2 =	seq.s32 s10, $0x1;
	s10 =	sld [smem:$0x3FAB]  }
0x3d: {  	_ =	shalt  }
0x3e: {  	_ =	shalt  }
0x3f: {  	_ =	shalt  }
0x40: {  	_ =	shalt  }
0x41: {  	_ =	shalt  }
0x42: {  	_ =	shalt  }
0x43: {  	_ =	shalt  }
0x44: {  	_ =	shalt  }
0x45: {  	_ =	shalt  }
0x46: {  	_ =	shalt  }
0x47: {  	_ =	shalt  }
0x48: {  	_ =	shalt  }
0x49: {  	_ =	shalt  }
0x4a: {  	_ =	shalt  }
0x4b: {  	_ =	shalt  }
0x4c: {  	_ =	shalt  }
0x4d: {  	_ =	shalt  }
0x4e: {  	_ =	shalt  }
0x4f: {  	_ =	shalt  }
0x50: {  	_ =	shalt  }
0x51: {  	_ =	shalt  }
0x52: {  	_ =	shalt  }
0x53: {  	_ =	shalt  }
0x54: {  	_ =	shalt  }
0x55: {  	_ =	shalt  }
0x56: {  	_ =	shalt  }
0x57: {  	_ =	shalt  }
0x58: {  	_ =	shalt  }
0x59: {  	_ =	shalt  }
0x5a: {  	_ =	shalt  }
0x5b: {  	_ =	shalt  }
0x5c: {  	_ =	shalt  }
0x5d: {  	_ =	shalt  }
0x5e: {  	_ =	shalt  }
0x5f: {  	_ =	shalt  }
0x60: {  	_ =	shalt  }
0x61: {  	_ =	shalt  }
0x62: {  	_ =	shalt  }
0x63: {  	_ =	shalt  }
0x64: {  	_ =	shalt  }
0x65: {  	_ =	shalt  }
0x66: {  	_ =	shalt  }
0x67: {  	_ =	shalt  }
0x68: {  	_ =	shalt  }
0x69: {  	_ =	shalt  }
0x6a: {  	_ =	shalt  }
0x6b: {  	_ =	shalt  }
0x6c: {  	_ =	shalt  }
0x6d: {  	_ =	shalt  }
0x6e: {  	_ =	shalt  }
0x6f: {  	_ =	shalt  }
0x70: {  	_ =	shalt  }
0x71: {  	_ =	shalt  }
0x72: {  	_ =	shalt  }
0x73: {  	_ =	shalt  }
0x74: {  	_ =	shalt  }
0x75: {  	_ =	shalt  }
0x76: {  	_ =	shalt  }
0x77: {  	_ =	shalt  }
0x78: {  	_ =	shalt  }
0x79: {  	_ =	shalt  }
0x7a: {  	_ =	shalt  }
0x7b: {  	_ =	shalt  }
0x7c: {  	_ =	shalt  }
0x7d: {  	_ =	shalt  }
0x7e: {  	_ =	shalt  }
0x7f: {  	_ =	shalt  }
0x80: {  	_ =	shalt  }
0x81: {  	_ =	shalt  }
0x82: {  	_ =	shalt  }
0x83: {  	_ =	shalt  }
0x84: {  	_ =	shalt  }
0x85: {  	_ =	shalt  }
0x86: {  	_ =	shalt  }
0x87: {  	_ =	shalt  }
.Lfunc_end0:
.L_simem_size_0:
called_computation.3_lowered:
.L_overlay_start_0:
0x88: {  	s2 =	sld [smem:$0x3FD9]  }
0x89: {  	s3 =	sld [smem:$0x3FFE];
	_ =	sdelay $0x1  }
0x8a: {  	s1 =	srdreg.scid  }
0x8b: {  	s0 =	sand.u32 $0x1, s1  }
0x8c: {  	s17 =	sshll.u32 s0, $0xA;
	s2 =	sadd.s32 s3, s2  }
0x8d: {  	s2 =	sadd.s32 s2, s17  }
0x8e: {  	[smem:$0x3FB7] =	sst s2  }
0x8f: {  	_ = 	snop  }
0x90: {  	s18 =	sld [smem:$0x3FD0];
	(tm) =	ssettm $0x1  }
0x91: {  	s19 =	sld [smem:$0x3FFB];
	_ =	sdelay $0x3  }
0x92: {  	_ =	strace s19  }
0x93: {  	s2 =	sld [smem:$0x3FFC];
	_ =	sdelay $0x3  }
0x94: {  	_ =	strace s2  }
0x95: {  	s2 =	sld [smem:$0x3FFD];
	_ =	sdelay $0x3  }
0x96: {  	_ =	strace s2  }
0x97: {  	_ =	strace $0x8FFFFFFF  }
0x98: {  	s20 =	sld [smem:$0x3FDB];
	_ =	sdelay $0x1  }
0x99: {  	s4 =	simm.s32 $_scs_section_size  }
0x9a: {  	s5 =	simm.s32 $_size__tile_overlayer_lowered;
	s6 =	simm.s32 $_tile_overlayer_lowered  }
0x9b: {  	s7 =	simm.s32 $0x1BFF;
	s21 =	sshll.u32 s6, $0x1;
	s4 =	sadd.s32 s4, s20  }
0x9c: {  	s22 =	simm.s32 $0x0;
	s5 =	sshll.u32 s5, $0x1;
	s6 =	sadd.s32 s21, s4  }
0x9d: {  	[timem:s22], [sflag:s7] =	dma.local [hbm:s6], s5  }
0x9e: {  	_ =	swait.ge [sflag:s7], s5  }
0x9f: {  	s5 =	ssub.s32 $0x0, s5;
	[sflag:s7] =	ssyncset.done $0x0  }
0xa0: {  	[sflag:s7] =	ssyncadd.s32 s5;
	_ =	sdelay $0x1  }
0xa1: {  	s23 =	simm.s32 $0x1B8B  }
0xa2: {  	_ =	swait.ge [sflag:s23], $0x1  }
0xa3: {  	[sflag:s23] =	ssyncset.done $0x0  }
0xa4: {  	[sflag:s23] =	ssyncadd.s32 $0xFFFFFFFF  }
0xa5: {  	s5 =	sld [smem:$0x0]  }
0xa6: {  	s6 =	sand.u32 $0xFFFFFFFE, s1  }
0xa7: {  	p0 =	sne.s32 s1, s6  }
0xa8: {  	s6 =	sshll.u32 @p0 s6, $0xE  }
0xa9: {  	s6 =	sadd.s32 @p0 $0x11B8D, s6;
	s7 =	sshll.u32 @p0 s5, $0x11  }
0xaa: {  	s6 =	sor.u32 @p0 s7, s6  }
0xab: {  	[sflag:s6] =	ssyncadd.remote.s32 @p0 $0x1;
	_ =	sdelay $0x1  }
0xac: {  	s6 =	simm.s32 @p0 $0x1B8D  }
0xad: {  	_ =	swait.eq @p0 [sflag:s6], $0x1  }
0xae: {  	[sflag:s6] =	ssyncadd.s32 @p0 $0xFFFFFFFF  }
0xaf: {  	s7 =	sshll.u32 @!p0 s1, $0xE  }
0xb0: {  	s7 =	sor.u32 @!p0 $0x4000, s7;
	s6 =	simm.s32 @!p0 $0x1B8D  }
0xb1: {  	s5 =	sshll.u32 @!p0 s5, $0x11;
	s7 =	sadd.s32 @!p0 $0x11B8D, s7;
	_ =	swait.eq @!p0 [sflag:s6], $0x1  }
0xb2: {  	s5 =	sor.u32 @!p0 s5, s7;
	[sflag:s6] =	ssyncadd.s32 @!p0 $0xFFFFFFFF  }
0xb3: {  	s25 =	simm.s32 $0x1B8E;
	s24 =	sld [smem:$0x3FFE];
	[sflag:s5] =	ssyncadd.remote.s32 @!p0 $0x1  }
0xb4: {  	s26 =	simm.s32 $execute0_lowered;
	[smem:$0x3FD2] =	sst s25  }
0xb5: {  	s6 =	sshll.u32 s26, $0x1;
	_ =	strace $0x8000004F;
	[dreg:$0x1] =	wrdreg $0xFFFFFFFF  }
0xb6: {  	s28 =	simm.s32 $_size_execute0_lowered;
	s4 =	sadd.s32 s4, s6;
	[dreg:$0x0] =	wrdreg $0x0  }
0xb7: {  	s6 =	sshll.u32 s28, $0x1;
	[dreg:$0x2] =	wrdreg s4  }
0xb8: {  	[dreg:$0x3] =	wrdreg s6  }
0xb9: {  	[dreg:$0x4] =	wrdreg $0xC0  }
0xba: {  	_ =	task [dreg:s22], $0x5FFFF  }
0xbb: {  	[dreg:$0x1] =	wrdreg $0xFFFFFFFF  }
0xbc: {  	[dreg:$0x0] =	wrdreg $0x60  }
0xbd: {  	[dreg:$0x2] =	wrdreg s24  }
0xbe: {  	[dreg:$0x3] =	wrdreg s18  }
0xbf: {  	[dreg:$0x4] =	wrdreg $0x96000  }
0xc0: {  	[dreg:$0x5] =	wrdreg $0xA  }
0xc1: {  	_ =	task.clear_ibuf [dreg:s22], $0x6FFFF;
	_ =	strace $0x9000004F  }
0xc2: {  	s29 =	simm.s32 $0xA;
	_ =	strace $0x80000051  }
0xc3: {  	_ =	swait.ge [sflag:s29], $0x1  }
0xc4: {  	[sflag:s29] =	ssyncadd.s32 $0xFFFFFFFF  }
0xc5: {  	_ =	strace $0x90000051  }
0xc6: {  	_ =	sfence  }
0xc7: {  	s30 =	sld [smem:$0x0];
	_ =	sdelay $0x2  }
0xc8: {  	s31 =	sshll.u32 s1, $0xD;
	s1 =	sshrl.u32 s1, $0x2  }
0xc9: {  	s4 =	sand.u32 $0x4000, s31;
	s1 =	sadd.s32 s1, s30  }
0xca: {  	s0 =	sor.u32 s4, s0;
	s1 =	sshll.u32 s1, $0x11  }
0xcb: {  	s0 =	sor.u32 s1, s0  }
0xcc: {  	s0 =	sadd.s32 $0x8F2B, s0  }
0xcd: {  	[sflag:s0] =	ssyncadd.remote.s32 $0x1  }
0xce: {  	_ =	sfence.sel $0xFFFF  }
0xcf: {  	[dreg:$0x0] =	wrdreg $0xFFFFFFFF;
	(pc) =	sbr.abs _section_cstart, $3  }
0xd0: {  	[dreg:$0x1] =	wrdreg $0xFFFFFFFF  }
0xd1: {  	_ =	task.clear_ibuf [dreg:s22], $0x2FFFF;
	_ =	strace $0x9FFFFFFF  }
0xd2: {  	(tm) =	ssettm $0x7FFFFFFF  }
0xd3: {  	_ =	shalt  }
tec
execute0_lowered:
.L_overlay_start_1:
0x0: {  	(tag) =	ssettag $0x1  }
0x1: {  	s7 =	rddreg [dreg:$0x0]  }
0x2: {  	s1 =	rddreg [dreg:$0x1]  }
0x3: {  	s2 =	rddreg [dreg:$0x2]  }
0x4: {  	s0 =	rddreg [dreg:$0x3]  }
0x5: {  	s4 =	simm.s32 $0x0;
	s5 =	srdreg.scid;
	s3 =	stileid.u32  }
0x6: {  	s13 =	simm.s32 $0x6B00;
	s15 =	simm.s32 $0x50;
	s16 =	simm.s32 $0x9300  }
0x7: {  	s17 =	simm.s32 $0x3E00;
	s18 =	simm.s32 $0x4;
	s19 =	simm.s32 $0x3  }
0x8: {  	s20 =	simm.s32 $0x2;
	s21 =	simm.s32 $0x6800;
	s22 =	simm.s32 $0x0  }
0x9: {  	[smem:$0x7FF] =	sst s4;
	s14 =	sand.u32 $0x1, s5;
	s5 =	sadd.s32 $0x27EA00, s7  }
0xa: {  	s6 =	sshll.u32 s3, $0xB;
	_ =	strace $0x80000050;
	s8 =	smul.u32 $0x27100, s14  }
0xb: {  	s9 =	ssub.s32 $0x2, s14;
	s10 =	sadd.s32 s6, s7;
	s6 =	sadd.s32 $0x5400, s7  }
0xc: {  	p0 =	seq.s32 s14, $0x1;
	p1 =	sne.s32 s14, $0x0;
	s11 =	sshrl.u32 s9, $0x1  }
0xd: {  	s14 =	simm.s32 $0x1;
	s12 =	sadd.s32 s8, s7;
	s11 =	ssub.s32 s9, s11  }
0xe: {  	s7 =	sadd.s32 $0x5A00, s10;
	s8 =	smul.u32 $0x2710, s3;
	s9 =	sadd.s32 $0xA16400, s12  }
0xf: {  	vm0 =	vmmov $0xff;
	s10 =	smax.u32 s11, $0x1;
	s11 =	simm.s32 $0x5;
	s12 =	simm.s32 $0x4000  }
.LBB2_1:
0x10: {  	[tilespmem:s4], [sflag:$0x5] =	stream.linear.gather [hbm4b:s7+s4], $0x3E80, $0x38;
	[tilespmem:$0x1CE80] =	vst v63  }
0x11: {  	_ =	swait.ge [sflag:s11], $0x3E80  }
0x12: {  	[sflag:s11] =	ssyncset.done $0x0  }
0x13: {  	[sflag:s11] =	ssyncadd.s32 $0xFFFFC180  }
0x14: {  	[tilespmem:s12], [sflag:$0x5] =	stream.linear.gather [hbm4b:s6+s4], $0x2800, $0x38;
	[tilespmem:$0x1CE80] =	vst v63  }
0x15: {  	_ =	swait.ge [sflag:s11], $0x2800  }
0x16: {  	[sflag:s11] =	ssyncset.done $0x0  }
0x17: {  	[sflag:s11] =	ssyncadd.s32 $0xFFFFD800  }
0x18: {  	[tilespmem:s13], [sflag:$0x5] =	stream.linear.gather [hbm4b:s6+s4], $0x2800, $0x38;
	[tilespmem:$0x1CE80] =	vst v63  }
0x19: {  	s23 =	sand.u32 $0xF, s4;
	_ =	swait.ge [sflag:s11], $0x2800  }
0x1a: {  	p2 =	sne.s32 s23, s3;
	[sflag:s11] =	ssyncset.done $0x0  }
0x1b: {  	s23 =	simm.s32 @!p2 $0x4000;
	s26 =	simm.s32 @!p2 $0x5;
	[sflag:s11] =	ssyncadd.s32 $0xFFFFD800  }
0x1c: {  	[spmem:s2] =	stream.linear.scatter @!p2 [tilespmem:s23], [sflag:$0x5], $0x2800, $0x38;
	[tilespmem:$0x1CE80] =	vst v63  }
0x1d: {  	s24 =	simm.s32 $0x1;
	_ =	swait.ge @!p2 [sflag:s26], $0x2800  }
0x1e: {  	s25 =	simm.s32 $0x2;
	s23 =	sadd.s32 $0x2800, s2;
	[sflag:s26] =	ssyncset.done @!p2 $0x0  }
.LBB2_2:
0x1f: {  	s28 =	sand.u32 $0xF, s24;
	s24 =	smov.u32 s25;
	s25 =	sadd.s32 $0x1, s25  }
0x20: {  	[sflag:s26] =	ssyncadd.s32 @!p2 $0xFFFFD800;
	p3 =	sne.s32 s25, $0x7D  }
.Ltmp0:
0x21: {  	p2 =	sne.s32 s28, s3;
	(pc) =	sbr.rel @p3 .LBB2_2-.Ltmp0, $4  }
0x22: {  	s28 =	simm.s32 @!p2 $0x4000;
	s26 =	simm.s32 @!p2 $0x5  }
0x23: {  	[spmem:s23] =	stream.linear.scatter @!p2 [tilespmem:s28], [sflag:$0x5], $0x2800, $0x38;
	[tilespmem:$0x1CE80] =	vst v63  }
0x24: {  	_ =	swait.ge @!p2 [sflag:s26], $0x2800  }
0x25: {  	s23 =	sadd.s32 $0x2800, s23;
	[sflag:s26] =	ssyncset.done @!p2 $0x0  }
0x26: {  	s24 =	sand.u32 $0xF, s24  }
0x27: {  	p3 =	sne.s32 s24, s3  }
0x28: {  	[sflag:s26] =	ssyncadd.s32 @!p2 $0xFFFFD800;
	s24 =	simm.s32 @!p3 $0x4000;
	s25 =	simm.s32 @!p3 $0x5  }
0x29: {  	[spmem:s23] =	stream.linear.scatter @!p3 [tilespmem:s24], [sflag:$0x5], $0x2800, $0x38;
	[tilespmem:$0x1CE80] =	vst v63  }
.Ltmp1:
0x2a: {  	_ =	swait.ge @!p3 [sflag:s25], $0x2800;
	(pc) =	sbr.rel .LBB2_4-.Ltmp1, $4  }
0x2b: {  	[sflag:s25] =	ssyncset.done @!p3 $0x0  }
0x2c: {  	[sflag:s25] =	ssyncadd.s32 @!p3 $0xFFFFD800  }
0x2d: {  	[bflag:$0x0] =	sbarrier.arrive $0xFFFF  }
0x2e: {  	s23 =	simm.s32 $0x0  }
.LBB2_14:
0x2f: {  	s24 =	sshll.u32 s24, $0x4  }
0x30: {  	s24 =	sadd.s32 s5, s24  }
0x31: {  	[tilespmem:s13], [sflag:$0x2] =	stream.linear.gather [hbm4b:s24+s4], $0x2800, $0x38;
	[tilespmem:$0x1CE80] =	vst v63  }
0x32: {  	_ =	swait.ge [sflag:s14], $0x2800  }
0x33: {  	[sflag:s14] =	ssyncset.done $0x0  }
0x34: {  	[sflag:s14] =	ssyncadd.s32 $0xFFFFD800  }
.LBB2_18:
0x35: {  	s24 =	sshll.u32 s23, $0x7  }
0x36: {  	s24 =	sand.u32 $0x3FFFFF80, s24  }
0x37: {  	s24 =	sadd.s32 $0xFFFFFF80, s24  }
0x38: {  	[spmem:s2] =	stream.indirect.scatter.add.f32 [tilespmem:s12], [sflag:$0x3], $0x80, s24, s15, $0xb8;
	[tilespmem:$0x1CE80] =	vst v63  }
.LBB2_19:
0x39: {  	s23 =	sadd.s32 $0x1, s23  }
0x3a: {  	p2 =	sne.s32 s23, $0x7D  }
.Ltmp2:
0x3b: {  	_ = 	snop;
	(pc) =	sbr.rel @!p2 .LBB2_20-.Ltmp2, $1  }
0x3c: {  	_ =	sdelay $0x3  }
.LBB2_4:
0x3d: {  	s24 =	sand.u32 $0x1, s23  }
0x3e: {  	p2 =	seq.s32 s24, $0x1  }
.Ltmp3:
0x3f: {  	_ = 	snop;
	(pc) =	sbr.rel @p2 .LBB2_13-.Ltmp3, $1  }
0x40: {  	_ =	sdelay $0x3  }
.Ltmp4:
0x41: {  	p2 =	slt.u32 s23, $0x2;
	(pc) =	sbr.rel @p1 .LBB2_8-.Ltmp4, $4  }
0x42: {  	s25 =	simm.s32 @!p2 $0x3  }
0x43: {  	s26 =	smul.u32 $0x50, s23;
	_ =	swait.ge @!p2 [sflag:s25], $0x2800  }
0x44: {  	[sflag:s25] =	ssyncset.done @!p2 $0x0  }
0x45: {  	[sflag:s25] =	ssyncadd.s32 @!p2 $0xFFFFD800;
	s25 =	sadd.s32 s8, s26;
	p2 =	seq.s32 s23, $0x0  }
.Ltmp5:
0x46: {  	(pc) =	sbr.rel @p2 .LBB2_19-.Ltmp5, $4  }
0x47: {  	_ = 	snop  }
0x48: {  	s25 =	sshll.u32 s25, $0x4  }
0x49: {  	s25 =	sadd.s32 s5, s25  }
0x4a: {  	[tilespmem:s12], [sflag:$0x1] =	stream.linear.gather [hbm4b:s25+s4], $0x2800, $0x38;
	[tilespmem:$0x1CE80] =	vst v63  }
.Ltmp6:
0x4b: {  	(pc) =	sbr.rel .LBB2_12-.Ltmp6, $4  }
0x4c: {  	_ = 	snop  }
0x4d: {  	_ =	swait.ge [sflag:s20], $0x2800  }
0x4e: {  	[sflag:s20] =	ssyncset.done $0x0  }
0x4f: {  	[sflag:s20] =	ssyncadd.s32 $0xFFFFD800  }
.LBB2_8:
.Ltmp7:
0x50: {  	(pc) =	sbr.rel @p2 .LBB2_19-.Ltmp7, $3  }
0x51: {  	_ =	sdelay $0x1  }
0x52: {  	s25 =	sadd.s32 s1, s25  }
0x53: {  	[tilespmem:s21], [sflag:$0x1] =	stream.linear.gather [hbm4b:s25+s4], $0x280, $0x38;
	[tilespmem:$0x1CE80] =	vst v63  }
0x54: {  	_ =	swait.ge [sflag:s20], $0x280  }
0x55: {  	[sflag:s20] =	ssyncset.done $0x0  }
0x56: {  	s25 =	simm.s32 $0x0;
	[sflag:s20] =	ssyncadd.s32 $0xFFFFFD80  }
0x57: {  	v0 =	vld [tilespmem:s25+$0x9300];
	_ =	sdelay $0x4  }
0x58: {  	s25 =	simm.s32 $0x6B00;
	v0 =	vnsel vm0, $0x0, v0  }
0x59: {  	s28 =	simm.s32 $0x8;
	s26 =	simm.s32 $0x40;
	[tilespmem:s25+$0x0] =	vst v0  }
.LBB2_10:
0x5a: {  	p2 =	sne.s32 s26, $0x9E0;
	v0 =	vld [tilespmem:s28+$0x9300];
	_ =	sdelay $0x1  }
.Ltmp8:
0x5b: {  	(pc) =	sbr.rel @p2 .LBB2_10-.Ltmp8, $3  }
0x5c: {  	_ =	sdelay $0x1  }
0x5d: {  	s25 =	sadd.s32 $0x80, s25;
	v0 =	vnsel vm0, $0x0, v0  }
0x5e: {  	s28 =	sshra.s32 s26, $0x2;
	s26 =	sadd.s32 $0x20, s26;
	[tilespmem:s25+$0x0] =	vst v0  }
0x5f: {  	v0 =	vld [tilespmem:s28+$0x9300];
	_ =	sdelay $0x4  }
0x60: {  	s25 =	sadd.s32 $0x80, s25;
	v0 =	vnsel vm0, $0x0, v0  }
0x61: {  	[tilespmem:s25+$0x0] =	vst v0  }
.LBB2_12:
0x62: {  	p2 =	seq.s32 s24, $0x0  }
.Ltmp9:
0x63: {  	_ = 	snop;
	(pc) =	sbr.rel @p2 .LBB2_19-.Ltmp9, $4  }
0x64: {  	s25 =	sshll.u32 s23, $0x7  }
0x65: {  	s25 =	sand.u32 $0x3FFFFF80, s25  }
0x66: {  	s25 =	sadd.s32 $0xFFFFFF80, s25  }
0x67: {  	[spmem:s2] =	stream.indirect.scatter.add.f32 [tilespmem:s13], [sflag:$0x4], $0x80, s25, s15, $0xb8;
	[tilespmem:$0x1CE80] =	vst v63  }
.LBB2_13:
.Ltmp10:
0x68: {  	p2 =	slt.u32 s23, $0x2;
	(pc) =	sbr.rel @!p1 .LBB2_14-.Ltmp10, $4  }
0x69: {  	s24 =	simm.s32 @!p2 $0x4  }
0x6a: {  	s25 =	smul.u32 $0x50, s23;
	_ =	swait.ge @!p2 [sflag:s24], $0x2800  }
0x6b: {  	[sflag:s24] =	ssyncset.done @!p2 $0x0  }
0x6c: {  	[sflag:s24] =	ssyncadd.s32 @!p2 $0xFFFFD800;
	s24 =	sadd.s32 s8, s25  }
0x6d: {  	s24 =	sadd.s32 s1, s24;
	s25 =	simm.s32 $0x0  }
0x6e: {  	[tilespmem:s16], [sflag:$0x2] =	stream.linear.gather [hbm4b:s24+s25], $0x280, $0x38;
	[tilespmem:$0x1CE80] =	vst v63  }
0x6f: {  	_ =	swait.ge [sflag:s14], $0x280  }
0x70: {  	[sflag:s14] =	ssyncset.done $0x0  }
0x71: {  	s31 =	simm.s32 $0x0;
	[sflag:s14] =	ssyncadd.s32 $0xFFFFFD80  }
0x72: {  	v0 =	vld [tilespmem:s31+$0x6800];
	_ =	sdelay $0x4  }
0x73: {  	s24 =	simm.s32 $0x4000;
	v0 =	vnsel vm0, $0x0, v0  }
0x74: {  	s26 =	simm.s32 $0x8;
	s25 =	simm.s32 $0x40;
	[tilespmem:s24+$0x0] =	vst v0  }
.LBB2_16:
0x75: {  	p2 =	sne.s32 s25, $0x9E0;
	v0 =	vld [tilespmem:s26+$0x6800];
	_ =	sdelay $0x1  }
.Ltmp11:
0x76: {  	(pc) =	sbr.rel @p2 .LBB2_16-.Ltmp11, $3  }
0x77: {  	_ =	sdelay $0x1  }
0x78: {  	s24 =	sadd.s32 $0x80, s24;
	v0 =	vnsel vm0, $0x0, v0  }
0x79: {  	s26 =	sshra.s32 s25, $0x2;
	s25 =	sadd.s32 $0x20, s25;
	[tilespmem:s24+$0x0] =	vst v0  }
0x7a: {  	v0 =	vld [tilespmem:s26+$0x6800];
	_ =	sdelay $0x1  }
.Ltmp12:
0x7b: {  	_ = 	snop;
	(pc) =	sbr.rel .LBB2_18-.Ltmp12, $3  }
0x7c: {  	_ =	sdelay $0x1  }
0x7d: {  	s24 =	sadd.s32 $0x80, s24;
	v0 =	vnsel vm0, $0x0, v0  }
0x7e: {  	[tilespmem:s24+$0x0] =	vst v0  }
.LBB2_20:
.Ltmp13:
0x7f: {  	(pc) =	sbr.rel @!p0 .LBB2_21-.Ltmp13, $1  }
0x80: {  	_ =	sdelay $0x3  }
0x81: {  	_ =	swait.ge [sflag:s14], $0x280  }
0x82: {  	[sflag:s14] =	ssyncset.done $0x0  }
0x83: {  	s23 =	simm.s32 $0x0;
	[sflag:s14] =	ssyncadd.s32 $0xFFFFFD80  }
0x84: {  	v0 =	vld [tilespmem:s23+$0x6800];
	_ =	sdelay $0x4  }
0x85: {  	s23 =	simm.s32 $0x4000;
	v0 =	vnsel vm0, $0x0, v0  }
0x86: {  	s25 =	simm.s32 $0x8;
	s24 =	simm.s32 $0x40;
	[tilespmem:s23+$0x0] =	vst v0  }
.LBB2_23:
0x87: {  	p2 =	sne.s32 s24, $0x9E0;
	v0 =	vld [tilespmem:s25+$0x6800];
	_ =	sdelay $0x1  }
.Ltmp14:
0x88: {  	(pc) =	sbr.rel @p2 .LBB2_23-.Ltmp14, $3  }
0x89: {  	_ =	sdelay $0x1  }
0x8a: {  	s23 =	sadd.s32 $0x80, s23;
	v0 =	vnsel vm0, $0x0, v0  }
0x8b: {  	s25 =	sshra.s32 s24, $0x2;
	s24 =	sadd.s32 $0x20, s24;
	[tilespmem:s23+$0x0] =	vst v0  }
0x8c: {  	v0 =	vld [tilespmem:s25+$0x6800];
	_ =	sdelay $0x1  }
.Ltmp15:
0x8d: {  	_ = 	snop;
	(pc) =	sbr.rel .LBB2_25-.Ltmp15, $3  }
0x8e: {  	_ =	sdelay $0x1  }
0x8f: {  	s23 =	sadd.s32 $0x80, s23;
	v0 =	vnsel vm0, $0x0, v0  }
0x90: {  	[tilespmem:s23+$0x0] =	vst v0  }
.LBB2_21:
0x91: {  	_ =	swait.ge [sflag:s14], $0x2800  }
0x92: {  	[sflag:s14] =	ssyncset.done $0x0  }
0x93: {  	[sflag:s14] =	ssyncadd.s32 $0xFFFFD800  }
.LBB2_25:
0x94: {  	[spmem:s2] =	stream.indirect.scatter.add.f32 [tilespmem:s12], [sflag:$0x3], $0x80, s17, s15, $0xb8;
	[tilespmem:$0x1CE80] =	vst v63  }
0x95: {  	_ =	swait.ge [sflag:s18], $0x2800  }
0x96: {  	[sflag:s18] =	ssyncset.done $0x0  }
0x97: {  	s23 =	simm.s32 $0x0;
	[sflag:s18] =	ssyncadd.s32 $0xFFFFD800  }
0x98: {  	s23 =	sand.u32 $0xF, s23;
	_ =	swait.ge [sflag:s19], $0x2800  }
0x99: {  	p2 =	sne.s32 s23, s3;
	[sflag:s19] =	ssyncset.done $0x0  }
0x9a: {  	s23 =	simm.s32 @!p2 $0x4000;
	[sflag:s19] =	ssyncadd.s32 $0xFFFFD800  }
0x9b: {  	s25 =	simm.s32 @!p2 $0x6;
	p2 =	por p2, p2;
	[bflag:$0x0] =	sbarrier.arrive $0xFFFF  }
0x9c: {  	[tilespmem:s23], [sflag:$0x6] =	stream.linear.gather @!p2 [spmem:s2], $0x2800, $0x38;
	[tilespmem:$0x1CE80] =	vst v63  }
0x9d: {  	s28 =	simm.s32 $0x1;
	_ =	swait.ge @!p2 [sflag:s25], $0x2800  }
0x9e: {  	s31 =	sand.u32 $0xF, s28;
	[sflag:s25] =	ssyncset.done @!p2 $0x0  }
0x9f: {  	s26 =	simm.s32 @!p2 $0x5;
	[sflag:s25] =	ssyncadd.s32 @!p2 $0xFFFFD800;
	s25 =	simm.s32 @!p2 $0x0  }
0xa0: {  	[hbm4b:s9+s25] =	stream.linear.scatter @!p2 [tilespmem:s23], [sflag:$0x5], $0x2800, $0x38;
	[tilespmem:$0x1CE80] =	vst v63  }
0xa1: {  	s24 =	simm.s32 $0x2;
	p3 =	sne.s32 s31, s3;
	_ =	swait.ge @!p2 [sflag:s26], $0x2800  }
0xa2: {  	s23 =	sadd.s32 $0x500, s9;
	s25 =	sadd.s32 $0x2800, s2;
	[sflag:s26] =	ssyncset.done @!p2 $0x0  }
.LBB2_26:
0xa3: {  	s28 =	simm.s32 @!p3 $0x4000;
	s29 =	simm.s32 @!p3 $0x6;
	[sflag:s26] =	ssyncadd.s32 @!p2 $0xFFFFD800  }
0xa4: {  	s30 =	smov.u32 s24;
	p2 =	por p3, p3;
	s24 =	sadd.s32 $0x1, s24  }
0xa5: {  	[tilespmem:s28], [sflag:$0x6] =	stream.linear.gather @!p2 [spmem:s25], $0x2800, $0x38;
	[tilespmem:$0x1CE80] =	vst v63  }
0xa6: {  	p4 =	sne.s32 s24, $0x7D;
	_ =	swait.ge @!p2 [sflag:s29], $0x2800  }
.Ltmp16:
0xa7: {  	[sflag:s29] =	ssyncset.done @!p2 $0x0;
	(pc) =	sbr.rel @p4 .LBB2_26-.Ltmp16, $4  }
0xa8: {  	s26 =	simm.s32 @!p2 $0x5;
	[sflag:s29] =	ssyncadd.s32 @!p2 $0xFFFFD800;
	s29 =	simm.s32 @!p2 $0x0  }
0xa9: {  	[hbm4b:s23+s29] =	stream.linear.scatter @!p2 [tilespmem:s28], [sflag:$0x5], $0x2800, $0x38;
	[tilespmem:$0x1CE80] =	vst v63  }
0xaa: {  	s28 =	sand.u32 $0xF, s30;
	s23 =	sadd.s32 $0x500, s23;
	_ =	swait.ge @!p2 [sflag:s26], $0x2800  }
0xab: {  	s25 =	sadd.s32 $0x2800, s25;
	p3 =	sne.s32 s28, s3;
	[sflag:s26] =	ssyncset.done @!p2 $0x0  }
0xac: {  	s24 =	simm.s32 @!p3 $0x4000  }
0xad: {  	s28 =	simm.s32 @!p3 $0x6;
	[sflag:s26] =	ssyncadd.s32 @!p2 $0xFFFFD800;
	p2 =	por p3, p3  }
0xae: {  	[tilespmem:s24], [sflag:$0x6] =	stream.linear.gather @!p2 [spmem:s25], $0x2800, $0x38;
	[tilespmem:$0x1CE80] =	vst v63  }
0xaf: {  	s22 =	sadd.s32 $0x1, s22;
	_ =	swait.ge @!p2 [sflag:s28], $0x2800  }
0xb0: {  	s25 =	simm.s32 @!p2 $0x0;
	p3 =	sne.s32 s22, s10;
	[sflag:s28] =	ssyncset.done @!p2 $0x0  }
.Ltmp17:
0xb1: {  	s26 =	simm.s32 @!p2 $0x5;
	[sflag:s28] =	ssyncadd.s32 @!p2 $0xFFFFD800;
	(pc) =	sbr.rel @p3 .LBB2_1-.Ltmp17, $4  }
0xb2: {  	[hbm4b:s23+s25] =	stream.linear.scatter @!p2 [tilespmem:s24], [sflag:$0x5], $0x2800, $0x38;
	[tilespmem:$0x1CE80] =	vst v63  }
0xb3: {  	_ =	swait.ge @!p2 [sflag:s26], $0x2800  }
0xb4: {  	[sflag:s26] =	ssyncset.done @!p2 $0x0  }
0xb5: {  	[sflag:s26] =	ssyncadd.s32 @!p2 $0xFFFFD800  }
0xb6: {  	_ =	sfence.sel $0x180000  }
0xb7: {  	[bflag:$0x0] =	sbarrier.arrive $0xFFFF  }
0xb8: {  	p0 =	sne.s32 s3, $0x0;
	_ =	strace $0x90000050  }
0xb9: {  	s0 =	sadd.s32 @!p0 $0x100000, s0;
	[bflag:$0x2] =	sbarrier.arrive $0xFFFF  }
0xba: {  	[sflag:s0] =	ssyncadd.tile.s32 @!p0 $0x1;
	_ =	shalt  }
.Lfunc_end2:
_tile_overlayer_lowered:
.L_overlay_start_2:
0xbb: {  	(tag) =	ssettag $0x2  }
0xbc: {  	s0 =	rddreg [dreg:$0x0];
	s2 =	stileid.u32  }
0xbd: {  	s1 =	rddreg [dreg:$0x1];
	p0 =	sne.s32 s2, $0x0  }
0xbe: {  	s3 =	rddreg [dreg:$0x2];
	[bflag:$0x3] =	sbarrier.arrive $0xFFFF;
	s2 =	simm.s32 @!p0 $0x1C05  }
0xbf: {  	[timem:s3], [sflag:s2] =	dma.local @!p0 [hbm:s0], s1  }
0xc0: {  	s0 =	simm.s32 @!p0 $0x5  }
0xc1: {  	_ =	swait.ge @!p0 [sflag:s0], s1  }
0xc2: {  	s1 =	ssub.s32 @!p0 $0x0, s1;
	[sflag:s0] =	ssyncset.done @!p0 $0x0  }
0xc3: {  	[sflag:s0] =	ssyncadd.s32 @!p0 s1  }
0xc4: {  	[bflag:$0x3] =	sbarrier.arrive $0xFFFF  }
0xc5: {  	_ =	shalt  }

</sc_bundles>
